<compile_context>
chip_gen: v7x
topology: tpu7x:2x2x1
jax: 0.10.2.dev20260603
libtpu: 0.0.44.dev20260713+nightly
codegen_flags: <defaults>
</compile_context>

<pallas_src>
import functools

import jax
import jax.numpy as jnp
from jax import lax
from jax.experimental import pallas as pl
from jax.experimental.pallas import tpu as pltpu
from jax.experimental.pallas import tpu_sc as plsc

NC, NS, L = 2, 16, 16
NW = NC * NS
BATCH, HIST, D = 16384, 50, 128
B = BATCH * HIST
BPWB = BATCH // NW
CHB = 8
LOOK = CHB * HIST
NCHUNK = BPWB // CHB
NBUF = 2
ROUNDS = NCHUNK // NBUF


def _body(xs_hbm, ys_hbm, zs_hbm, table_hbm, out_hbm,
          cx_v, cy_v, cz_v, idx_v, rows_v, *sems):
    csem = sems[0:NBUF]
    gsem = sems[NBUF:2 * NBUF]
    osem = sems[2 * NBUF:3 * NBUF]
    wid = lax.axis_index("s") * NC + lax.axis_index("c")
    batch0 = wid * BPWB
    i0 = wid * BPWB * HIST

    def fire_coords(g, b):
        s = pl.ds(i0 + g * LOOK, LOOK)
        d = pl.ds(b * LOOK, LOOK)
        pltpu.async_copy(xs_hbm.at[s], cx_v.at[d], csem[b])
        pltpu.async_copy(ys_hbm.at[s], cy_v.at[d], csem[b])
        pltpu.async_copy(zs_hbm.at[s], cz_v.at[d], csem[b])

    def wait_coords(b):
        d = pl.ds(b * LOOK, LOOK)
        for ref in (cx_v, cy_v, cz_v):
            pltpu.make_async_copy(xs_hbm.at[pl.ds(0, LOOK)], ref.at[d],
                                  csem[b]).wait()

    _OFFS = [16 * j for j in range(LOOK // L)]

    def compute_idx(b):
        for o in _OFFS:
            s = pl.ds(b * LOOK + o, L)
            idx_v[s] = (cx_v[s] * 16 + cy_v[s]) * 16 + cz_v[s]

    _GS = [(k * 128, min(128, LOOK - k * 128)) for k in range((LOOK + 127) // 128)]

    def fire_gather(b):
        for o, n in _GS:
            pltpu.async_copy(table_hbm.at[idx_v.at[pl.ds(b * LOOK + o, n)]],
                             rows_v.at[b, pl.ds(o, n), :], gsem[b])

    def wait_gather(b):
        for o, n in _GS:
            pltpu.make_async_copy(table_hbm.at[idx_v.at[pl.ds(b * LOOK + o, n)]],
                                  rows_v.at[b, pl.ds(o, n), :], gsem[b]).wait()

    def fire_out(g, b):
        for m in range(CHB):
            pltpu.async_copy(rows_v.at[b, pl.ds(m * HIST, HIST), :],
                             out_hbm.at[batch0 + g * CHB + m], osem[b])

    def wait_out(b):
        for m in range(CHB):
            pltpu.make_async_copy(rows_v.at[b, pl.ds(m * HIST, HIST), :],
                                  out_hbm.at[batch0], osem[b]).wait()

    for b in range(NBUF):
        fire_coords(b, b)

    def round_body(r, carry):
        for b in range(NBUF):
            g = r * NBUF + b
            wait_coords(b)
            compute_idx(b)

            @pl.when(r > 0)
            def _():
                wait_out(b)

            fire_gather(b)
            pb = (b - 1) % NBUF
            if b > 0:
                wait_gather(pb)
                fire_out(g - 1, pb)
            else:
                @pl.when(r > 0)
                def _():
                    wait_gather(pb)
                    fire_out(g - 1, pb)

            @pl.when(r < ROUNDS - 1)
            def _():
                fire_coords(g + NBUF, b)
        return carry

    lax.fori_loop(0, ROUNDS, round_body, 0)

    bl = (NCHUNK - 1) % NBUF
    wait_gather(bl)
    for m in range(CHB):
        pltpu.sync_copy(rows_v.at[bl, pl.ds(m * HIST, HIST), :],
                        out_hbm.at[batch0 + (NCHUNK - 1) * CHB + m])
    for b in range(NBUF):
        if b != bl:
            wait_out(b)


_gather = functools.partial(
    pl.kernel,
    out_type=jax.ShapeDtypeStruct((BATCH, HIST, D), jnp.float32),
    mesh=plsc.VectorSubcoreMesh(core_axis_name="c", subcore_axis_name="s"),
    scratch_types=(
        [
            pltpu.VMEM((NBUF * LOOK,), jnp.int32),
            pltpu.VMEM((NBUF * LOOK,), jnp.int32),
            pltpu.VMEM((NBUF * LOOK,), jnp.int32),
            pltpu.VMEM((NBUF * LOOK,), jnp.int32),
            pltpu.VMEM((NBUF, LOOK, D), jnp.float32),
        ]
        + [pltpu.SemaphoreType.DMA] * (3 * NBUF)
    ),
)(_body)


@jax.jit
def kernel(input, table):
    flat = input.reshape(B, 3)
    xs = flat[:, 0].reshape(B)
    ys = flat[:, 1].reshape(B)
    zs = flat[:, 2].reshape(B)
    return _gather(xs, ys, zs, table)

# --- scband reference (transcript-rebuilt; emitter-appended) ---
"""Pipeline reference for scband-int-embedding-27625229648020 (READ-ONLY COPY).

The authoritative reference and input builder live on the scoring server;
editing this copy changes nothing except your own understanding.
"""

import jax, jax.numpy as jnp
import numpy as np


def setup_inputs(seed: int = 0) -> dict:
    key = jax.random.key(seed)
    k1, k2 = jax.random.split(key)
    # input: int coordinates in [0, 16), shape [batch, hist_len, input_dim=3]
    inp = jax.random.randint(k1, (16384, 50, 3), 0, 16, dtype=jnp.int32)
    # embedding table: (16 - 0) ** 3 = 4096 rows, embedding_dim = 128
    table = jax.random.normal(k2, (4096, 128), dtype=jnp.float32)
    return {"input": inp, "table": table}


def reference(input, table):
    # value_range = (0, 16) so input - value_range[0] is a no-op
    x = input[..., 0]
    y = input[..., 1]
    z = input[..., 2]
    # input_dim == 3 branch: index = ((x * 16 + y) * 16 + z)
    index = (x * 16 + y) * 16 + z
    rv = jnp.take(table, index, axis=0)
    # attach_input=False, concat_input=False -> return embedding directly
    return rv

if __name__ == "__main__":
    import jax
    _d = setup_inputs()
    print(jax.jit(kernel)(*tuple(_d.values())))

</pallas_src>

<mosaic_0001>
#map = affine_map<(d0, d1) -> (0)>
#map1 = affine_map<(d0, d1) -> (0, 0)>
#map2 = affine_map<(d0, d1) -> (0, 0, 0)>
module attributes {stable_mosaic.version = 14 : i64} {
  func.func @_body(%arg0: i32, %arg1: i32, %arg2: memref<819200xi32, #tpu.memory_space<hbm>>, %arg3: memref<819200xi32, #tpu.memory_space<hbm>>, %arg4: memref<819200xi32, #tpu.memory_space<hbm>>, %arg5: memref<4096x128xf32, #tpu.memory_space<hbm>>, %arg6: memref<16384x50x128xf32, #tpu.memory_space<hbm>>, %arg7: memref<800xi32, #tpu.memory_space<vmem>>, %arg8: memref<800xi32, #tpu.memory_space<vmem>>, %arg9: memref<800xi32, #tpu.memory_space<vmem>>, %arg10: memref<800xi32, #tpu.memory_space<vmem>>, %arg11: memref<2x400x128xf32, #tpu.memory_space<vmem>>, %arg12: memref<!tpu.dma_semaphore, #tpu.memory_space<semaphore_mem>>, %arg13: memref<!tpu.dma_semaphore, #tpu.memory_space<semaphore_mem>>, %arg14: memref<!tpu.dma_semaphore, #tpu.memory_space<semaphore_mem>>, %arg15: memref<!tpu.dma_semaphore, #tpu.memory_space<semaphore_mem>>, %arg16: memref<!tpu.dma_semaphore, #tpu.memory_space<semaphore_mem>>, %arg17: memref<!tpu.dma_semaphore, #tpu.memory_space<semaphore_mem>>) attributes {dimension_semantics = [#tpu.dimension_semantics<core_parallel>, #tpu.dimension_semantics<subcore_parallel>], iteration_bounds = array<i64: 2, 16>, scalar_prefetch = 0 : i64, scratch_operands = 11 : i64, tpu.core_type = #tpu.core_type<sc_vector_subcore>, window_params = [{transform_indices = #map}, {transform_indices = #map}, {transform_indices = #map}, {transform_indices = #map1}, {transform_indices = #map2}]} {
    %mul3A = arith.constant 2 : i32
    %mul3A_0 = arith.muli %arg1, %mul3A : i32
    %add3A = arith.addi %mul3A_0, %arg0 : i32
    %mul3A_1 = arith.constant 512 : i32
    %mul3A_2 = arith.muli %add3A, %mul3A_1 : i32
    %mul3A_3 = arith.constant 512 : i32
    %mul3A_4 = arith.muli %add3A, %mul3A_3 : i32
    %mul3A_5 = arith.constant 50 : i32
    %mul3A_6 = arith.muli %mul3A_4, %mul3A_5 : i32
    %add3A_7 = arith.constant 0 : i32
    %add3A_8 = arith.addi %mul3A_6, %add3A_7 : i32
    %dma_start3A = arith.constant 0 : i32
    %dma_start3A_9 = tpu.memref_slice %arg7[%dma_start3A] : memref<800xi32, #tpu.memory_space<vmem>> -> memref<400xi32, #tpu.memory_space<vmem>>
    %dma_start3A_10 = tpu.memref_slice %arg2[%add3A_8] : memref<819200xi32, #tpu.memory_space<hbm>> -> memref<400xi32, #tpu.memory_space<hbm>>
    %dma_start3A_11 = arith.constant 0 : i32
    %dma_start3A_12 = tpu.memref_slice %arg7[%dma_start3A_11] : memref<800xi32, #tpu.memory_space<vmem>> -> memref<400xi32, #tpu.memory_space<vmem>>
    %dma_start3A_13 = tpu.memref_slice %arg2[%add3A_8] : memref<819200xi32, #tpu.memory_space<hbm>> -> memref<400xi32, #tpu.memory_space<hbm>>
    tpu.enqueue_dma source(%dma_start3A_13 : memref<400xi32, #tpu.memory_space<hbm>>) target(%dma_start3A_12 : memref<400xi32, #tpu.memory_space<vmem>>) target_semaphore(%arg12 : memref<!tpu.dma_semaphore, #tpu.memory_space<semaphore_mem>>)
    %dma_start3A_14 = arith.constant 0 : i32
    %dma_start3A_15 = tpu.memref_slice %arg8[%dma_start3A_14] : memref<800xi32, #tpu.memory_space<vmem>> -> memref<400xi32, #tpu.memory_space<vmem>>
    %dma_start3A_16 = tpu.memref_slice %arg3[%add3A_8] : memref<819200xi32, #tpu.memory_space<hbm>> -> memref<400xi32, #tpu.memory_space<hbm>>
    %dma_start3A_17 = arith.constant 0 : i32
    %dma_start3A_18 = tpu.memref_slice %arg8[%dma_start3A_17] : memref<800xi32, #tpu.memory_space<vmem>> -> memref<400xi32, #tpu.memory_space<vmem>>
    %dma_start3A_19 = tpu.memref_slice %arg3[%add3A_8] : memref<819200xi32, #tpu.memory_space<hbm>> -> memref<400xi32, #tpu.memory_space<hbm>>
    tpu.enqueue_dma source(%dma_start3A_19 : memref<400xi32, #tpu.memory_space<hbm>>) target(%dma_start3A_18 : memref<400xi32, #tpu.memory_space<vmem>>) target_semaphore(%arg12 : memref<!tpu.dma_semaphore, #tpu.memory_space<semaphore_mem>>)
    %dma_start3A_20 = arith.constant 0 : i32
    %dma_start3A_21 = tpu.memref_slice %arg9[%dma_start3A_20] : memref<800xi32, #tpu.memory_space<vmem>> -> memref<400xi32, #tpu.memory_space<vmem>>
    %dma_start3A_22 = tpu.memref_slice %arg4[%add3A_8] : memref<819200xi32, #tpu.memory_space<hbm>> -> memref<400xi32, #tpu.memory_space<hbm>>
    %dma_start3A_23 = arith.constant 0 : i32
    %dma_start3A_24 = tpu.memref_slice %arg9[%dma_start3A_23] : memref<800xi32, #tpu.memory_space<vmem>> -> memref<400xi32, #tpu.memory_space<vmem>>
    %dma_start3A_25 = tpu.memref_slice %arg4[%add3A_8] : memref<819200xi32, #tpu.memory_space<hbm>> -> memref<400xi32, #tpu.memory_space<hbm>>
    tpu.enqueue_dma source(%dma_start3A_25 : memref<400xi32, #tpu.memory_space<hbm>>) target(%dma_start3A_24 : memref<400xi32, #tpu.memory_space<vmem>>) target_semaphore(%arg12 : memref<!tpu.dma_semaphore, #tpu.memory_space<semaphore_mem>>)
    %add3A_26 = arith.constant 400 : i32
    %add3A_27 = arith.addi %mul3A_6, %add3A_26 : i32
    %dma_start3A_28 = arith.constant 400 : i32
    %dma_start3A_29 = tpu.memref_slice %arg7[%dma_start3A_28] : memref<800xi32, #tpu.memory_space<vmem>> -> memref<400xi32, #tpu.memory_space<vmem>>
    %dma_start3A_30 = tpu.memref_slice %arg2[%add3A_27] : memref<819200xi32, #tpu.memory_space<hbm>> -> memref<400xi32, #tpu.memory_space<hbm>>
    %dma_start3A_31 = arith.constant 400 : i32
    %dma_start3A_32 = tpu.memref_slice %arg7[%dma_start3A_31] : memref<800xi32, #tpu.memory_space<vmem>> -> memref<400xi32, #tpu.memory_space<vmem>>
    %dma_start3A_33 = tpu.memref_slice %arg2[%add3A_27] : memref<819200xi32, #tpu.memory_space<hbm>> -> memref<400xi32, #tpu.memory_space<hbm>>
    tpu.enqueue_dma source(%dma_start3A_33 : memref<400xi32, #tpu.memory_space<hbm>>) target(%dma_start3A_32 : memref<400xi32, #tpu.memory_space<vmem>>) target_semaphore(%arg13 : memref<!tpu.dma_semaphore, #tpu.memory_space<semaphore_mem>>)
    %dma_start3A_34 = arith.constant 400 : i32
    %dma_start3A_35 = tpu.memref_slice %arg8[%dma_start3A_34] : memref<800xi32, #tpu.memory_space<vmem>> -> memref<400xi32, #tpu.memory_space<vmem>>
    %dma_start3A_36 = tpu.memref_slice %arg3[%add3A_27] : memref<819200xi32, #tpu.memory_space<hbm>> -> memref<400xi32, #tpu.memory_space<hbm>>
    %dma_start3A_37 = arith.constant 400 : i32
    %dma_start3A_38 = tpu.memref_slice %arg8[%dma_start3A_37] : memref<800xi32, #tpu.memory_space<vmem>> -> memref<400xi32, #tpu.memory_space<vmem>>
    %dma_start3A_39 = tpu.memref_slice %arg3[%add3A_27] : memref<819200xi32, #tpu.memory_space<hbm>> -> memref<400xi32, #tpu.memory_space<hbm>>
    tpu.enqueue_dma source(%dma_start3A_39 : memref<400xi32, #tpu.memory_space<hbm>>) target(%dma_start3A_38 : memref<400xi32, #tpu.memory_space<vmem>>) target_semaphore(%arg13 : memref<!tpu.dma_semaphore, #tpu.memory_space<semaphore_mem>>)
    %dma_start3A_40 = arith.constant 400 : i32
    %dma_start3A_41 = tpu.memref_slice %arg9[%dma_start3A_40] : memref<800xi32, #tpu.memory_space<vmem>> -> memref<400xi32, #tpu.memory_space<vmem>>
    %dma_start3A_42 = tpu.memref_slice %arg4[%add3A_27] : memref<819200xi32, #tpu.memory_space<hbm>> -> memref<400xi32, #tpu.memory_space<hbm>>
    %dma_start3A_43 = arith.constant 400 : i32
    %dma_start3A_44 = tpu.memref_slice %arg9[%dma_start3A_43] : memref<800xi32, #tpu.memory_space<vmem>> -> memref<400xi32, #tpu.memory_space<vmem>>
    %dma_start3A_45 = tpu.memref_slice %arg4[%add3A_27] : memref<819200xi32, #tpu.memory_space<hbm>> -> memref<400xi32, #tpu.memory_space<hbm>>
    tpu.enqueue_dma source(%dma_start3A_45 : memref<400xi32, #tpu.memory_space<hbm>>) target(%dma_start3A_44 : memref<400xi32, #tpu.memory_space<vmem>>) target_semaphore(%arg13 : memref<!tpu.dma_semaphore, #tpu.memory_space<semaphore_mem>>)
    %scan3A = arith.constant 0 : i32
    %scan3A_46 = arith.constant 0 : i32
    %scan3A_47 = arith.constant 32 : i32
    %scan3A_48 = arith.addi %scan3A_46, %scan3A_47 : i32
    %scan3A_49 = arith.constant 1 : i32
    scf.for %scan3A_265 = %scan3A_46 to %scan3A_48 step %scan3A_49  : i32 {
      %mul3A_266 = arith.constant 2 : i32
      %mul3A_267 = arith.muli %scan3A_265, %mul3A_266 : i32
      %add3A_268 = arith.constant 0 : i32
      %add3A_269 = arith.addi %mul3A_267, %add3A_268 : i32
      %dma_wait3A_270 = arith.constant 0 : i32
      %dma_wait3A_271 = tpu.memref_slice %arg7[%dma_wait3A_270] : memref<800xi32, #tpu.memory_space<vmem>> -> memref<400xi32, #tpu.memory_space<vmem>>
      %dma_wait3A_272 = arith.constant 0 : i32
      %dma_wait3A_273 = tpu.memref_slice %arg2[%dma_wait3A_272] : memref<819200xi32, #tpu.memory_space<hbm>> -> memref<400xi32, #tpu.memory_space<hbm>>
      %dma_wait3A_274 = arith.constant 0 : i32
      %dma_wait3A_275 = tpu.memref_slice %arg7[%dma_wait3A_274] : memref<800xi32, #tpu.memory_space<vmem>> -> memref<400xi32, #tpu.memory_space<vmem>>
      %dma_wait3A_276 = arith.constant 0 : i32
      %dma_wait3A_277 = tpu.memref_slice %arg2[%dma_wait3A_276] : memref<819200xi32, #tpu.memory_space<hbm>> -> memref<400xi32, #tpu.memory_space<hbm>>
      tpu.wait_dma2 semaphore(%arg12 : memref<!tpu.dma_semaphore, #tpu.memory_space<semaphore_mem>>) src(%dma_wait3A_277 : memref<400xi32, #tpu.memory_space<hbm>>) dst(%dma_wait3A_275 : memref<400xi32, #tpu.memory_space<vmem>>)
      %dma_wait3A_278 = arith.constant 0 : i32
      %dma_wait3A_279 = tpu.memref_slice %arg8[%dma_wait3A_278] : memref<800xi32, #tpu.memory_space<vmem>> -> memref<400xi32, #tpu.memory_space<vmem>>
      %dma_wait3A_280 = arith.constant 0 : i32
      %dma_wait3A_281 = tpu.memref_slice %arg2[%dma_wait3A_280] : memref<819200xi32, #tpu.memory_space<hbm>> -> memref<400xi32, #tpu.memory_space<hbm>>
      %dma_wait3A_282 = arith.constant 0 : i32
      %dma_wait3A_283 = tpu.memref_slice %arg8[%dma_wait3A_282] : memref<800xi32, #tpu.memory_space<vmem>> -> memref<400xi32, #tpu.memory_space<vmem>>
      %dma_wait3A_284 = arith.constant 0 : i32
      %dma_wait3A_285 = tpu.memref_slice %arg2[%dma_wait3A_284] : memref<819200xi32, #tpu.memory_space<hbm>> -> memref<400xi32, #tpu.memory_space<hbm>>
      tpu.wait_dma2 semaphore(%arg12 : memref<!tpu.dma_semaphore, #tpu.memory_space<semaphore_mem>>) src(%dma_wait3A_285 : memref<400xi32, #tpu.memory_space<hbm>>) dst(%dma_wait3A_283 : memref<400xi32, #tpu.memory_space<vmem>>)
      %dma_wait3A_286 = arith.constant 0 : i32
      %dma_wait3A_287 = tpu.memref_slice %arg9[%dma_wait3A_286] : memref<800xi32, #tpu.memory_space<vmem>> -> memref<400xi32, #tpu.memory_space<vmem>>
      %dma_wait3A_288 = arith.constant 0 : i32
      %dma_wait3A_289 = tpu.memref_slice %arg2[%dma_wait3A_288] : memref<819200xi32, #tpu.memory_space<hbm>> -> memref<400xi32, #tpu.memory_space<hbm>>
      %dma_wait3A_290 = arith.constant 0 : i32
      %dma_wait3A_291 = tpu.memref_slice %arg9[%dma_wait3A_290] : memref<800xi32, #tpu.memory_space<vmem>> -> memref<400xi32, #tpu.memory_space<vmem>>
      %dma_wait3A_292 = arith.constant 0 : i32
      %dma_wait3A_293 = tpu.memref_slice %arg2[%dma_wait3A_292] : memref<819200xi32, #tpu.memory_space<hbm>> -> memref<400xi32, #tpu.memory_space<hbm>>
      tpu.wait_dma2 semaphore(%arg12 : memref<!tpu.dma_semaphore, #tpu.memory_space<semaphore_mem>>) src(%dma_wait3A_293 : memref<400xi32, #tpu.memory_space<hbm>>) dst(%dma_wait3A_291 : memref<400xi32, #tpu.memory_space<vmem>>)
      %get3A = arith.constant 0 : index
      %get3A_294 = tpu.vector_load %arg7[%get3A] {strides = array<i32>} : memref<800xi32, #tpu.memory_space<vmem>>, vector<16xi32>,
      %get3A_295 = vector.shape_cast %get3A_294 : vector<16xi32> to vector<16xi32>
      %mul3A_296 = arith.constant 16 : i32
      %mul3A_297 = vector.broadcast %mul3A_296 : i32 to vector<16xi32>
      %mul3A_298 = arith.muli %get3A_295, %mul3A_297 : vector<16xi32>
      %get3A_299 = arith.constant 0 : index
      %get3A_300 = tpu.vector_load %arg8[%get3A_299] {strides = array<i32>} : memref<800xi32, #tpu.memory_space<vmem>>, vector<16xi32>,
      %get3A_301 = vector.shape_cast %get3A_300 : vector<16xi32> to vector<16xi32>
      %add3A_302 = arith.addi %mul3A_298, %get3A_301 : vector<16xi32>
      %mul3A_303 = arith.constant 16 : i32
      %mul3A_304 = vector.broadcast %mul3A_303 : i32 to vector<16xi32>
      %mul3A_305 = arith.muli %add3A_302, %mul3A_304 : vector<16xi32>
      %get3A_306 = arith.constant 0 : index
      %get3A_307 = tpu.vector_load %arg9[%get3A_306] {strides = array<i32>} : memref<800xi32, #tpu.memory_space<vmem>>, vector<16xi32>,
      %get3A_308 = vector.shape_cast %get3A_307 : vector<16xi32> to vector<16xi32>
      %add3A_309 = arith.addi %mul3A_305, %get3A_308 : vector<16xi32>
      %swap3A = arith.constant 0 : index
      %swap3A_310 = tpu.vector_load %arg10[%swap3A] {strides = array<i32>} : memref<800xi32, #tpu.memory_space<vmem>>, vector<16xi32>,
      %swap3A_311 = vector.shape_cast %swap3A_310 : vector<16xi32> to vector<16xi32>
      %swap3A_312 = vector.shape_cast %add3A_309 : vector<16xi32> to vector<16xi32>
      tpu.vector_store %arg10[%swap3A], %swap3A_312 {strides = array<i32>} : memref<800xi32, #tpu.memory_space<vmem>>, vector<16xi32>,
      %get3A_313 = arith.constant 16 : index
      %get3A_314 = tpu.vector_load %arg7[%get3A_313] {strides = array<i32>} : memref<800xi32, #tpu.memory_space<vmem>>, vector<16xi32>,
      %get3A_315 = vector.shape_cast %get3A_314 : vector<16xi32> to vector<16xi32>
      %mul3A_316 = arith.constant 16 : i32
      %mul3A_317 = vector.broadcast %mul3A_316 : i32 to vector<16xi32>
      %mul3A_318 = arith.muli %get3A_315, %mul3A_317 : vector<16xi32>
      %get3A_319 = arith.constant 16 : index
      %get3A_320 = tpu.vector_load %arg8[%get3A_319] {strides = array<i32>} : memref<800xi32, #tpu.memory_space<vmem>>, vector<16xi32>,
      %get3A_321 = vector.shape_cast %get3A_320 : vector<16xi32> to vector<16xi32>
      %add3A_322 = arith.addi %mul3A_318, %get3A_321 : vector<16xi32>
      %mul3A_323 = arith.constant 16 : i32
      %mul3A_324 = vector.broadcast %mul3A_323 : i32 to vector<16xi32>
      %mul3A_325 = arith.muli %add3A_322, %mul3A_324 : vector<16xi32>
      %get3A_326 = arith.constant 16 : index
      %get3A_327 = tpu.vector_load %arg9[%get3A_326] {strides = array<i32>} : memref<800xi32, #tpu.memory_space<vmem>>, vector<16xi32>,
      %get3A_328 = vector.shape_cast %get3A_327 : vector<16xi32> to vector<16xi32>
      %add3A_329 = arith.addi %mul3A_325, %get3A_328 : vector<16xi32>
      %swap3A_330 = arith.constant 16 : index
      %swap3A_331 = tpu.vector_load %arg10[%swap3A_330] {strides = array<i32>} : memref<800xi32, #tpu.memory_space<vmem>>, vector<16xi32>,
      %swap3A_332 = vector.shape_cast %swap3A_331 : vector<16xi32> to vector<16xi32>
      %swap3A_333 = vector.shape_cast %add3A_329 : vector<16xi32> to vector<16xi32>
      tpu.vector_store %arg10[%swap3A_330], %swap3A_333 {strides = array<i32>} : memref<800xi32, #tpu.memory_space<vmem>>, vector<16xi32>,
      %get3A_334 = arith.constant 32 : index
      %get3A_335 = tpu.vector_load %arg7[%get3A_334] {strides = array<i32>} : memref<800xi32, #tpu.memory_space<vmem>>, vector<16xi32>,
      %get3A_336 = vector.shape_cast %get3A_335 : vector<16xi32> to vector<16xi32>
      %mul3A_337 = arith.constant 16 : i32
      %mul3A_338 = vector.broadcast %mul3A_337 : i32 to vector<16xi32>
      %mul3A_339 = arith.muli %get3A_336, %mul3A_338 : vector<16xi32>
      %get3A_340 = arith.constant 32 : index
      %get3A_341 = tpu.vector_load %arg8[%get3A_340] {strides = array<i32>} : memref<800xi32, #tpu.memory_space<vmem>>, vector<16xi32>,
      %get3A_342 = vector.shape_cast %get3A_341 : vector<16xi32> to vector<16xi32>
      %add3A_343 = arith.addi %mul3A_339, %get3A_342 : vector<16xi32>
      %mul3A_344 = arith.constant 16 : i32
      %mul3A_345 = vector.broadcast %mul3A_344 : i32 to vector<16xi32>
      %mul3A_346 = arith.muli %add3A_343, %mul3A_345 : vector<16xi32>
      %get3A_347 = arith.constant 32 : index
      %get3A_348 = tpu.vector_load %arg9[%get3A_347] {strides = array<i32>} : memref<800xi32, #tpu.memory_space<vmem>>, vector<16xi32>,
      %get3A_349 = vector.shape_cast %get3A_348 : vector<16xi32> to vector<16xi32>
      %add3A_350 = arith.addi %mul3A_346, %get3A_349 : vector<16xi32>
      %swap3A_351 = arith.constant 32 : index
      %swap3A_352 = tpu.vector_load %arg10[%swap3A_351] {strides = array<i32>} : memref<800xi32, #tpu.memory_space<vmem>>, vector<16xi32>,
      %swap3A_353 = vector.shape_cast %swap3A_352 : vector<16xi32> to vector<16xi32>
      %swap3A_354 = vector.shape_cast %add3A_350 : vector<16xi32> to vector<16xi32>
      tpu.vector_store %arg10[%swap3A_351], %swap3A_354 {strides = array<i32>} : memref<800xi32, #tpu.memory_space<vmem>>, vector<16xi32>,
      %get3A_355 = arith.constant 48 : index
      %get3A_356 = tpu.vector_load %arg7[%get3A_355] {strides = array<i32>} : memref<800xi32, #tpu.memory_space<vmem>>, vector<16xi32>,
      %get3A_357 = vector.shape_cast %get3A_356 : vector<16xi32> to vector<16xi32>
      %mul3A_358 = arith.constant 16 : i32
      %mul3A_359 = vector.broadcast %mul3A_358 : i32 to vector<16xi32>
      %mul3A_360 = arith.muli %get3A_357, %mul3A_359 : vector<16xi32>
      %get3A_361 = arith.constant 48 : index
      %get3A_362 = tpu.vector_load %arg8[%get3A_361] {strides = array<i32>} : memref<800xi32, #tpu.memory_space<vmem>>, vector<16xi32>,
      %get3A_363 = vector.shape_cast %get3A_362 : vector<16xi32> to vector<16xi32>
      %add3A_364 = arith.addi %mul3A_360, %get3A_363 : vector<16xi32>
      %mul3A_365 = arith.constant 16 : i32
      %mul3A_366 = vector.broadcast %mul3A_365 : i32 to vector<16xi32>
      %mul3A_367 = arith.muli %add3A_364, %mul3A_366 : vector<16xi32>
      %get3A_368 = arith.constant 48 : index
      %get3A_369 = tpu.vector_load %arg9[%get3A_368] {strides = array<i32>} : memref<800xi32, #tpu.memory_space<vmem>>, vector<16xi32>,
      %get3A_370 = vector.shape_cast %get3A_369 : vector<16xi32> to vector<16xi32>
      %add3A_371 = arith.addi %mul3A_367, %get3A_370 : vector<16xi32>
      %swap3A_372 = arith.constant 48 : index
      %swap3A_373 = tpu.vector_load %arg10[%swap3A_372] {strides = array<i32>} : memref<800xi32, #tpu.memory_space<vmem>>, vector<16xi32>,
      %swap3A_374 = vector.shape_cast %swap3A_373 : vector<16xi32> to vector<16xi32>
      %swap3A_375 = vector.shape_cast %add3A_371 : vector<16xi32> to vector<16xi32>
      tpu.vector_store %arg10[%swap3A_372], %swap3A_375 {strides = array<i32>} : memref<800xi32, #tpu.memory_space<vmem>>, vector<16xi32>,
      %get3A_376 = arith.constant 64 : index
      %get3A_377 = tpu.vector_load %arg7[%get3A_376] {strides = array<i32>} : memref<800xi32, #tpu.memory_space<vmem>>, vector<16xi32>,
      %get3A_378 = vector.shape_cast %get3A_377 : vector<16xi32> to vector<16xi32>
      %mul3A_379 = arith.constant 16 : i32
      %mul3A_380 = vector.broadcast %mul3A_379 : i32 to vector<16xi32>
      %mul3A_381 = arith.muli %get3A_378, %mul3A_380 : vector<16xi32>
      %get3A_382 = arith.constant 64 : index
      %get3A_383 = tpu.vector_load %arg8[%get3A_382] {strides = array<i32>} : memref<800xi32, #tpu.memory_space<vmem>>, vector<16xi32>,
      %get3A_384 = vector.shape_cast %get3A_383 : vector<16xi32> to vector<16xi32>
      %add3A_385 = arith.addi %mul3A_381, %get3A_384 : vector<16xi32>
      %mul3A_386 = arith.constant 16 : i32
      %mul3A_387 = vector.broadcast %mul3A_386 : i32 to vector<16xi32>
      %mul3A_388 = arith.muli %add3A_385, %mul3A_387 : vector<16xi32>
      %get3A_389 = arith.constant 64 : index
      %get3A_390 = tpu.vector_load %arg9[%get3A_389] {strides = array<i32>} : memref<800xi32, #tpu.memory_space<vmem>>, vector<16xi32>,
      %get3A_391 = vector.shape_cast %get3A_390 : vector<16xi32> to vector<16xi32>
      %add3A_392 = arith.addi %mul3A_388, %get3A_391 : vector<16xi32>
      %swap3A_393 = arith.constant 64 : index
      %swap3A_394 = tpu.vector_load %arg10[%swap3A_393] {strides = array<i32>} : memref<800xi32, #tpu.memory_space<vmem>>, vector<16xi32>,
      %swap3A_395 = vector.shape_cast %swap3A_394 : vector<16xi32> to vector<16xi32>
      %swap3A_396 = vector.shape_cast %add3A_392 : vector<16xi32> to vector<16xi32>
      tpu.vector_store %arg10[%swap3A_393], %swap3A_396 {strides = array<i32>} : memref<800xi32, #tpu.memory_space<vmem>>, vector<16xi32>,
      %get3A_397 = arith.constant 80 : index
      %get3A_398 = tpu.vector_load %arg7[%get3A_397] {strides = array<i32>} : memref<800xi32, #tpu.memory_space<vmem>>, vector<16xi32>,
      %get3A_399 = vector.shape_cast %get3A_398 : vector<16xi32> to vector<16xi32>
      %mul3A_400 = arith.constant 16 : i32
      %mul3A_401 = vector.broadcast %mul3A_400 : i32 to vector<16xi32>
      %mul3A_402 = arith.muli %get3A_399, %mul3A_401 : vector<16xi32>
      %get3A_403 = arith.constant 80 : index
      %get3A_404 = tpu.vector_load %arg8[%get3A_403] {strides = array<i32>} : memref<800xi32, #tpu.memory_space<vmem>>, vector<16xi32>,
      %get3A_405 = vector.shape_cast %get3A_404 : vector<16xi32> to vector<16xi32>
      %add3A_406 = arith.addi %mul3A_402, %get3A_405 : vector<16xi32>
      %mul3A_407 = arith.constant 16 : i32
      %mul3A_408 = vector.broadcast %mul3A_407 : i32 to vector<16xi32>
      %mul3A_409 = arith.muli %add3A_406, %mul3A_408 : vector<16xi32>
      %get3A_410 = arith.constant 80 : index
      %get3A_411 = tpu.vector_load %arg9[%get3A_410] {strides = array<i32>} : memref<800xi32, #tpu.memory_space<vmem>>, vector<16xi32>,
      %get3A_412 = vector.shape_cast %get3A_411 : vector<16xi32> to vector<16xi32>
      %add3A_413 = arith.addi %mul3A_409, %get3A_412 : vector<16xi32>
      %swap3A_414 = arith.constant 80 : index
      %swap3A_415 = tpu.vector_load %arg10[%swap3A_414] {strides = array<i32>} : memref<800xi32, #tpu.memory_space<vmem>>, vector<16xi32>,
      %swap3A_416 = vector.shape_cast %swap3A_415 : vector<16xi32> to vector<16xi32>
      %swap3A_417 = vector.shape_cast %add3A_413 : vector<16xi32> to vector<16xi32>
      tpu.vector_store %arg10[%swap3A_414], %swap3A_417 {strides = array<i32>} : memref<800xi32, #tpu.memory_space<vmem>>, vector<16xi32>,
      %get3A_418 = arith.constant 96 : index
      %get3A_419 = tpu.vector_load %arg7[%get3A_418] {strides = array<i32>} : memref<800xi32, #tpu.memory_space<vmem>>, vector<16xi32>,
      %get3A_420 = vector.shape_cast %get3A_419 : vector<16xi32> to vector<16xi32>
      %mul3A_421 = arith.constant 16 : i32
      %mul3A_422 = vector.broadcast %mul3A_421 : i32 to vector<16xi32>
      %mul3A_423 = arith.muli %get3A_420, %mul3A_422 : vector<16xi32>
      %get3A_424 = arith.constant 96 : index
      %get3A_425 = tpu.vector_load %arg8[%get3A_424] {strides = array<i32>} : memref<800xi32, #tpu.memory_space<vmem>>, vector<16xi32>,
      %get3A_426 = vector.shape_cast %get3A_425 : vector<16xi32> to vector<16xi32>
      %add3A_427 = arith.addi %mul3A_423, %get3A_426 : vector<16xi32>
      %mul3A_428 = arith.constant 16 : i32
      %mul3A_429 = vector.broadcast %mul3A_428 : i32 to vector<16xi32>
      %mul3A_430 = arith.muli %add3A_427, %mul3A_429 : vector<16xi32>
      %get3A_431 = arith.constant 96 : index
      %get3A_432 = tpu.vector_load %arg9[%get3A_431] {strides = array<i32>} : memref<800xi32, #tpu.memory_space<vmem>>, vector<16xi32>,
      %get3A_433 = vector.shape_cast %get3A_432 : vector<16xi32> to vector<16xi32>
      %add3A_434 = arith.addi %mul3A_430, %get3A_433 : vector<16xi32>
      %swap3A_435 = arith.constant 96 : index
      %swap3A_436 = tpu.vector_load %arg10[%swap3A_435] {strides = array<i32>} : memref<800xi32, #tpu.memory_space<vmem>>, vector<16xi32>,
      %swap3A_437 = vector.shape_cast %swap3A_436 : vector<16xi32> to vector<16xi32>
      %swap3A_438 = vector.shape_cast %add3A_434 : vector<16xi32> to vector<16xi32>
      tpu.vector_store %arg10[%swap3A_435], %swap3A_438 {strides = array<i32>} : memref<800xi32, #tpu.memory_space<vmem>>, vector<16xi32>,
      %get3A_439 = arith.constant 112 : index
      %get3A_440 = tpu.vector_load %arg7[%get3A_439] {strides = array<i32>} : memref<800xi32, #tpu.memory_space<vmem>>, vector<16xi32>,
      %get3A_441 = vector.shape_cast %get3A_440 : vector<16xi32> to vector<16xi32>
      %mul3A_442 = arith.constant 16 : i32
      %mul3A_443 = vector.broadcast %mul3A_442 : i32 to vector<16xi32>
      %mul3A_444 = arith.muli %get3A_441, %mul3A_443 : vector<16xi32>
      %get3A_445 = arith.constant 112 : index
      %get3A_446 = tpu.vector_load %arg8[%get3A_445] {strides = array<i32>} : memref<800xi32, #tpu.memory_space<vmem>>, vector<16xi32>,
      %get3A_447 = vector.shape_cast %get3A_446 : vector<16xi32> to vector<16xi32>
      %add3A_448 = arith.addi %mul3A_444, %get3A_447 : vector<16xi32>
      %mul3A_449 = arith.constant 16 : i32
      %mul3A_450 = vector.broadcast %mul3A_449 : i32 to vector<16xi32>
      %mul3A_451 = arith.muli %add3A_448, %mul3A_450 : vector<16xi32>
      %get3A_452 = arith.constant 112 : index
      %get3A_453 = tpu.vector_load %arg9[%get3A_452] {strides = array<i32>} : memref<800xi32, #tpu.memory_space<vmem>>, vector<16xi32>,
      %get3A_454 = vector.shape_cast %get3A_453 : vector<16xi32> to vector<16xi32>
      %add3A_455 = arith.addi %mul3A_451, %get3A_454 : vector<16xi32>
      %swap3A_456 = arith.constant 112 : index
      %swap3A_457 = tpu.vector_load %arg10[%swap3A_456] {strides = array<i32>} : memref<800xi32, #tpu.memory_space<vmem>>, vector<16xi32>,
      %swap3A_458 = vector.shape_cast %swap3A_457 : vector<16xi32> to vector<16xi32>
      %swap3A_459 = vector.shape_cast %add3A_455 : vector<16xi32> to vector<16xi32>
      tpu.vector_store %arg10[%swap3A_456], %swap3A_459 {strides = array<i32>} : memref<800xi32, #tpu.memory_space<vmem>>, vector<16xi32>,
      %get3A_460 = arith.constant 128 : index
      %get3A_461 = tpu.vector_load %arg7[%get3A_460] {strides = array<i32>} : memref<800xi32, #tpu.memory_space<vmem>>, vector<16xi32>,
      %get3A_462 = vector.shape_cast %get3A_461 : vector<16xi32> to vector<16xi32>
      %mul3A_463 = arith.constant 16 : i32
      %mul3A_464 = vector.broadcast %mul3A_463 : i32 to vector<16xi32>
      %mul3A_465 = arith.muli %get3A_462, %mul3A_464 : vector<16xi32>
      %get3A_466 = arith.constant 128 : index
      %get3A_467 = tpu.vector_load %arg8[%get3A_466] {strides = array<i32>} : memref<800xi32, #tpu.memory_space<vmem>>, vector<16xi32>,
      %get3A_468 = vector.shape_cast %get3A_467 : vector<16xi32> to vector<16xi32>
      %add3A_469 = arith.addi %mul3A_465, %get3A_468 : vector<16xi32>
      %mul3A_470 = arith.constant 16 : i32
      %mul3A_471 = vector.broadcast %mul3A_470 : i32 to vector<16xi32>
      %mul3A_472 = arith.muli %add3A_469, %mul3A_471 : vector<16xi32>
      %get3A_473 = arith.constant 128 : index
      %get3A_474 = tpu.vector_load %arg9[%get3A_473] {strides = array<i32>} : memref<800xi32, #tpu.memory_space<vmem>>, vector<16xi32>,
      %get3A_475 = vector.shape_cast %get3A_474 : vector<16xi32> to vector<16xi32>
      %add3A_476 = arith.addi %mul3A_472, %get3A_475 : vector<16xi32>
      %swap3A_477 = arith.constant 128 : index
      %swap3A_478 = tpu.vector_load %arg10[%swap3A_477] {strides = array<i32>} : memref<800xi32, #tpu.memory_space<vmem>>, vector<16xi32>,
      %swap3A_479 = vector.shape_cast %swap3A_478 : vector<16xi32> to vector<16xi32>
      %swap3A_480 = vector.shape_cast %add3A_476 : vector<16xi32> to vector<16xi32>
      tpu.vector_store %arg10[%swap3A_477], %swap3A_480 {strides = array<i32>} : memref<800xi32, #tpu.memory_space<vmem>>, vector<16xi32>,
      %get3A_481 = arith.constant 144 : index
      %get3A_482 = tpu.vector_load %arg7[%get3A_481] {strides = array<i32>} : memref<800xi32, #tpu.memory_space<vmem>>, vector<16xi32>,
      %get3A_483 = vector.shape_cast %get3A_482 : vector<16xi32> to vector<16xi32>
      %mul3A_484 = arith.constant 16 : i32
      %mul3A_485 = vector.broadcast %mul3A_484 : i32 to vector<16xi32>
      %mul3A_486 = arith.muli %get3A_483, %mul3A_485 : vector<16xi32>
      %get3A_487 = arith.constant 144 : index
      %get3A_488 = tpu.vector_load %arg8[%get3A_487] {strides = array<i32>} : memref<800xi32, #tpu.memory_space<vmem>>, vector<16xi32>,
      %get3A_489 = vector.shape_cast %get3A_488 : vector<16xi32> to vector<16xi32>
      %add3A_490 = arith.addi %mul3A_486, %get3A_489 : vector<16xi32>
      %mul3A_491 = arith.constant 16 : i32
      %mul3A_492 = vector.broadcast %mul3A_491 : i32 to vector<16xi32>
      %mul3A_493 = arith.muli %add3A_490, %mul3A_492 : vector<16xi32>
      %get3A_494 = arith.constant 144 : index
      %get3A_495 = tpu.vector_load %arg9[%get3A_494] {strides = array<i32>} : memref<800xi32, #tpu.memory_space<vmem>>, vector<16xi32>,
      %get3A_496 = vector.shape_cast %get3A_495 : vector<16xi32> to vector<16xi32>
      %add3A_497 = arith.addi %mul3A_493, %get3A_496 : vector<16xi32>
      %swap3A_498 = arith.constant 144 : index
      %swap3A_499 = tpu.vector_load %arg10[%swap3A_498] {strides = array<i32>} : memref<800xi32, #tpu.memory_space<vmem>>, vector<16xi32>,
      %swap3A_500 = vector.shape_cast %swap3A_499 : vector<16xi32> to vector<16xi32>
      %swap3A_501 = vector.shape_cast %add3A_497 : vector<16xi32> to vector<16xi32>
      tpu.vector_store %arg10[%swap3A_498], %swap3A_501 {strides = array<i32>} : memref<800xi32, #tpu.memory_space<vmem>>, vector<16xi32>,
      %get3A_502 = arith.constant 160 : index
      %get3A_503 = tpu.vector_load %arg7[%get3A_502] {strides = array<i32>} : memref<800xi32, #tpu.memory_space<vmem>>, vector<16xi32>,
      %get3A_504 = vector.shape_cast %get3A_503 : vector<16xi32> to vector<16xi32>
      %mul3A_505 = arith.constant 16 : i32
      %mul3A_506 = vector.broadcast %mul3A_505 : i32 to vector<16xi32>
      %mul3A_507 = arith.muli %get3A_504, %mul3A_506 : vector<16xi32>
      %get3A_508 = arith.constant 160 : index
      %get3A_509 = tpu.vector_load %arg8[%get3A_508] {strides = array<i32>} : memref<800xi32, #tpu.memory_space<vmem>>, vector<16xi32>,
      %get3A_510 = vector.shape_cast %get3A_509 : vector<16xi32> to vector<16xi32>
      %add3A_511 = arith.addi %mul3A_507, %get3A_510 : vector<16xi32>
      %mul3A_512 = arith.constant 16 : i32
      %mul3A_513 = vector.broadcast %mul3A_512 : i32 to vector<16xi32>
      %mul3A_514 = arith.muli %add3A_511, %mul3A_513 : vector<16xi32>
      %get3A_515 = arith.constant 160 : index
      %get3A_516 = tpu.vector_load %arg9[%get3A_515] {strides = array<i32>} : memref<800xi32, #tpu.memory_space<vmem>>, vector<16xi32>,
      %get3A_517 = vector.shape_cast %get3A_516 : vector<16xi32> to vector<16xi32>
      %add3A_518 = arith.addi %mul3A_514, %get3A_517 : vector<16xi32>
      %swap3A_519 = arith.constant 160 : index
      %swap3A_520 = tpu.vector_load %arg10[%swap3A_519] {strides = array<i32>} : memref<800xi32, #tpu.memory_space<vmem>>, vector<16xi32>,
      %swap3A_521 = vector.shape_cast %swap3A_520 : vector<16xi32> to vector<16xi32>
      %swap3A_522 = vector.shape_cast %add3A_518 : vector<16xi32> to vector<16xi32>
      tpu.vector_store %arg10[%swap3A_519], %swap3A_522 {strides = array<i32>} : memref<800xi32, #tpu.memory_space<vmem>>, vector<16xi32>,
      %get3A_523 = arith.constant 176 : index
      %get3A_524 = tpu.vector_load %arg7[%get3A_523] {strides = array<i32>} : memref<800xi32, #tpu.memory_space<vmem>>, vector<16xi32>,
      %get3A_525 = vector.shape_cast %get3A_524 : vector<16xi32> to vector<16xi32>
      %mul3A_526 = arith.constant 16 : i32
      %mul3A_527 = vector.broadcast %mul3A_526 : i32 to vector<16xi32>
      %mul3A_528 = arith.muli %get3A_525, %mul3A_527 : vector<16xi32>
      %get3A_529 = arith.constant 176 : index
      %get3A_530 = tpu.vector_load %arg8[%get3A_529] {strides = array<i32>} : memref<800xi32, #tpu.memory_space<vmem>>, vector<16xi32>,
      %get3A_531 = vector.shape_cast %get3A_530 : vector<16xi32> to vector<16xi32>
      %add3A_532 = arith.addi %mul3A_528, %get3A_531 : vector<16xi32>
      %mul3A_533 = arith.constant 16 : i32
      %mul3A_534 = vector.broadcast %mul3A_533 : i32 to vector<16xi32>
      %mul3A_535 = arith.muli %add3A_532, %mul3A_534 : vector<16xi32>
      %get3A_536 = arith.constant 176 : index
      %get3A_537 = tpu.vector_load %arg9[%get3A_536] {strides = array<i32>} : memref<800xi32, #tpu.memory_space<vmem>>, vector<16xi32>,
      %get3A_538 = vector.shape_cast %get3A_537 : vector<16xi32> to vector<16xi32>
      %add3A_539 = arith.addi %mul3A_535, %get3A_538 : vector<16xi32>
      %swap3A_540 = arith.constant 176 : index
      %swap3A_541 = tpu.vector_load %arg10[%swap3A_540] {strides = array<i32>} : memref<800xi32, #tpu.memory_space<vmem>>, vector<16xi32>,
      %swap3A_542 = vector.shape_cast %swap3A_541 : vector<16xi32> to vector<16xi32>
      %swap3A_543 = vector.shape_cast %add3A_539 : vector<16xi32> to vector<16xi32>
      tpu.vector_store %arg10[%swap3A_540], %swap3A_543 {strides = array<i32>} : memref<800xi32, #tpu.memory_space<vmem>>, vector<16xi32>,
      %get3A_544 = arith.constant 192 : index
      %get3A_545 = tpu.vector_load %arg7[%get3A_544] {strides = array<i32>} : memref<800xi32, #tpu.memory_space<vmem>>, vector<16xi32>,
      %get3A_546 = vector.shape_cast %get3A_545 : vector<16xi32> to vector<16xi32>
      %mul3A_547 = arith.constant 16 : i32
      %mul3A_548 = vector.broadcast %mul3A_547 : i32 to vector<16xi32>
      %mul3A_549 = arith.muli %get3A_546, %mul3A_548 : vector<16xi32>
      %get3A_550 = arith.constant 192 : index
      %get3A_551 = tpu.vector_load %arg8[%get3A_550] {strides = array<i32>} : memref<800xi32, #tpu.memory_space<vmem>>, vector<16xi32>,
      %get3A_552 = vector.shape_cast %get3A_551 : vector<16xi32> to vector<16xi32>
      %add3A_553 = arith.addi %mul3A_549, %get3A_552 : vector<16xi32>
      %mul3A_554 = arith.constant 16 : i32
      %mul3A_555 = vector.broadcast %mul3A_554 : i32 to vector<16xi32>
      %mul3A_556 = arith.muli %add3A_553, %mul3A_555 : vector<16xi32>
      %get3A_557 = arith.constant 192 : index
      %get3A_558 = tpu.vector_load %arg9[%get3A_557] {strides = array<i32>} : memref<800xi32, #tpu.memory_space<vmem>>, vector<16xi32>,
      %get3A_559 = vector.shape_cast %get3A_558 : vector<16xi32> to vector<16xi32>
      %add3A_560 = arith.addi %mul3A_556, %get3A_559 : vector<16xi32>
      %swap3A_561 = arith.constant 192 : index
      %swap3A_562 = tpu.vector_load %arg10[%swap3A_561] {strides = array<i32>} : memref<800xi32, #tpu.memory_space<vmem>>, vector<16xi32>,
      %swap3A_563 = vector.shape_cast %swap3A_562 : vector<16xi32> to vector<16xi32>
      %swap3A_564 = vector.shape_cast %add3A_560 : vector<16xi32> to vector<16xi32>
      tpu.vector_store %arg10[%swap3A_561], %swap3A_564 {strides = array<i32>} : memref<800xi32, #tpu.memory_space<vmem>>, vector<16xi32>,
      %get3A_565 = arith.constant 208 : index
      %get3A_566 = tpu.vector_load %arg7[%get3A_565] {strides = array<i32>} : memref<800xi32, #tpu.memory_space<vmem>>, vector<16xi32>,
      %get3A_567 = vector.shape_cast %get3A_566 : vector<16xi32> to vector<16xi32>
      %mul3A_568 = arith.constant 16 : i32
      %mul3A_569 = vector.broadcast %mul3A_568 : i32 to vector<16xi32>
      %mul3A_570 = arith.muli %get3A_567, %mul3A_569 : vector<16xi32>
      %get3A_571 = arith.constant 208 : index
      %get3A_572 = tpu.vector_load %arg8[%get3A_571] {strides = array<i32>} : memref<800xi32, #tpu.memory_space<vmem>>, vector<16xi32>,
      %get3A_573 = vector.shape_cast %get3A_572 : vector<16xi32> to vector<16xi32>
      %add3A_574 = arith.addi %mul3A_570, %get3A_573 : vector<16xi32>
      %mul3A_575 = arith.constant 16 : i32
      %mul3A_576 = vector.broadcast %mul3A_575 : i32 to vector<16xi32>
      %mul3A_577 = arith.muli %add3A_574, %mul3A_576 : vector<16xi32>
      %get3A_578 = arith.constant 208 : index
      %get3A_579 = tpu.vector_load %arg9[%get3A_578] {strides = array<i32>} : memref<800xi32, #tpu.memory_space<vmem>>, vector<16xi32>,
      %get3A_580 = vector.shape_cast %get3A_579 : vector<16xi32> to vector<16xi32>
      %add3A_581 = arith.addi %mul3A_577, %get3A_580 : vector<16xi32>
      %swap3A_582 = arith.constant 208 : index
      %swap3A_583 = tpu.vector_load %arg10[%swap3A_582] {strides = array<i32>} : memref<800xi32, #tpu.memory_space<vmem>>, vector<16xi32>,
      %swap3A_584 = vector.shape_cast %swap3A_583 : vector<16xi32> to vector<16xi32>
      %swap3A_585 = vector.shape_cast %add3A_581 : vector<16xi32> to vector<16xi32>
      tpu.vector_store %arg10[%swap3A_582], %swap3A_585 {strides = array<i32>} : memref<800xi32, #tpu.memory_space<vmem>>, vector<16xi32>,
      %get3A_586 = arith.constant 224 : index
      %get3A_587 = tpu.vector_load %arg7[%get3A_586] {strides = array<i32>} : memref<800xi32, #tpu.memory_space<vmem>>, vector<16xi32>,
      %get3A_588 = vector.shape_cast %get3A_587 : vector<16xi32> to vector<16xi32>
      %mul3A_589 = arith.constant 16 : i32
      %mul3A_590 = vector.broadcast %mul3A_589 : i32 to vector<16xi32>
      %mul3A_591 = arith.muli %get3A_588, %mul3A_590 : vector<16xi32>
      %get3A_592 = arith.constant 224 : index
      %get3A_593 = tpu.vector_load %arg8[%get3A_592] {strides = array<i32>} : memref<800xi32, #tpu.memory_space<vmem>>, vector<16xi32>,
      %get3A_594 = vector.shape_cast %get3A_593 : vector<16xi32> to vector<16xi32>
      %add3A_595 = arith.addi %mul3A_591, %get3A_594 : vector<16xi32>
      %mul3A_596 = arith.constant 16 : i32
      %mul3A_597 = vector.broadcast %mul3A_596 : i32 to vector<16xi32>
      %mul3A_598 = arith.muli %add3A_595, %mul3A_597 : vector<16xi32>
      %get3A_599 = arith.constant 224 : index
      %get3A_600 = tpu.vector_load %arg9[%get3A_599] {strides = array<i32>} : memref<800xi32, #tpu.memory_space<vmem>>, vector<16xi32>,
      %get3A_601 = vector.shape_cast %get3A_600 : vector<16xi32> to vector<16xi32>
      %add3A_602 = arith.addi %mul3A_598, %get3A_601 : vector<16xi32>
      %swap3A_603 = arith.constant 224 : index
      %swap3A_604 = tpu.vector_load %arg10[%swap3A_603] {strides = array<i32>} : memref<800xi32, #tpu.memory_space<vmem>>, vector<16xi32>,
      %swap3A_605 = vector.shape_cast %swap3A_604 : vector<16xi32> to vector<16xi32>
      %swap3A_606 = vector.shape_cast %add3A_602 : vector<16xi32> to vector<16xi32>
      tpu.vector_store %arg10[%swap3A_603], %swap3A_606 {strides = array<i32>} : memref<800xi32, #tpu.memory_space<vmem>>, vector<16xi32>,
      %get3A_607 = arith.constant 240 : index
      %get3A_608 = tpu.vector_load %arg7[%get3A_607] {strides = array<i32>} : memref<800xi32, #tpu.memory_space<vmem>>, vector<16xi32>,
      %get3A_609 = vector.shape_cast %get3A_608 : vector<16xi32> to vector<16xi32>
      %mul3A_610 = arith.constant 16 : i32
      %mul3A_611 = vector.broadcast %mul3A_610 : i32 to vector<16xi32>
      %mul3A_612 = arith.muli %get3A_609, %mul3A_611 : vector<16xi32>
      %get3A_613 = arith.constant 240 : index
      %get3A_614 = tpu.vector_load %arg8[%get3A_613] {strides = array<i32>} : memref<800xi32, #tpu.memory_space<vmem>>, vector<16xi32>,
      %get3A_615 = vector.shape_cast %get3A_614 : vector<16xi32> to vector<16xi32>
      %add3A_616 = arith.addi %mul3A_612, %get3A_615 : vector<16xi32>
      %mul3A_617 = arith.constant 16 : i32
      %mul3A_618 = vector.broadcast %mul3A_617 : i32 to vector<16xi32>
      %mul3A_619 = arith.muli %add3A_616, %mul3A_618 : vector<16xi32>
      %get3A_620 = arith.constant 240 : index
      %get3A_621 = tpu.vector_load %arg9[%get3A_620] {strides = array<i32>} : memref<800xi32, #tpu.memory_space<vmem>>, vector<16xi32>,
      %get3A_622 = vector.shape_cast %get3A_621 : vector<16xi32> to vector<16xi32>
      %add3A_623 = arith.addi %mul3A_619, %get3A_622 : vector<16xi32>
      %swap3A_624 = arith.constant 240 : index
      %swap3A_625 = tpu.vector_load %arg10[%swap3A_624] {strides = array<i32>} : memref<800xi32, #tpu.memory_space<vmem>>, vector<16xi32>,
      %swap3A_626 = vector.shape_cast %swap3A_625 : vector<16xi32> to vector<16xi32>
      %swap3A_627 = vector.shape_cast %add3A_623 : vector<16xi32> to vector<16xi32>
      tpu.vector_store %arg10[%swap3A_624], %swap3A_627 {strides = array<i32>} : memref<800xi32, #tpu.memory_space<vmem>>, vector<16xi32>,
      %get3A_628 = arith.constant 256 : index
      %get3A_629 = tpu.vector_load %arg7[%get3A_628] {strides = array<i32>} : memref<800xi32, #tpu.memory_space<vmem>>, vector<16xi32>,
      %get3A_630 = vector.shape_cast %get3A_629 : vector<16xi32> to vector<16xi32>
      %mul3A_631 = arith.constant 16 : i32
      %mul3A_632 = vector.broadcast %mul3A_631 : i32 to vector<16xi32>
      %mul3A_633 = arith.muli %get3A_630, %mul3A_632 : vector<16xi32>
      %get3A_634 = arith.constant 256 : index
      %get3A_635 = tpu.vector_load %arg8[%get3A_634] {strides = array<i32>} : memref<800xi32, #tpu.memory_space<vmem>>, vector<16xi32>,
      %get3A_636 = vector.shape_cast %get3A_635 : vector<16xi32> to vector<16xi32>
      %add3A_637 = arith.addi %mul3A_633, %get3A_636 : vector<16xi32>
      %mul3A_638 = arith.constant 16 : i32
      %mul3A_639 = vector.broadcast %mul3A_638 : i32 to vector<16xi32>
      %mul3A_640 = arith.muli %add3A_637, %mul3A_639 : vector<16xi32>
      %get3A_641 = arith.constant 256 : index
      %get3A_642 = tpu.vector_load %arg9[%get3A_641] {strides = array<i32>} : memref<800xi32, #tpu.memory_space<vmem>>, vector<16xi32>,
      %get3A_643 = vector.shape_cast %get3A_642 : vector<16xi32> to vector<16xi32>
      %add3A_644 = arith.addi %mul3A_640, %get3A_643 : vector<16xi32>
      %swap3A_645 = arith.constant 256 : index
      %swap3A_646 = tpu.vector_load %arg10[%swap3A_645] {strides = array<i32>} : memref<800xi32, #tpu.memory_space<vmem>>, vector<16xi32>,
      %swap3A_647 = vector.shape_cast %swap3A_646 : vector<16xi32> to vector<16xi32>
      %swap3A_648 = vector.shape_cast %add3A_644 : vector<16xi32> to vector<16xi32>
      tpu.vector_store %arg10[%swap3A_645], %swap3A_648 {strides = array<i32>} : memref<800xi32, #tpu.memory_space<vmem>>, vector<16xi32>,
      %get3A_649 = arith.constant 272 : index
      %get3A_650 = tpu.vector_load %arg7[%get3A_649] {strides = array<i32>} : memref<800xi32, #tpu.memory_space<vmem>>, vector<16xi32>,
      %get3A_651 = vector.shape_cast %get3A_650 : vector<16xi32> to vector<16xi32>
      %mul3A_652 = arith.constant 16 : i32
      %mul3A_653 = vector.broadcast %mul3A_652 : i32 to vector<16xi32>
      %mul3A_654 = arith.muli %get3A_651, %mul3A_653 : vector<16xi32>
      %get3A_655 = arith.constant 272 : index
      %get3A_656 = tpu.vector_load %arg8[%get3A_655] {strides = array<i32>} : memref<800xi32, #tpu.memory_space<vmem>>, vector<16xi32>,
      %get3A_657 = vector.shape_cast %get3A_656 : vector<16xi32> to vector<16xi32>
      %add3A_658 = arith.addi %mul3A_654, %get3A_657 : vector<16xi32>
      %mul3A_659 = arith.constant 16 : i32
      %mul3A_660 = vector.broadcast %mul3A_659 : i32 to vector<16xi32>
      %mul3A_661 = arith.muli %add3A_658, %mul3A_660 : vector<16xi32>
      %get3A_662 = arith.constant 272 : index
      %get3A_663 = tpu.vector_load %arg9[%get3A_662] {strides = array<i32>} : memref<800xi32, #tpu.memory_space<vmem>>, vector<16xi32>,
      %get3A_664 = vector.shape_cast %get3A_663 : vector<16xi32> to vector<16xi32>
      %add3A_665 = arith.addi %mul3A_661, %get3A_664 : vector<16xi32>
      %swap3A_666 = arith.constant 272 : index
      %swap3A_667 = tpu.vector_load %arg10[%swap3A_666] {strides = array<i32>} : memref<800xi32, #tpu.memory_space<vmem>>, vector<16xi32>,
      %swap3A_668 = vector.shape_cast %swap3A_667 : vector<16xi32> to vector<16xi32>
      %swap3A_669 = vector.shape_cast %add3A_665 : vector<16xi32> to vector<16xi32>
      tpu.vector_store %arg10[%swap3A_666], %swap3A_669 {strides = array<i32>} : memref<800xi32, #tpu.memory_space<vmem>>, vector<16xi32>,
      %get3A_670 = arith.constant 288 : index
      %get3A_671 = tpu.vector_load %arg7[%get3A_670] {strides = array<i32>} : memref<800xi32, #tpu.memory_space<vmem>>, vector<16xi32>,
      %get3A_672 = vector.shape_cast %get3A_671 : vector<16xi32> to vector<16xi32>
      %mul3A_673 = arith.constant 16 : i32
      %mul3A_674 = vector.broadcast %mul3A_673 : i32 to vector<16xi32>
      %mul3A_675 = arith.muli %get3A_672, %mul3A_674 : vector<16xi32>
      %get3A_676 = arith.constant 288 : index
      %get3A_677 = tpu.vector_load %arg8[%get3A_676] {strides = array<i32>} : memref<800xi32, #tpu.memory_space<vmem>>, vector<16xi32>,
      %get3A_678 = vector.shape_cast %get3A_677 : vector<16xi32> to vector<16xi32>
      %add3A_679 = arith.addi %mul3A_675, %get3A_678 : vector<16xi32>
      %mul3A_680 = arith.constant 16 : i32
      %mul3A_681 = vector.broadcast %mul3A_680 : i32 to vector<16xi32>
      %mul3A_682 = arith.muli %add3A_679, %mul3A_681 : vector<16xi32>
      %get3A_683 = arith.constant 288 : index
      %get3A_684 = tpu.vector_load %arg9[%get3A_683] {strides = array<i32>} : memref<800xi32, #tpu.memory_space<vmem>>, vector<16xi32>,
      %get3A_685 = vector.shape_cast %get3A_684 : vector<16xi32> to vector<16xi32>
      %add3A_686 = arith.addi %mul3A_682, %get3A_685 : vector<16xi32>
      %swap3A_687 = arith.constant 288 : index
      %swap3A_688 = tpu.vector_load %arg10[%swap3A_687] {strides = array<i32>} : memref<800xi32, #tpu.memory_space<vmem>>, vector<16xi32>,
      %swap3A_689 = vector.shape_cast %swap3A_688 : vector<16xi32> to vector<16xi32>
      %swap3A_690 = vector.shape_cast %add3A_686 : vector<16xi32> to vector<16xi32>
      tpu.vector_store %arg10[%swap3A_687], %swap3A_690 {strides = array<i32>} : memref<800xi32, #tpu.memory_space<vmem>>, vector<16xi32>,
      %get3A_691 = arith.constant 304 : index
      %get3A_692 = tpu.vector_load %arg7[%get3A_691] {strides = array<i32>} : memref<800xi32, #tpu.memory_space<vmem>>, vector<16xi32>,
      %get3A_693 = vector.shape_cast %get3A_692 : vector<16xi32> to vector<16xi32>
      %mul3A_694 = arith.constant 16 : i32
      %mul3A_695 = vector.broadcast %mul3A_694 : i32 to vector<16xi32>
      %mul3A_696 = arith.muli %get3A_693, %mul3A_695 : vector<16xi32>
      %get3A_697 = arith.constant 304 : index
      %get3A_698 = tpu.vector_load %arg8[%get3A_697] {strides = array<i32>} : memref<800xi32, #tpu.memory_space<vmem>>, vector<16xi32>,
      %get3A_699 = vector.shape_cast %get3A_698 : vector<16xi32> to vector<16xi32>
      %add3A_700 = arith.addi %mul3A_696, %get3A_699 : vector<16xi32>
      %mul3A_701 = arith.constant 16 : i32
      %mul3A_702 = vector.broadcast %mul3A_701 : i32 to vector<16xi32>
      %mul3A_703 = arith.muli %add3A_700, %mul3A_702 : vector<16xi32>
      %get3A_704 = arith.constant 304 : index
      %get3A_705 = tpu.vector_load %arg9[%get3A_704] {strides = array<i32>} : memref<800xi32, #tpu.memory_space<vmem>>, vector<16xi32>,
      %get3A_706 = vector.shape_cast %get3A_705 : vector<16xi32> to vector<16xi32>
      %add3A_707 = arith.addi %mul3A_703, %get3A_706 : vector<16xi32>
      %swap3A_708 = arith.constant 304 : index
      %swap3A_709 = tpu.vector_load %arg10[%swap3A_708] {strides = array<i32>} : memref<800xi32, #tpu.memory_space<vmem>>, vector<16xi32>,
      %swap3A_710 = vector.shape_cast %swap3A_709 : vector<16xi32> to vector<16xi32>
      %swap3A_711 = vector.shape_cast %add3A_707 : vector<16xi32> to vector<16xi32>
      tpu.vector_store %arg10[%swap3A_708], %swap3A_711 {strides = array<i32>} : memref<800xi32, #tpu.memory_space<vmem>>, vector<16xi32>,
      %get3A_712 = arith.constant 320 : index
      %get3A_713 = tpu.vector_load %arg7[%get3A_712] {strides = array<i32>} : memref<800xi32, #tpu.memory_space<vmem>>, vector<16xi32>,
      %get3A_714 = vector.shape_cast %get3A_713 : vector<16xi32> to vector<16xi32>
      %mul3A_715 = arith.constant 16 : i32
      %mul3A_716 = vector.broadcast %mul3A_715 : i32 to vector<16xi32>
      %mul3A_717 = arith.muli %get3A_714, %mul3A_716 : vector<16xi32>
      %get3A_718 = arith.constant 320 : index
      %get3A_719 = tpu.vector_load %arg8[%get3A_718] {strides = array<i32>} : memref<800xi32, #tpu.memory_space<vmem>>, vector<16xi32>,
      %get3A_720 = vector.shape_cast %get3A_719 : vector<16xi32> to vector<16xi32>
      %add3A_721 = arith.addi %mul3A_717, %get3A_720 : vector<16xi32>
      %mul3A_722 = arith.constant 16 : i32
      %mul3A_723 = vector.broadcast %mul3A_722 : i32 to vector<16xi32>
      %mul3A_724 = arith.muli %add3A_721, %mul3A_723 : vector<16xi32>
      %get3A_725 = arith.constant 320 : index
      %get3A_726 = tpu.vector_load %arg9[%get3A_725] {strides = array<i32>} : memref<800xi32, #tpu.memory_space<vmem>>, vector<16xi32>,
      %get3A_727 = vector.shape_cast %get3A_726 : vector<16xi32> to vector<16xi32>
      %add3A_728 = arith.addi %mul3A_724, %get3A_727 : vector<16xi32>
      %swap3A_729 = arith.constant 320 : index
      %swap3A_730 = tpu.vector_load %arg10[%swap3A_729] {strides = array<i32>} : memref<800xi32, #tpu.memory_space<vmem>>, vector<16xi32>,
      %swap3A_731 = vector.shape_cast %swap3A_730 : vector<16xi32> to vector<16xi32>
      %swap3A_732 = vector.shape_cast %add3A_728 : vector<16xi32> to vector<16xi32>
      tpu.vector_store %arg10[%swap3A_729], %swap3A_732 {strides = array<i32>} : memref<800xi32, #tpu.memory_space<vmem>>, vector<16xi32>,
      %get3A_733 = arith.constant 336 : index
      %get3A_734 = tpu.vector_load %arg7[%get3A_733] {strides = array<i32>} : memref<800xi32, #tpu.memory_space<vmem>>, vector<16xi32>,
      %get3A_735 = vector.shape_cast %get3A_734 : vector<16xi32> to vector<16xi32>
      %mul3A_736 = arith.constant 16 : i32
      %mul3A_737 = vector.broadcast %mul3A_736 : i32 to vector<16xi32>
      %mul3A_738 = arith.muli %get3A_735, %mul3A_737 : vector<16xi32>
      %get3A_739 = arith.constant 336 : index
      %get3A_740 = tpu.vector_load %arg8[%get3A_739] {strides = array<i32>} : memref<800xi32, #tpu.memory_space<vmem>>, vector<16xi32>,
      %get3A_741 = vector.shape_cast %get3A_740 : vector<16xi32> to vector<16xi32>
      %add3A_742 = arith.addi %mul3A_738, %get3A_741 : vector<16xi32>
      %mul3A_743 = arith.constant 16 : i32
      %mul3A_744 = vector.broadcast %mul3A_743 : i32 to vector<16xi32>
      %mul3A_745 = arith.muli %add3A_742, %mul3A_744 : vector<16xi32>
      %get3A_746 = arith.constant 336 : index
      %get3A_747 = tpu.vector_load %arg9[%get3A_746] {strides = array<i32>} : memref<800xi32, #tpu.memory_space<vmem>>, vector<16xi32>,
      %get3A_748 = vector.shape_cast %get3A_747 : vector<16xi32> to vector<16xi32>
      %add3A_749 = arith.addi %mul3A_745, %get3A_748 : vector<16xi32>
      %swap3A_750 = arith.constant 336 : index
      %swap3A_751 = tpu.vector_load %arg10[%swap3A_750] {strides = array<i32>} : memref<800xi32, #tpu.memory_space<vmem>>, vector<16xi32>,
      %swap3A_752 = vector.shape_cast %swap3A_751 : vector<16xi32> to vector<16xi32>
      %swap3A_753 = vector.shape_cast %add3A_749 : vector<16xi32> to vector<16xi32>
      tpu.vector_store %arg10[%swap3A_750], %swap3A_753 {strides = array<i32>} : memref<800xi32, #tpu.memory_space<vmem>>, vector<16xi32>,
      %get3A_754 = arith.constant 352 : index
      %get3A_755 = tpu.vector_load %arg7[%get3A_754] {strides = array<i32>} : memref<800xi32, #tpu.memory_space<vmem>>, vector<16xi32>,
      %get3A_756 = vector.shape_cast %get3A_755 : vector<16xi32> to vector<16xi32>
      %mul3A_757 = arith.constant 16 : i32
      %mul3A_758 = vector.broadcast %mul3A_757 : i32 to vector<16xi32>
      %mul3A_759 = arith.muli %get3A_756, %mul3A_758 : vector<16xi32>
      %get3A_760 = arith.constant 352 : index
      %get3A_761 = tpu.vector_load %arg8[%get3A_760] {strides = array<i32>} : memref<800xi32, #tpu.memory_space<vmem>>, vector<16xi32>,
      %get3A_762 = vector.shape_cast %get3A_761 : vector<16xi32> to vector<16xi32>
      %add3A_763 = arith.addi %mul3A_759, %get3A_762 : vector<16xi32>
      %mul3A_764 = arith.constant 16 : i32
      %mul3A_765 = vector.broadcast %mul3A_764 : i32 to vector<16xi32>
      %mul3A_766 = arith.muli %add3A_763, %mul3A_765 : vector<16xi32>
      %get3A_767 = arith.constant 352 : index
      %get3A_768 = tpu.vector_load %arg9[%get3A_767] {strides = array<i32>} : memref<800xi32, #tpu.memory_space<vmem>>, vector<16xi32>,
      %get3A_769 = vector.shape_cast %get3A_768 : vector<16xi32> to vector<16xi32>
      %add3A_770 = arith.addi %mul3A_766, %get3A_769 : vector<16xi32>
      %swap3A_771 = arith.constant 352 : index
      %swap3A_772 = tpu.vector_load %arg10[%swap3A_771] {strides = array<i32>} : memref<800xi32, #tpu.memory_space<vmem>>, vector<16xi32>,
      %swap3A_773 = vector.shape_cast %swap3A_772 : vector<16xi32> to vector<16xi32>
      %swap3A_774 = vector.shape_cast %add3A_770 : vector<16xi32> to vector<16xi32>
      tpu.vector_store %arg10[%swap3A_771], %swap3A_774 {strides = array<i32>} : memref<800xi32, #tpu.memory_space<vmem>>, vector<16xi32>,
      %get3A_775 = arith.constant 368 : index
      %get3A_776 = tpu.vector_load %arg7[%get3A_775] {strides = array<i32>} : memref<800xi32, #tpu.memory_space<vmem>>, vector<16xi32>,
      %get3A_777 = vector.shape_cast %get3A_776 : vector<16xi32> to vector<16xi32>
      %mul3A_778 = arith.constant 16 : i32
      %mul3A_779 = vector.broadcast %mul3A_778 : i32 to vector<16xi32>
      %mul3A_780 = arith.muli %get3A_777, %mul3A_779 : vector<16xi32>
      %get3A_781 = arith.constant 368 : index
      %get3A_782 = tpu.vector_load %arg8[%get3A_781] {strides = array<i32>} : memref<800xi32, #tpu.memory_space<vmem>>, vector<16xi32>,
      %get3A_783 = vector.shape_cast %get3A_782 : vector<16xi32> to vector<16xi32>
      %add3A_784 = arith.addi %mul3A_780, %get3A_783 : vector<16xi32>
      %mul3A_785 = arith.constant 16 : i32
      %mul3A_786 = vector.broadcast %mul3A_785 : i32 to vector<16xi32>
      %mul3A_787 = arith.muli %add3A_784, %mul3A_786 : vector<16xi32>
      %get3A_788 = arith.constant 368 : index
      %get3A_789 = tpu.vector_load %arg9[%get3A_788] {strides = array<i32>} : memref<800xi32, #tpu.memory_space<vmem>>, vector<16xi32>,
      %get3A_790 = vector.shape_cast %get3A_789 : vector<16xi32> to vector<16xi32>
      %add3A_791 = arith.addi %mul3A_787, %get3A_790 : vector<16xi32>
      %swap3A_792 = arith.constant 368 : index
      %swap3A_793 = tpu.vector_load %arg10[%swap3A_792] {strides = array<i32>} : memref<800xi32, #tpu.memory_space<vmem>>, vector<16xi32>,
      %swap3A_794 = vector.shape_cast %swap3A_793 : vector<16xi32> to vector<16xi32>
      %swap3A_795 = vector.shape_cast %add3A_791 : vector<16xi32> to vector<16xi32>
      tpu.vector_store %arg10[%swap3A_792], %swap3A_795 {strides = array<i32>} : memref<800xi32, #tpu.memory_space<vmem>>, vector<16xi32>,
      %get3A_796 = arith.constant 384 : index
      %get3A_797 = tpu.vector_load %arg7[%get3A_796] {strides = array<i32>} : memref<800xi32, #tpu.memory_space<vmem>>, vector<16xi32>,
      %get3A_798 = vector.shape_cast %get3A_797 : vector<16xi32> to vector<16xi32>
      %mul3A_799 = arith.constant 16 : i32
      %mul3A_800 = vector.broadcast %mul3A_799 : i32 to vector<16xi32>
      %mul3A_801 = arith.muli %get3A_798, %mul3A_800 : vector<16xi32>
      %get3A_802 = arith.constant 384 : index
      %get3A_803 = tpu.vector_load %arg8[%get3A_802] {strides = array<i32>} : memref<800xi32, #tpu.memory_space<vmem>>, vector<16xi32>,
      %get3A_804 = vector.shape_cast %get3A_803 : vector<16xi32> to vector<16xi32>
      %add3A_805 = arith.addi %mul3A_801, %get3A_804 : vector<16xi32>
      %mul3A_806 = arith.constant 16 : i32
      %mul3A_807 = vector.broadcast %mul3A_806 : i32 to vector<16xi32>
      %mul3A_808 = arith.muli %add3A_805, %mul3A_807 : vector<16xi32>
      %get3A_809 = arith.constant 384 : index
      %get3A_810 = tpu.vector_load %arg9[%get3A_809] {strides = array<i32>} : memref<800xi32, #tpu.memory_space<vmem>>, vector<16xi32>,
      %get3A_811 = vector.shape_cast %get3A_810 : vector<16xi32> to vector<16xi32>
      %add3A_812 = arith.addi %mul3A_808, %get3A_811 : vector<16xi32>
      %swap3A_813 = arith.constant 384 : index
      %swap3A_814 = tpu.vector_load %arg10[%swap3A_813] {strides = array<i32>} : memref<800xi32, #tpu.memory_space<vmem>>, vector<16xi32>,
      %swap3A_815 = vector.shape_cast %swap3A_814 : vector<16xi32> to vector<16xi32>
      %swap3A_816 = vector.shape_cast %add3A_812 : vector<16xi32> to vector<16xi32>
      tpu.vector_store %arg10[%swap3A_813], %swap3A_816 {strides = array<i32>} : memref<800xi32, #tpu.memory_space<vmem>>, vector<16xi32>,
      %gt3A = arith.constant 0 : i32
      %gt3A_817 = arith.cmpi sgt, %scan3A_265, %gt3A : i32
      %convert_element_type3A = arith.extui %gt3A_817 : i1 to i32
      %cond3A = arith.constant 0 : i32
      %cond3A_818 = arith.cmpi ne, %convert_element_type3A, %cond3A : i32
      scf.if %cond3A_818 {
        %dma_wait3A_1688 = arith.constant 0 : i32
        %dma_wait3A_1689 = arith.constant 0 : i32
        %dma_wait3A_1690 = arith.constant 0 : i32
        %dma_wait3A_1691 = tpu.memref_slice %arg11[%dma_wait3A_1688, %dma_wait3A_1689, %dma_wait3A_1690] : memref<2x400x128xf32, #tpu.memory_space<vmem>> -> memref<1x50x128xf32, #tpu.memory_space<vmem>>
        %dma_wait3A_1692 = tpu.memref_squeeze %dma_wait3A_1691 : memref<1x50x128xf32, #tpu.memory_space<vmem>> -> memref<50x128xf32, #tpu.memory_space<vmem>>
        %dma_wait3A_1693 = arith.constant 0 : i32
        %dma_wait3A_1694 = arith.constant 0 : i32
        %dma_wait3A_1695 = tpu.memref_slice %arg6[%mul3A_2, %dma_wait3A_1693, %dma_wait3A_1694] : memref<16384x50x128xf32, #tpu.memory_space<hbm>> -> memref<1x50x128xf32, #tpu.memory_space<hbm>>
        %dma_wait3A_1696 = tpu.memref_squeeze %dma_wait3A_1695 : memref<1x50x128xf32, #tpu.memory_space<hbm>> -> memref<50x128xf32, #tpu.memory_space<hbm>>
        %dma_wait3A_1697 = arith.constant 0 : i32
        %dma_wait3A_1698 = arith.constant 0 : i32
        %dma_wait3A_1699 = tpu.memref_slice %arg6[%mul3A_2, %dma_wait3A_1697, %dma_wait3A_1698] : memref<16384x50x128xf32, #tpu.memory_space<hbm>> -> memref<1x50x128xf32, #tpu.memory_space<hbm>>
        %dma_wait3A_1700 = tpu.memref_squeeze %dma_wait3A_1699 : memref<1x50x128xf32, #tpu.memory_space<hbm>> -> memref<50x128xf32, #tpu.memory_space<hbm>>
        %dma_wait3A_1701 = arith.constant 0 : i32
        %dma_wait3A_1702 = arith.constant 0 : i32
        %dma_wait3A_1703 = tpu.memref_slice %arg11[%dma_wait3A_1688, %dma_wait3A_1701, %dma_wait3A_1702] : memref<2x400x128xf32, #tpu.memory_space<vmem>> -> memref<1x50x128xf32, #tpu.memory_space<vmem>>
        %dma_wait3A_1704 = tpu.memref_squeeze %dma_wait3A_1703 : memref<1x50x128xf32, #tpu.memory_space<vmem>> -> memref<50x128xf32, #tpu.memory_space<vmem>>
        tpu.wait_dma2 semaphore(%arg16 : memref<!tpu.dma_semaphore, #tpu.memory_space<semaphore_mem>>) src(%dma_wait3A_1704 : memref<50x128xf32, #tpu.memory_space<vmem>>) dst(%dma_wait3A_1700 : memref<50x128xf32, #tpu.memory_space<hbm>>)
        %dma_wait3A_1705 = arith.constant 0 : i32
        %dma_wait3A_1706 = arith.constant 50 : i32
        %dma_wait3A_1707 = arith.constant 0 : i32
        %dma_wait3A_1708 = tpu.memref_slice %arg11[%dma_wait3A_1705, %dma_wait3A_1706, %dma_wait3A_1707] : memref<2x400x128xf32, #tpu.memory_space<vmem>> -> memref<1x50x128xf32, #tpu.memory_space<vmem>>
        %dma_wait3A_1709 = tpu.memref_squeeze %dma_wait3A_1708 : memref<1x50x128xf32, #tpu.memory_space<vmem>> -> memref<50x128xf32, #tpu.memory_space<vmem>>
        %dma_wait3A_1710 = arith.constant 0 : i32
        %dma_wait3A_1711 = arith.constant 0 : i32
        %dma_wait3A_1712 = tpu.memref_slice %arg6[%mul3A_2, %dma_wait3A_1710, %dma_wait3A_1711] : memref<16384x50x128xf32, #tpu.memory_space<hbm>> -> memref<1x50x128xf32, #tpu.memory_space<hbm>>
        %dma_wait3A_1713 = tpu.memref_squeeze %dma_wait3A_1712 : memref<1x50x128xf32, #tpu.memory_space<hbm>> -> memref<50x128xf32, #tpu.memory_space<hbm>>
        %dma_wait3A_1714 = arith.constant 0 : i32
        %dma_wait3A_1715 = arith.constant 0 : i32
        %dma_wait3A_1716 = tpu.memref_slice %arg6[%mul3A_2, %dma_wait3A_1714, %dma_wait3A_1715] : memref<16384x50x128xf32, #tpu.memory_space<hbm>> -> memref<1x50x128xf32, #tpu.memory_space<hbm>>
        %dma_wait3A_1717 = tpu.memref_squeeze %dma_wait3A_1716 : memref<1x50x128xf32, #tpu.memory_space<hbm>> -> memref<50x128xf32, #tpu.memory_space<hbm>>
        %dma_wait3A_1718 = arith.constant 50 : i32
        %dma_wait3A_1719 = arith.constant 0 : i32
        %dma_wait3A_1720 = tpu.memref_slice %arg11[%dma_wait3A_1705, %dma_wait3A_1718, %dma_wait3A_1719] : memref<2x400x128xf32, #tpu.memory_space<vmem>> -> memref<1x50x128xf32, #tpu.memory_space<vmem>>
        %dma_wait3A_1721 = tpu.memref_squeeze %dma_wait3A_1720 : memref<1x50x128xf32, #tpu.memory_space<vmem>> -> memref<50x128xf32, #tpu.memory_space<vmem>>
        tpu.wait_dma2 semaphore(%arg16 : memref<!tpu.dma_semaphore, #tpu.memory_space<semaphore_mem>>) src(%dma_wait3A_1721 : memref<50x128xf32, #tpu.memory_space<vmem>>) dst(%dma_wait3A_1717 : memref<50x128xf32, #tpu.memory_space<hbm>>)
        %dma_wait3A_1722 = arith.constant 0 : i32
        %dma_wait3A_1723 = arith.constant 100 : i32
        %dma_wait3A_1724 = arith.constant 0 : i32
        %dma_wait3A_1725 = tpu.memref_slice %arg11[%dma_wait3A_1722, %dma_wait3A_1723, %dma_wait3A_1724] : memref<2x400x128xf32, #tpu.memory_space<vmem>> -> memref<1x50x128xf32, #tpu.memory_space<vmem>>
        %dma_wait3A_1726 = tpu.memref_squeeze %dma_wait3A_1725 : memref<1x50x128xf32, #tpu.memory_space<vmem>> -> memref<50x128xf32, #tpu.memory_space<vmem>>
        %dma_wait3A_1727 = arith.constant 0 : i32
        %dma_wait3A_1728 = arith.constant 0 : i32
        %dma_wait3A_1729 = tpu.memref_slice %arg6[%mul3A_2, %dma_wait3A_1727, %dma_wait3A_1728] : memref<16384x50x128xf32, #tpu.memory_space<hbm>> -> memref<1x50x128xf32, #tpu.memory_space<hbm>>
        %dma_wait3A_1730 = tpu.memref_squeeze %dma_wait3A_1729 : memref<1x50x128xf32, #tpu.memory_space<hbm>> -> memref<50x128xf32, #tpu.memory_space<hbm>>
        %dma_wait3A_1731 = arith.constant 0 : i32
        %dma_wait3A_1732 = arith.constant 0 : i32
        %dma_wait3A_1733 = tpu.memref_slice %arg6[%mul3A_2, %dma_wait3A_1731, %dma_wait3A_1732] : memref<16384x50x128xf32, #tpu.memory_space<hbm>> -> memref<1x50x128xf32, #tpu.memory_space<hbm>>
        %dma_wait3A_1734 = tpu.memref_squeeze %dma_wait3A_1733 : memref<1x50x128xf32, #tpu.memory_space<hbm>> -> memref<50x128xf32, #tpu.memory_space<hbm>>
        %dma_wait3A_1735 = arith.constant 100 : i32
        %dma_wait3A_1736 = arith.constant 0 : i32
        %dma_wait3A_1737 = tpu.memref_slice %arg11[%dma_wait3A_1722, %dma_wait3A_1735, %dma_wait3A_1736] : memref<2x400x128xf32, #tpu.memory_space<vmem>> -> memref<1x50x128xf32, #tpu.memory_space<vmem>>
        %dma_wait3A_1738 = tpu.memref_squeeze %dma_wait3A_1737 : memref<1x50x128xf32, #tpu.memory_space<vmem>> -> memref<50x128xf32, #tpu.memory_space<vmem>>
        tpu.wait_dma2 semaphore(%arg16 : memref<!tpu.dma_semaphore, #tpu.memory_space<semaphore_mem>>) src(%dma_wait3A_1738 : memref<50x128xf32, #tpu.memory_space<vmem>>) dst(%dma_wait3A_1734 : memref<50x128xf32, #tpu.memory_space<hbm>>)
        %dma_wait3A_1739 = arith.constant 0 : i32
        %dma_wait3A_1740 = arith.constant 150 : i32
        %dma_wait3A_1741 = arith.constant 0 : i32
        %dma_wait3A_1742 = tpu.memref_slice %arg11[%dma_wait3A_1739, %dma_wait3A_1740, %dma_wait3A_1741] : memref<2x400x128xf32, #tpu.memory_space<vmem>> -> memref<1x50x128xf32, #tpu.memory_space<vmem>>
        %dma_wait3A_1743 = tpu.memref_squeeze %dma_wait3A_1742 : memref<1x50x128xf32, #tpu.memory_space<vmem>> -> memref<50x128xf32, #tpu.memory_space<vmem>>
        %dma_wait3A_1744 = arith.constant 0 : i32
        %dma_wait3A_1745 = arith.constant 0 : i32
        %dma_wait3A_1746 = tpu.memref_slice %arg6[%mul3A_2, %dma_wait3A_1744, %dma_wait3A_1745] : memref<16384x50x128xf32, #tpu.memory_space<hbm>> -> memref<1x50x128xf32, #tpu.memory_space<hbm>>
        %dma_wait3A_1747 = tpu.memref_squeeze %dma_wait3A_1746 : memref<1x50x128xf32, #tpu.memory_space<hbm>> -> memref<50x128xf32, #tpu.memory_space<hbm>>
        %dma_wait3A_1748 = arith.constant 0 : i32
        %dma_wait3A_1749 = arith.constant 0 : i32
        %dma_wait3A_1750 = tpu.memref_slice %arg6[%mul3A_2, %dma_wait3A_1748, %dma_wait3A_1749] : memref<16384x50x128xf32, #tpu.memory_space<hbm>> -> memref<1x50x128xf32, #tpu.memory_space<hbm>>
        %dma_wait3A_1751 = tpu.memref_squeeze %dma_wait3A_1750 : memref<1x50x128xf32, #tpu.memory_space<hbm>> -> memref<50x128xf32, #tpu.memory_space<hbm>>
        %dma_wait3A_1752 = arith.constant 150 : i32
        %dma_wait3A_1753 = arith.constant 0 : i32
        %dma_wait3A_1754 = tpu.memref_slice %arg11[%dma_wait3A_1739, %dma_wait3A_1752, %dma_wait3A_1753] : memref<2x400x128xf32, #tpu.memory_space<vmem>> -> memref<1x50x128xf32, #tpu.memory_space<vmem>>
        %dma_wait3A_1755 = tpu.memref_squeeze %dma_wait3A_1754 : memref<1x50x128xf32, #tpu.memory_space<vmem>> -> memref<50x128xf32, #tpu.memory_space<vmem>>
        tpu.wait_dma2 semaphore(%arg16 : memref<!tpu.dma_semaphore, #tpu.memory_space<semaphore_mem>>) src(%dma_wait3A_1755 : memref<50x128xf32, #tpu.memory_space<vmem>>) dst(%dma_wait3A_1751 : memref<50x128xf32, #tpu.memory_space<hbm>>)
        %dma_wait3A_1756 = arith.constant 0 : i32
        %dma_wait3A_1757 = arith.constant 200 : i32
        %dma_wait3A_1758 = arith.constant 0 : i32
        %dma_wait3A_1759 = tpu.memref_slice %arg11[%dma_wait3A_1756, %dma_wait3A_1757, %dma_wait3A_1758] : memref<2x400x128xf32, #tpu.memory_space<vmem>> -> memref<1x50x128xf32, #tpu.memory_space<vmem>>
        %dma_wait3A_1760 = tpu.memref_squeeze %dma_wait3A_1759 : memref<1x50x128xf32, #tpu.memory_space<vmem>> -> memref<50x128xf32, #tpu.memory_space<vmem>>
        %dma_wait3A_1761 = arith.constant 0 : i32
        %dma_wait3A_1762 = arith.constant 0 : i32
        %dma_wait3A_1763 = tpu.memref_slice %arg6[%mul3A_2, %dma_wait3A_1761, %dma_wait3A_1762] : memref<16384x50x128xf32, #tpu.memory_space<hbm>> -> memref<1x50x128xf32, #tpu.memory_space<hbm>>
        %dma_wait3A_1764 = tpu.memref_squeeze %dma_wait3A_1763 : memref<1x50x128xf32, #tpu.memory_space<hbm>> -> memref<50x128xf32, #tpu.memory_space<hbm>>
        %dma_wait3A_1765 = arith.constant 0 : i32
        %dma_wait3A_1766 = arith.constant 0 : i32
        %dma_wait3A_1767 = tpu.memref_slice %arg6[%mul3A_2, %dma_wait3A_1765, %dma_wait3A_1766] : memref<16384x50x128xf32, #tpu.memory_space<hbm>> -> memref<1x50x128xf32, #tpu.memory_space<hbm>>
        %dma_wait3A_1768 = tpu.memref_squeeze %dma_wait3A_1767 : memref<1x50x128xf32, #tpu.memory_space<hbm>> -> memref<50x128xf32, #tpu.memory_space<hbm>>
        %dma_wait3A_1769 = arith.constant 200 : i32
        %dma_wait3A_1770 = arith.constant 0 : i32
        %dma_wait3A_1771 = tpu.memref_slice %arg11[%dma_wait3A_1756, %dma_wait3A_1769, %dma_wait3A_1770] : memref<2x400x128xf32, #tpu.memory_space<vmem>> -> memref<1x50x128xf32, #tpu.memory_space<vmem>>
        %dma_wait3A_1772 = tpu.memref_squeeze %dma_wait3A_1771 : memref<1x50x128xf32, #tpu.memory_space<vmem>> -> memref<50x128xf32, #tpu.memory_space<vmem>>
        tpu.wait_dma2 semaphore(%arg16 : memref<!tpu.dma_semaphore, #tpu.memory_space<semaphore_mem>>) src(%dma_wait3A_1772 : memref<50x128xf32, #tpu.memory_space<vmem>>) dst(%dma_wait3A_1768 : memref<50x128xf32, #tpu.memory_space<hbm>>)
        %dma_wait3A_1773 = arith.constant 0 : i32
        %dma_wait3A_1774 = arith.constant 250 : i32
        %dma_wait3A_1775 = arith.constant 0 : i32
        %dma_wait3A_1776 = tpu.memref_slice %arg11[%dma_wait3A_1773, %dma_wait3A_1774, %dma_wait3A_1775] : memref<2x400x128xf32, #tpu.memory_space<vmem>> -> memref<1x50x128xf32, #tpu.memory_space<vmem>>
        %dma_wait3A_1777 = tpu.memref_squeeze %dma_wait3A_1776 : memref<1x50x128xf32, #tpu.memory_space<vmem>> -> memref<50x128xf32, #tpu.memory_space<vmem>>
        %dma_wait3A_1778 = arith.constant 0 : i32
        %dma_wait3A_1779 = arith.constant 0 : i32
        %dma_wait3A_1780 = tpu.memref_slice %arg6[%mul3A_2, %dma_wait3A_1778, %dma_wait3A_1779] : memref<16384x50x128xf32, #tpu.memory_space<hbm>> -> memref<1x50x128xf32, #tpu.memory_space<hbm>>
        %dma_wait3A_1781 = tpu.memref_squeeze %dma_wait3A_1780 : memref<1x50x128xf32, #tpu.memory_space<hbm>> -> memref<50x128xf32, #tpu.memory_space<hbm>>
        %dma_wait3A_1782 = arith.constant 0 : i32
        %dma_wait3A_1783 = arith.constant 0 : i32
        %dma_wait3A_1784 = tpu.memref_slice %arg6[%mul3A_2, %dma_wait3A_1782, %dma_wait3A_1783] : memref<16384x50x128xf32, #tpu.memory_space<hbm>> -> memref<1x50x128xf32, #tpu.memory_space<hbm>>
        %dma_wait3A_1785 = tpu.memref_squeeze %dma_wait3A_1784 : memref<1x50x128xf32, #tpu.memory_space<hbm>> -> memref<50x128xf32, #tpu.memory_space<hbm>>
        %dma_wait3A_1786 = arith.constant 250 : i32
        %dma_wait3A_1787 = arith.constant 0 : i32
        %dma_wait3A_1788 = tpu.memref_slice %arg11[%dma_wait3A_1773, %dma_wait3A_1786, %dma_wait3A_1787] : memref<2x400x128xf32, #tpu.memory_space<vmem>> -> memref<1x50x128xf32, #tpu.memory_space<vmem>>
        %dma_wait3A_1789 = tpu.memref_squeeze %dma_wait3A_1788 : memref<1x50x128xf32, #tpu.memory_space<vmem>> -> memref<50x128xf32, #tpu.memory_space<vmem>>
        tpu.wait_dma2 semaphore(%arg16 : memref<!tpu.dma_semaphore, #tpu.memory_space<semaphore_mem>>) src(%dma_wait3A_1789 : memref<50x128xf32, #tpu.memory_space<vmem>>) dst(%dma_wait3A_1785 : memref<50x128xf32, #tpu.memory_space<hbm>>)
        %dma_wait3A_1790 = arith.constant 0 : i32
        %dma_wait3A_1791 = arith.constant 300 : i32
        %dma_wait3A_1792 = arith.constant 0 : i32
        %dma_wait3A_1793 = tpu.memref_slice %arg11[%dma_wait3A_1790, %dma_wait3A_1791, %dma_wait3A_1792] : memref<2x400x128xf32, #tpu.memory_space<vmem>> -> memref<1x50x128xf32, #tpu.memory_space<vmem>>
        %dma_wait3A_1794 = tpu.memref_squeeze %dma_wait3A_1793 : memref<1x50x128xf32, #tpu.memory_space<vmem>> -> memref<50x128xf32, #tpu.memory_space<vmem>>
        %dma_wait3A_1795 = arith.constant 0 : i32
        %dma_wait3A_1796 = arith.constant 0 : i32
        %dma_wait3A_1797 = tpu.memref_slice %arg6[%mul3A_2, %dma_wait3A_1795, %dma_wait3A_1796] : memref<16384x50x128xf32, #tpu.memory_space<hbm>> -> memref<1x50x128xf32, #tpu.memory_space<hbm>>
        %dma_wait3A_1798 = tpu.memref_squeeze %dma_wait3A_1797 : memref<1x50x128xf32, #tpu.memory_space<hbm>> -> memref<50x128xf32, #tpu.memory_space<hbm>>
        %dma_wait3A_1799 = arith.constant 0 : i32
        %dma_wait3A_1800 = arith.constant 0 : i32
        %dma_wait3A_1801 = tpu.memref_slice %arg6[%mul3A_2, %dma_wait3A_1799, %dma_wait3A_1800] : memref<16384x50x128xf32, #tpu.memory_space<hbm>> -> memref<1x50x128xf32, #tpu.memory_space<hbm>>
        %dma_wait3A_1802 = tpu.memref_squeeze %dma_wait3A_1801 : memref<1x50x128xf32, #tpu.memory_space<hbm>> -> memref<50x128xf32, #tpu.memory_space<hbm>>
        %dma_wait3A_1803 = arith.constant 300 : i32
        %dma_wait3A_1804 = arith.constant 0 : i32
        %dma_wait3A_1805 = tpu.memref_slice %arg11[%dma_wait3A_1790, %dma_wait3A_1803, %dma_wait3A_1804] : memref<2x400x128xf32, #tpu.memory_space<vmem>> -> memref<1x50x128xf32, #tpu.memory_space<vmem>>
        %dma_wait3A_1806 = tpu.memref_squeeze %dma_wait3A_1805 : memref<1x50x128xf32, #tpu.memory_space<vmem>> -> memref<50x128xf32, #tpu.memory_space<vmem>>
        tpu.wait_dma2 semaphore(%arg16 : memref<!tpu.dma_semaphore, #tpu.memory_space<semaphore_mem>>) src(%dma_wait3A_1806 : memref<50x128xf32, #tpu.memory_space<vmem>>) dst(%dma_wait3A_1802 : memref<50x128xf32, #tpu.memory_space<hbm>>)
        %dma_wait3A_1807 = arith.constant 0 : i32
        %dma_wait3A_1808 = arith.constant 350 : i32
        %dma_wait3A_1809 = arith.constant 0 : i32
        %dma_wait3A_1810 = tpu.memref_slice %arg11[%dma_wait3A_1807, %dma_wait3A_1808, %dma_wait3A_1809] : memref<2x400x128xf32, #tpu.memory_space<vmem>> -> memref<1x50x128xf32, #tpu.memory_space<vmem>>
        %dma_wait3A_1811 = tpu.memref_squeeze %dma_wait3A_1810 : memref<1x50x128xf32, #tpu.memory_space<vmem>> -> memref<50x128xf32, #tpu.memory_space<vmem>>
        %dma_wait3A_1812 = arith.constant 0 : i32
        %dma_wait3A_1813 = arith.constant 0 : i32
        %dma_wait3A_1814 = tpu.memref_slice %arg6[%mul3A_2, %dma_wait3A_1812, %dma_wait3A_1813] : memref<16384x50x128xf32, #tpu.memory_space<hbm>> -> memref<1x50x128xf32, #tpu.memory_space<hbm>>
        %dma_wait3A_1815 = tpu.memref_squeeze %dma_wait3A_1814 : memref<1x50x128xf32, #tpu.memory_space<hbm>> -> memref<50x128xf32, #tpu.memory_space<hbm>>
        %dma_wait3A_1816 = arith.constant 0 : i32
        %dma_wait3A_1817 = arith.constant 0 : i32
        %dma_wait3A_1818 = tpu.memref_slice %arg6[%mul3A_2, %dma_wait3A_1816, %dma_wait3A_1817] : memref<16384x50x128xf32, #tpu.memory_space<hbm>> -> memref<1x50x128xf32, #tpu.memory_space<hbm>>
        %dma_wait3A_1819 = tpu.memref_squeeze %dma_wait3A_1818 : memref<1x50x128xf32, #tpu.memory_space<hbm>> -> memref<50x128xf32, #tpu.memory_space<hbm>>
        %dma_wait3A_1820 = arith.constant 350 : i32
        %dma_wait3A_1821 = arith.constant 0 : i32
        %dma_wait3A_1822 = tpu.memref_slice %arg11[%dma_wait3A_1807, %dma_wait3A_1820, %dma_wait3A_1821] : memref<2x400x128xf32, #tpu.memory_space<vmem>> -> memref<1x50x128xf32, #tpu.memory_space<vmem>>
        %dma_wait3A_1823 = tpu.memref_squeeze %dma_wait3A_1822 : memref<1x50x128xf32, #tpu.memory_space<vmem>> -> memref<50x128xf32, #tpu.memory_space<vmem>>
        tpu.wait_dma2 semaphore(%arg16 : memref<!tpu.dma_semaphore, #tpu.memory_space<semaphore_mem>>) src(%dma_wait3A_1823 : memref<50x128xf32, #tpu.memory_space<vmem>>) dst(%dma_wait3A_1819 : memref<50x128xf32, #tpu.memory_space<hbm>>)
      } else {
      }
      %dma_start3A_819 = arith.constant 0 : i32
      %dma_start3A_820 = arith.constant 0 : i32
      %dma_start3A_821 = arith.constant 0 : i32
      %dma_start3A_822 = tpu.memref_slice %arg11[%dma_start3A_819, %dma_start3A_820, %dma_start3A_821] : memref<2x400x128xf32, #tpu.memory_space<vmem>> -> memref<1x128x128xf32, #tpu.memory_space<vmem>>
      %dma_start3A_823 = tpu.memref_squeeze %dma_start3A_822 : memref<1x128x128xf32, #tpu.memory_space<vmem>> -> memref<128x128xf32, #tpu.memory_space<vmem>>
      %dma_start3A_824 = arith.constant 0 : i32
      %dma_start3A_825 = tpu.memref_slice %arg10[%dma_start3A_824] : memref<800xi32, #tpu.memory_space<vmem>> -> memref<128xi32, #tpu.memory_space<vmem>>
      %dma_start3A_826 = arith.constant 0 : i32
      %dma_start3A_827 = arith.constant 0 : i32
      %dma_start3A_828 = tpu.memref_slice %arg5[%dma_start3A_826, %dma_start3A_827] : memref<4096x128xf32, #tpu.memory_space<hbm>> -> memref<4096x128xf32, #tpu.memory_space<hbm>>
      tpu.enqueue_indirect_dma source(%dma_start3A_828 : memref<4096x128xf32, #tpu.memory_space<hbm>>) target(%dma_start3A_823 : memref<128x128xf32, #tpu.memory_space<vmem>>) offsets(%dma_start3A_825 : memref<128xi32, #tpu.memory_space<vmem>>) semaphore(%arg14 : memref<!tpu.dma_semaphore, #tpu.memory_space<semaphore_mem>>)
      %dma_start3A_829 = arith.constant 0 : i32
      %dma_start3A_830 = arith.constant 128 : i32
      %dma_start3A_831 = arith.constant 0 : i32
      %dma_start3A_832 = tpu.memref_slice %arg11[%dma_start3A_829, %dma_start3A_830, %dma_start3A_831] : memref<2x400x128xf32, #tpu.memory_space<vmem>> -> memref<1x128x128xf32, #tpu.memory_space<vmem>>
      %dma_start3A_833 = tpu.memref_squeeze %dma_start3A_832 : memref<1x128x128xf32, #tpu.memory_space<vmem>> -> memref<128x128xf32, #tpu.memory_space<vmem>>
      %dma_start3A_834 = arith.constant 128 : i32
      %dma_start3A_835 = tpu.memref_slice %arg10[%dma_start3A_834] : memref<800xi32, #tpu.memory_space<vmem>> -> memref<128xi32, #tpu.memory_space<vmem>>
      %dma_start3A_836 = arith.constant 0 : i32
      %dma_start3A_837 = arith.constant 0 : i32
      %dma_start3A_838 = tpu.memref_slice %arg5[%dma_start3A_836, %dma_start3A_837] : memref<4096x128xf32, #tpu.memory_space<hbm>> -> memref<4096x128xf32, #tpu.memory_space<hbm>>
      tpu.enqueue_indirect_dma source(%dma_start3A_838 : memref<4096x128xf32, #tpu.memory_space<hbm>>) target(%dma_start3A_833 : memref<128x128xf32, #tpu.memory_space<vmem>>) offsets(%dma_start3A_835 : memref<128xi32, #tpu.memory_space<vmem>>) semaphore(%arg14 : memref<!tpu.dma_semaphore, #tpu.memory_space<semaphore_mem>>)
      %dma_start3A_839 = arith.constant 0 : i32
      %dma_start3A_840 = arith.constant 256 : i32
      %dma_start3A_841 = arith.constant 0 : i32
      %dma_start3A_842 = tpu.memref_slice %arg11[%dma_start3A_839, %dma_start3A_840, %dma_start3A_841] : memref<2x400x128xf32, #tpu.memory_space<vmem>> -> memref<1x128x128xf32, #tpu.memory_space<vmem>>
      %dma_start3A_843 = tpu.memref_squeeze %dma_start3A_842 : memref<1x128x128xf32, #tpu.memory_space<vmem>> -> memref<128x128xf32, #tpu.memory_space<vmem>>
      %dma_start3A_844 = arith.constant 256 : i32
      %dma_start3A_845 = tpu.memref_slice %arg10[%dma_start3A_844] : memref<800xi32, #tpu.memory_space<vmem>> -> memref<128xi32, #tpu.memory_space<vmem>>
      %dma_start3A_846 = arith.constant 0 : i32
      %dma_start3A_847 = arith.constant 0 : i32
      %dma_start3A_848 = tpu.memref_slice %arg5[%dma_start3A_846, %dma_start3A_847] : memref<4096x128xf32, #tpu.memory_space<hbm>> -> memref<4096x128xf32, #tpu.memory_space<hbm>>
      tpu.enqueue_indirect_dma source(%dma_start3A_848 : memref<4096x128xf32, #tpu.memory_space<hbm>>) target(%dma_start3A_843 : memref<128x128xf32, #tpu.memory_space<vmem>>) offsets(%dma_start3A_845 : memref<128xi32, #tpu.memory_space<vmem>>) semaphore(%arg14 : memref<!tpu.dma_semaphore, #tpu.memory_space<semaphore_mem>>)
      %dma_start3A_849 = arith.constant 0 : i32
      %dma_start3A_850 = arith.constant 384 : i32
      %dma_start3A_851 = arith.constant 0 : i32
      %dma_start3A_852 = tpu.memref_slice %arg11[%dma_start3A_849, %dma_start3A_850, %dma_start3A_851] : memref<2x400x128xf32, #tpu.memory_space<vmem>> -> memref<1x16x128xf32, #tpu.memory_space<vmem>>
      %dma_start3A_853 = tpu.memref_squeeze %dma_start3A_852 : memref<1x16x128xf32, #tpu.memory_space<vmem>> -> memref<16x128xf32, #tpu.memory_space<vmem>>
      %dma_start3A_854 = arith.constant 384 : i32
      %dma_start3A_855 = tpu.memref_slice %arg10[%dma_start3A_854] : memref<800xi32, #tpu.memory_space<vmem>> -> memref<16xi32, #tpu.memory_space<vmem>>
      %dma_start3A_856 = arith.constant 0 : i32
      %dma_start3A_857 = arith.constant 0 : i32
      %dma_start3A_858 = tpu.memref_slice %arg5[%dma_start3A_856, %dma_start3A_857] : memref<4096x128xf32, #tpu.memory_space<hbm>> -> memref<4096x128xf32, #tpu.memory_space<hbm>>
      tpu.enqueue_indirect_dma source(%dma_start3A_858 : memref<4096x128xf32, #tpu.memory_space<hbm>>) target(%dma_start3A_853 : memref<16x128xf32, #tpu.memory_space<vmem>>) offsets(%dma_start3A_855 : memref<16xi32, #tpu.memory_space<vmem>>) semaphore(%arg14 : memref<!tpu.dma_semaphore, #tpu.memory_space<semaphore_mem>>)
      %gt3A_859 = arith.constant 0 : i32
      %gt3A_860 = arith.cmpi sgt, %scan3A_265, %gt3A_859 : i32
      %convert_element_type3A_861 = arith.extui %gt3A_860 : i1 to i32
      %cond3A_862 = arith.constant 0 : i32
      %cond3A_863 = arith.cmpi ne, %convert_element_type3A_861, %cond3A_862 : i32
      scf.if %cond3A_863 {
        %dma_wait3A_1688 = arith.constant 1 : i32
        %dma_wait3A_1689 = arith.constant 0 : i32
        %dma_wait3A_1690 = arith.constant 0 : i32
        %dma_wait3A_1691 = tpu.memref_slice %arg11[%dma_wait3A_1688, %dma_wait3A_1689, %dma_wait3A_1690] : memref<2x400x128xf32, #tpu.memory_space<vmem>> -> memref<1x128x128xf32, #tpu.memory_space<vmem>>
        %dma_wait3A_1692 = tpu.memref_squeeze %dma_wait3A_1691 : memref<1x128x128xf32, #tpu.memory_space<vmem>> -> memref<128x128xf32, #tpu.memory_space<vmem>>
        %dma_wait3A_1693 = arith.constant 400 : i32
        %dma_wait3A_1694 = tpu.memref_slice %arg10[%dma_wait3A_1693] : memref<800xi32, #tpu.memory_space<vmem>> -> memref<128xi32, #tpu.memory_space<vmem>>
        %dma_wait3A_1695 = arith.constant 0 : i32
        %dma_wait3A_1696 = arith.constant 0 : i32
        %dma_wait3A_1697 = tpu.memref_slice %arg5[%dma_wait3A_1695, %dma_wait3A_1696] : memref<4096x128xf32, #tpu.memory_space<hbm>> -> memref<4096x128xf32, #tpu.memory_space<hbm>>
        tpu.wait_indirect_dma semaphore(%arg15 : memref<!tpu.dma_semaphore, #tpu.memory_space<semaphore_mem>>) src(%dma_wait3A_1697 : memref<4096x128xf32, #tpu.memory_space<hbm>>) dst(%dma_wait3A_1692 : memref<128x128xf32, #tpu.memory_space<vmem>>)
        %dma_wait3A_1698 = arith.constant 1 : i32
        %dma_wait3A_1699 = arith.constant 128 : i32
        %dma_wait3A_1700 = arith.constant 0 : i32
        %dma_wait3A_1701 = tpu.memref_slice %arg11[%dma_wait3A_1698, %dma_wait3A_1699, %dma_wait3A_1700] : memref<2x400x128xf32, #tpu.memory_space<vmem>> -> memref<1x128x128xf32, #tpu.memory_space<vmem>>
        %dma_wait3A_1702 = tpu.memref_squeeze %dma_wait3A_1701 : memref<1x128x128xf32, #tpu.memory_space<vmem>> -> memref<128x128xf32, #tpu.memory_space<vmem>>
        %dma_wait3A_1703 = arith.constant 528 : i32
        %dma_wait3A_1704 = tpu.memref_slice %arg10[%dma_wait3A_1703] : memref<800xi32, #tpu.memory_space<vmem>> -> memref<128xi32, #tpu.memory_space<vmem>>
        %dma_wait3A_1705 = arith.constant 0 : i32
        %dma_wait3A_1706 = arith.constant 0 : i32
        %dma_wait3A_1707 = tpu.memref_slice %arg5[%dma_wait3A_1705, %dma_wait3A_1706] : memref<4096x128xf32, #tpu.memory_space<hbm>> -> memref<4096x128xf32, #tpu.memory_space<hbm>>
        tpu.wait_indirect_dma semaphore(%arg15 : memref<!tpu.dma_semaphore, #tpu.memory_space<semaphore_mem>>) src(%dma_wait3A_1707 : memref<4096x128xf32, #tpu.memory_space<hbm>>) dst(%dma_wait3A_1702 : memref<128x128xf32, #tpu.memory_space<vmem>>)
        %dma_wait3A_1708 = arith.constant 1 : i32
        %dma_wait3A_1709 = arith.constant 256 : i32
        %dma_wait3A_1710 = arith.constant 0 : i32
        %dma_wait3A_1711 = tpu.memref_slice %arg11[%dma_wait3A_1708, %dma_wait3A_1709, %dma_wait3A_1710] : memref<2x400x128xf32, #tpu.memory_space<vmem>> -> memref<1x128x128xf32, #tpu.memory_space<vmem>>
        %dma_wait3A_1712 = tpu.memref_squeeze %dma_wait3A_1711 : memref<1x128x128xf32, #tpu.memory_space<vmem>> -> memref<128x128xf32, #tpu.memory_space<vmem>>
        %dma_wait3A_1713 = arith.constant 656 : i32
        %dma_wait3A_1714 = tpu.memref_slice %arg10[%dma_wait3A_1713] : memref<800xi32, #tpu.memory_space<vmem>> -> memref<128xi32, #tpu.memory_space<vmem>>
        %dma_wait3A_1715 = arith.constant 0 : i32
        %dma_wait3A_1716 = arith.constant 0 : i32
        %dma_wait3A_1717 = tpu.memref_slice %arg5[%dma_wait3A_1715, %dma_wait3A_1716] : memref<4096x128xf32, #tpu.memory_space<hbm>> -> memref<4096x128xf32, #tpu.memory_space<hbm>>
        tpu.wait_indirect_dma semaphore(%arg15 : memref<!tpu.dma_semaphore, #tpu.memory_space<semaphore_mem>>) src(%dma_wait3A_1717 : memref<4096x128xf32, #tpu.memory_space<hbm>>) dst(%dma_wait3A_1712 : memref<128x128xf32, #tpu.memory_space<vmem>>)
        %dma_wait3A_1718 = arith.constant 1 : i32
        %dma_wait3A_1719 = arith.constant 384 : i32
        %dma_wait3A_1720 = arith.constant 0 : i32
        %dma_wait3A_1721 = tpu.memref_slice %arg11[%dma_wait3A_1718, %dma_wait3A_1719, %dma_wait3A_1720] : memref<2x400x128xf32, #tpu.memory_space<vmem>> -> memref<1x16x128xf32, #tpu.memory_space<vmem>>
        %dma_wait3A_1722 = tpu.memref_squeeze %dma_wait3A_1721 : memref<1x16x128xf32, #tpu.memory_space<vmem>> -> memref<16x128xf32, #tpu.memory_space<vmem>>
        %dma_wait3A_1723 = arith.constant 784 : i32
        %dma_wait3A_1724 = tpu.memref_slice %arg10[%dma_wait3A_1723] : memref<800xi32, #tpu.memory_space<vmem>> -> memref<16xi32, #tpu.memory_space<vmem>>
        %dma_wait3A_1725 = arith.constant 0 : i32
        %dma_wait3A_1726 = arith.constant 0 : i32
        %dma_wait3A_1727 = tpu.memref_slice %arg5[%dma_wait3A_1725, %dma_wait3A_1726] : memref<4096x128xf32, #tpu.memory_space<hbm>> -> memref<4096x128xf32, #tpu.memory_space<hbm>>
        tpu.wait_indirect_dma semaphore(%arg15 : memref<!tpu.dma_semaphore, #tpu.memory_space<semaphore_mem>>) src(%dma_wait3A_1727 : memref<4096x128xf32, #tpu.memory_space<hbm>>) dst(%dma_wait3A_1722 : memref<16x128xf32, #tpu.memory_space<vmem>>)
        %sub3A_1728 = arith.constant 1 : i32
        %sub3A_1729 = arith.subi %add3A_269, %sub3A_1728 : i32
        %mul3A_1730 = arith.constant 8 : i32
        %mul3A_1731 = arith.muli %sub3A_1729, %mul3A_1730 : i32
        %add3A_1732 = arith.addi %mul3A_2, %mul3A_1731 : i32
        %add3A_1733 = arith.constant 0 : i32
        %add3A_1734 = arith.addi %add3A_1732, %add3A_1733 : i32
        %dma_start3A_1735 = arith.constant 1 : i32
        %dma_start3A_1736 = arith.constant 0 : i32
        %dma_start3A_1737 = arith.constant 0 : i32
        %dma_start3A_1738 = tpu.memref_slice %arg11[%dma_start3A_1735, %dma_start3A_1736, %dma_start3A_1737] : memref<2x400x128xf32, #tpu.memory_space<vmem>> -> memref<1x50x128xf32, #tpu.memory_space<vmem>>
        %dma_start3A_1739 = tpu.memref_squeeze %dma_start3A_1738 : memref<1x50x128xf32, #tpu.memory_space<vmem>> -> memref<50x128xf32, #tpu.memory_space<vmem>>
        %dma_start3A_1740 = arith.constant 0 : i32
        %dma_start3A_1741 = arith.constant 0 : i32
        %dma_start3A_1742 = tpu.memref_slice %arg6[%add3A_1734, %dma_start3A_1740, %dma_start3A_1741] : memref<16384x50x128xf32, #tpu.memory_space<hbm>> -> memref<1x50x128xf32, #tpu.memory_space<hbm>>
        %dma_start3A_1743 = tpu.memref_squeeze %dma_start3A_1742 : memref<1x50x128xf32, #tpu.memory_space<hbm>> -> memref<50x128xf32, #tpu.memory_space<hbm>>
        %dma_start3A_1744 = arith.constant 0 : i32
        %dma_start3A_1745 = arith.constant 0 : i32
        %dma_start3A_1746 = tpu.memref_slice %arg6[%add3A_1734, %dma_start3A_1744, %dma_start3A_1745] : memref<16384x50x128xf32, #tpu.memory_space<hbm>> -> memref<1x50x128xf32, #tpu.memory_space<hbm>>
        %dma_start3A_1747 = tpu.memref_squeeze %dma_start3A_1746 : memref<1x50x128xf32, #tpu.memory_space<hbm>> -> memref<50x128xf32, #tpu.memory_space<hbm>>
        %dma_start3A_1748 = arith.constant 0 : i32
        %dma_start3A_1749 = arith.constant 0 : i32
        %dma_start3A_1750 = tpu.memref_slice %arg11[%dma_start3A_1735, %dma_start3A_1748, %dma_start3A_1749] : memref<2x400x128xf32, #tpu.memory_space<vmem>> -> memref<1x50x128xf32, #tpu.memory_space<vmem>>
        %dma_start3A_1751 = tpu.memref_squeeze %dma_start3A_1750 : memref<1x50x128xf32, #tpu.memory_space<vmem>> -> memref<50x128xf32, #tpu.memory_space<vmem>>
        tpu.enqueue_dma source(%dma_start3A_1751 : memref<50x128xf32, #tpu.memory_space<vmem>>) target(%dma_start3A_1747 : memref<50x128xf32, #tpu.memory_space<hbm>>) target_semaphore(%arg17 : memref<!tpu.dma_semaphore, #tpu.memory_space<semaphore_mem>>)
        %mul3A_1752 = arith.constant 8 : i32
        %mul3A_1753 = arith.muli %sub3A_1729, %mul3A_1752 : i32
        %add3A_1754 = arith.addi %mul3A_2, %mul3A_1753 : i32
        %add3A_1755 = arith.constant 1 : i32
        %add3A_1756 = arith.addi %add3A_1754, %add3A_1755 : i32
        %dma_start3A_1757 = arith.constant 1 : i32
        %dma_start3A_1758 = arith.constant 50 : i32
        %dma_start3A_1759 = arith.constant 0 : i32
        %dma_start3A_1760 = tpu.memref_slice %arg11[%dma_start3A_1757, %dma_start3A_1758, %dma_start3A_1759] : memref<2x400x128xf32, #tpu.memory_space<vmem>> -> memref<1x50x128xf32, #tpu.memory_space<vmem>>
        %dma_start3A_1761 = tpu.memref_squeeze %dma_start3A_1760 : memref<1x50x128xf32, #tpu.memory_space<vmem>> -> memref<50x128xf32, #tpu.memory_space<vmem>>
        %dma_start3A_1762 = arith.constant 0 : i32
        %dma_start3A_1763 = arith.constant 0 : i32
        %dma_start3A_1764 = tpu.memref_slice %arg6[%add3A_1756, %dma_start3A_1762, %dma_start3A_1763] : memref<16384x50x128xf32, #tpu.memory_space<hbm>> -> memref<1x50x128xf32, #tpu.memory_space<hbm>>
        %dma_start3A_1765 = tpu.memref_squeeze %dma_start3A_1764 : memref<1x50x128xf32, #tpu.memory_space<hbm>> -> memref<50x128xf32, #tpu.memory_space<hbm>>
        %dma_start3A_1766 = arith.constant 0 : i32
        %dma_start3A_1767 = arith.constant 0 : i32
        %dma_start3A_1768 = tpu.memref_slice %arg6[%add3A_1756, %dma_start3A_1766, %dma_start3A_1767] : memref<16384x50x128xf32, #tpu.memory_space<hbm>> -> memref<1x50x128xf32, #tpu.memory_space<hbm>>
        %dma_start3A_1769 = tpu.memref_squeeze %dma_start3A_1768 : memref<1x50x128xf32, #tpu.memory_space<hbm>> -> memref<50x128xf32, #tpu.memory_space<hbm>>
        %dma_start3A_1770 = arith.constant 50 : i32
        %dma_start3A_1771 = arith.constant 0 : i32
        %dma_start3A_1772 = tpu.memref_slice %arg11[%dma_start3A_1757, %dma_start3A_1770, %dma_start3A_1771] : memref<2x400x128xf32, #tpu.memory_space<vmem>> -> memref<1x50x128xf32, #tpu.memory_space<vmem>>
        %dma_start3A_1773 = tpu.memref_squeeze %dma_start3A_1772 : memref<1x50x128xf32, #tpu.memory_space<vmem>> -> memref<50x128xf32, #tpu.memory_space<vmem>>
        tpu.enqueue_dma source(%dma_start3A_1773 : memref<50x128xf32, #tpu.memory_space<vmem>>) target(%dma_start3A_1769 : memref<50x128xf32, #tpu.memory_space<hbm>>) target_semaphore(%arg17 : memref<!tpu.dma_semaphore, #tpu.memory_space<semaphore_mem>>)
        %mul3A_1774 = arith.constant 8 : i32
        %mul3A_1775 = arith.muli %sub3A_1729, %mul3A_1774 : i32
        %add3A_1776 = arith.addi %mul3A_2, %mul3A_1775 : i32
        %add3A_1777 = arith.constant 2 : i32
        %add3A_1778 = arith.addi %add3A_1776, %add3A_1777 : i32
        %dma_start3A_1779 = arith.constant 1 : i32
        %dma_start3A_1780 = arith.constant 100 : i32
        %dma_start3A_1781 = arith.constant 0 : i32
        %dma_start3A_1782 = tpu.memref_slice %arg11[%dma_start3A_1779, %dma_start3A_1780, %dma_start3A_1781] : memref<2x400x128xf32, #tpu.memory_space<vmem>> -> memref<1x50x128xf32, #tpu.memory_space<vmem>>
        %dma_start3A_1783 = tpu.memref_squeeze %dma_start3A_1782 : memref<1x50x128xf32, #tpu.memory_space<vmem>> -> memref<50x128xf32, #tpu.memory_space<vmem>>
        %dma_start3A_1784 = arith.constant 0 : i32
        %dma_start3A_1785 = arith.constant 0 : i32
        %dma_start3A_1786 = tpu.memref_slice %arg6[%add3A_1778, %dma_start3A_1784, %dma_start3A_1785] : memref<16384x50x128xf32, #tpu.memory_space<hbm>> -> memref<1x50x128xf32, #tpu.memory_space<hbm>>
        %dma_start3A_1787 = tpu.memref_squeeze %dma_start3A_1786 : memref<1x50x128xf32, #tpu.memory_space<hbm>> -> memref<50x128xf32, #tpu.memory_space<hbm>>
        %dma_start3A_1788 = arith.constant 0 : i32
        %dma_start3A_1789 = arith.constant 0 : i32
        %dma_start3A_1790 = tpu.memref_slice %arg6[%add3A_1778, %dma_start3A_1788, %dma_start3A_1789] : memref<16384x50x128xf32, #tpu.memory_space<hbm>> -> memref<1x50x128xf32, #tpu.memory_space<hbm>>
        %dma_start3A_1791 = tpu.memref_squeeze %dma_start3A_1790 : memref<1x50x128xf32, #tpu.memory_space<hbm>> -> memref<50x128xf32, #tpu.memory_space<hbm>>
        %dma_start3A_1792 = arith.constant 100 : i32
        %dma_start3A_1793 = arith.constant 0 : i32
        %dma_start3A_1794 = tpu.memref_slice %arg11[%dma_start3A_1779, %dma_start3A_1792, %dma_start3A_1793] : memref<2x400x128xf32, #tpu.memory_space<vmem>> -> memref<1x50x128xf32, #tpu.memory_space<vmem>>
        %dma_start3A_1795 = tpu.memref_squeeze %dma_start3A_1794 : memref<1x50x128xf32, #tpu.memory_space<vmem>> -> memref<50x128xf32, #tpu.memory_space<vmem>>
        tpu.enqueue_dma source(%dma_start3A_1795 : memref<50x128xf32, #tpu.memory_space<vmem>>) target(%dma_start3A_1791 : memref<50x128xf32, #tpu.memory_space<hbm>>) target_semaphore(%arg17 : memref<!tpu.dma_semaphore, #tpu.memory_space<semaphore_mem>>)
        %mul3A_1796 = arith.constant 8 : i32
        %mul3A_1797 = arith.muli %sub3A_1729, %mul3A_1796 : i32
        %add3A_1798 = arith.addi %mul3A_2, %mul3A_1797 : i32
        %add3A_1799 = arith.constant 3 : i32
        %add3A_1800 = arith.addi %add3A_1798, %add3A_1799 : i32
        %dma_start3A_1801 = arith.constant 1 : i32
        %dma_start3A_1802 = arith.constant 150 : i32
        %dma_start3A_1803 = arith.constant 0 : i32
        %dma_start3A_1804 = tpu.memref_slice %arg11[%dma_start3A_1801, %dma_start3A_1802, %dma_start3A_1803] : memref<2x400x128xf32, #tpu.memory_space<vmem>> -> memref<1x50x128xf32, #tpu.memory_space<vmem>>
        %dma_start3A_1805 = tpu.memref_squeeze %dma_start3A_1804 : memref<1x50x128xf32, #tpu.memory_space<vmem>> -> memref<50x128xf32, #tpu.memory_space<vmem>>
        %dma_start3A_1806 = arith.constant 0 : i32
        %dma_start3A_1807 = arith.constant 0 : i32
        %dma_start3A_1808 = tpu.memref_slice %arg6[%add3A_1800, %dma_start3A_1806, %dma_start3A_1807] : memref<16384x50x128xf32, #tpu.memory_space<hbm>> -> memref<1x50x128xf32, #tpu.memory_space<hbm>>
        %dma_start3A_1809 = tpu.memref_squeeze %dma_start3A_1808 : memref<1x50x128xf32, #tpu.memory_space<hbm>> -> memref<50x128xf32, #tpu.memory_space<hbm>>
        %dma_start3A_1810 = arith.constant 0 : i32
        %dma_start3A_1811 = arith.constant 0 : i32
        %dma_start3A_1812 = tpu.memref_slice %arg6[%add3A_1800, %dma_start3A_1810, %dma_start3A_1811] : memref<16384x50x128xf32, #tpu.memory_space<hbm>> -> memref<1x50x128xf32, #tpu.memory_space<hbm>>
        %dma_start3A_1813 = tpu.memref_squeeze %dma_start3A_1812 : memref<1x50x128xf32, #tpu.memory_space<hbm>> -> memref<50x128xf32, #tpu.memory_space<hbm>>
        %dma_start3A_1814 = arith.constant 150 : i32
        %dma_start3A_1815 = arith.constant 0 : i32
        %dma_start3A_1816 = tpu.memref_slice %arg11[%dma_start3A_1801, %dma_start3A_1814, %dma_start3A_1815] : memref<2x400x128xf32, #tpu.memory_space<vmem>> -> memref<1x50x128xf32, #tpu.memory_space<vmem>>
        %dma_start3A_1817 = tpu.memref_squeeze %dma_start3A_1816 : memref<1x50x128xf32, #tpu.memory_space<vmem>> -> memref<50x128xf32, #tpu.memory_space<vmem>>
        tpu.enqueue_dma source(%dma_start3A_1817 : memref<50x128xf32, #tpu.memory_space<vmem>>) target(%dma_start3A_1813 : memref<50x128xf32, #tpu.memory_space<hbm>>) target_semaphore(%arg17 : memref<!tpu.dma_semaphore, #tpu.memory_space<semaphore_mem>>)
        %mul3A_1818 = arith.constant 8 : i32
        %mul3A_1819 = arith.muli %sub3A_1729, %mul3A_1818 : i32
        %add3A_1820 = arith.addi %mul3A_2, %mul3A_1819 : i32
        %add3A_1821 = arith.constant 4 : i32
        %add3A_1822 = arith.addi %add3A_1820, %add3A_1821 : i32
        %dma_start3A_1823 = arith.constant 1 : i32
        %dma_start3A_1824 = arith.constant 200 : i32
        %dma_start3A_1825 = arith.constant 0 : i32
        %dma_start3A_1826 = tpu.memref_slice %arg11[%dma_start3A_1823, %dma_start3A_1824, %dma_start3A_1825] : memref<2x400x128xf32, #tpu.memory_space<vmem>> -> memref<1x50x128xf32, #tpu.memory_space<vmem>>
        %dma_start3A_1827 = tpu.memref_squeeze %dma_start3A_1826 : memref<1x50x128xf32, #tpu.memory_space<vmem>> -> memref<50x128xf32, #tpu.memory_space<vmem>>
        %dma_start3A_1828 = arith.constant 0 : i32
        %dma_start3A_1829 = arith.constant 0 : i32
        %dma_start3A_1830 = tpu.memref_slice %arg6[%add3A_1822, %dma_start3A_1828, %dma_start3A_1829] : memref<16384x50x128xf32, #tpu.memory_space<hbm>> -> memref<1x50x128xf32, #tpu.memory_space<hbm>>
        %dma_start3A_1831 = tpu.memref_squeeze %dma_start3A_1830 : memref<1x50x128xf32, #tpu.memory_space<hbm>> -> memref<50x128xf32, #tpu.memory_space<hbm>>
        %dma_start3A_1832 = arith.constant 0 : i32
        %dma_start3A_1833 = arith.constant 0 : i32
        %dma_start3A_1834 = tpu.memref_slice %arg6[%add3A_1822, %dma_start3A_1832, %dma_start3A_1833] : memref<16384x50x128xf32, #tpu.memory_space<hbm>> -> memref<1x50x128xf32, #tpu.memory_space<hbm>>
        %dma_start3A_1835 = tpu.memref_squeeze %dma_start3A_1834 : memref<1x50x128xf32, #tpu.memory_space<hbm>> -> memref<50x128xf32, #tpu.memory_space<hbm>>
        %dma_start3A_1836 = arith.constant 200 : i32
        %dma_start3A_1837 = arith.constant 0 : i32
        %dma_start3A_1838 = tpu.memref_slice %arg11[%dma_start3A_1823, %dma_start3A_1836, %dma_start3A_1837] : memref<2x400x128xf32, #tpu.memory_space<vmem>> -> memref<1x50x128xf32, #tpu.memory_space<vmem>>
        %dma_start3A_1839 = tpu.memref_squeeze %dma_start3A_1838 : memref<1x50x128xf32, #tpu.memory_space<vmem>> -> memref<50x128xf32, #tpu.memory_space<vmem>>
        tpu.enqueue_dma source(%dma_start3A_1839 : memref<50x128xf32, #tpu.memory_space<vmem>>) target(%dma_start3A_1835 : memref<50x128xf32, #tpu.memory_space<hbm>>) target_semaphore(%arg17 : memref<!tpu.dma_semaphore, #tpu.memory_space<semaphore_mem>>)
        %mul3A_1840 = arith.constant 8 : i32
        %mul3A_1841 = arith.muli %sub3A_1729, %mul3A_1840 : i32
        %add3A_1842 = arith.addi %mul3A_2, %mul3A_1841 : i32
        %add3A_1843 = arith.constant 5 : i32
        %add3A_1844 = arith.addi %add3A_1842, %add3A_1843 : i32
        %dma_start3A_1845 = arith.constant 1 : i32
        %dma_start3A_1846 = arith.constant 250 : i32
        %dma_start3A_1847 = arith.constant 0 : i32
        %dma_start3A_1848 = tpu.memref_slice %arg11[%dma_start3A_1845, %dma_start3A_1846, %dma_start3A_1847] : memref<2x400x128xf32, #tpu.memory_space<vmem>> -> memref<1x50x128xf32, #tpu.memory_space<vmem>>
        %dma_start3A_1849 = tpu.memref_squeeze %dma_start3A_1848 : memref<1x50x128xf32, #tpu.memory_space<vmem>> -> memref<50x128xf32, #tpu.memory_space<vmem>>
        %dma_start3A_1850 = arith.constant 0 : i32
        %dma_start3A_1851 = arith.constant 0 : i32
        %dma_start3A_1852 = tpu.memref_slice %arg6[%add3A_1844, %dma_start3A_1850, %dma_start3A_1851] : memref<16384x50x128xf32, #tpu.memory_space<hbm>> -> memref<1x50x128xf32, #tpu.memory_space<hbm>>
        %dma_start3A_1853 = tpu.memref_squeeze %dma_start3A_1852 : memref<1x50x128xf32, #tpu.memory_space<hbm>> -> memref<50x128xf32, #tpu.memory_space<hbm>>
        %dma_start3A_1854 = arith.constant 0 : i32
        %dma_start3A_1855 = arith.constant 0 : i32
        %dma_start3A_1856 = tpu.memref_slice %arg6[%add3A_1844, %dma_start3A_1854, %dma_start3A_1855] : memref<16384x50x128xf32, #tpu.memory_space<hbm>> -> memref<1x50x128xf32, #tpu.memory_space<hbm>>
        %dma_start3A_1857 = tpu.memref_squeeze %dma_start3A_1856 : memref<1x50x128xf32, #tpu.memory_space<hbm>> -> memref<50x128xf32, #tpu.memory_space<hbm>>
        %dma_start3A_1858 = arith.constant 250 : i32
        %dma_start3A_1859 = arith.constant 0 : i32
        %dma_start3A_1860 = tpu.memref_slice %arg11[%dma_start3A_1845, %dma_start3A_1858, %dma_start3A_1859] : memref<2x400x128xf32, #tpu.memory_space<vmem>> -> memref<1x50x128xf32, #tpu.memory_space<vmem>>
        %dma_start3A_1861 = tpu.memref_squeeze %dma_start3A_1860 : memref<1x50x128xf32, #tpu.memory_space<vmem>> -> memref<50x128xf32, #tpu.memory_space<vmem>>
        tpu.enqueue_dma source(%dma_start3A_1861 : memref<50x128xf32, #tpu.memory_space<vmem>>) target(%dma_start3A_1857 : memref<50x128xf32, #tpu.memory_space<hbm>>) target_semaphore(%arg17 : memref<!tpu.dma_semaphore, #tpu.memory_space<semaphore_mem>>)
        %mul3A_1862 = arith.constant 8 : i32
        %mul3A_1863 = arith.muli %sub3A_1729, %mul3A_1862 : i32
        %add3A_1864 = arith.addi %mul3A_2, %mul3A_1863 : i32
        %add3A_1865 = arith.constant 6 : i32
        %add3A_1866 = arith.addi %add3A_1864, %add3A_1865 : i32
        %dma_start3A_1867 = arith.constant 1 : i32
        %dma_start3A_1868 = arith.constant 300 : i32
        %dma_start3A_1869 = arith.constant 0 : i32
        %dma_start3A_1870 = tpu.memref_slice %arg11[%dma_start3A_1867, %dma_start3A_1868, %dma_start3A_1869] : memref<2x400x128xf32, #tpu.memory_space<vmem>> -> memref<1x50x128xf32, #tpu.memory_space<vmem>>
        %dma_start3A_1871 = tpu.memref_squeeze %dma_start3A_1870 : memref<1x50x128xf32, #tpu.memory_space<vmem>> -> memref<50x128xf32, #tpu.memory_space<vmem>>
        %dma_start3A_1872 = arith.constant 0 : i32
        %dma_start3A_1873 = arith.constant 0 : i32
        %dma_start3A_1874 = tpu.memref_slice %arg6[%add3A_1866, %dma_start3A_1872, %dma_start3A_1873] : memref<16384x50x128xf32, #tpu.memory_space<hbm>> -> memref<1x50x128xf32, #tpu.memory_space<hbm>>
        %dma_start3A_1875 = tpu.memref_squeeze %dma_start3A_1874 : memref<1x50x128xf32, #tpu.memory_space<hbm>> -> memref<50x128xf32, #tpu.memory_space<hbm>>
        %dma_start3A_1876 = arith.constant 0 : i32
        %dma_start3A_1877 = arith.constant 0 : i32
        %dma_start3A_1878 = tpu.memref_slice %arg6[%add3A_1866, %dma_start3A_1876, %dma_start3A_1877] : memref<16384x50x128xf32, #tpu.memory_space<hbm>> -> memref<1x50x128xf32, #tpu.memory_space<hbm>>
        %dma_start3A_1879 = tpu.memref_squeeze %dma_start3A_1878 : memref<1x50x128xf32, #tpu.memory_space<hbm>> -> memref<50x128xf32, #tpu.memory_space<hbm>>
        %dma_start3A_1880 = arith.constant 300 : i32
        %dma_start3A_1881 = arith.constant 0 : i32
        %dma_start3A_1882 = tpu.memref_slice %arg11[%dma_start3A_1867, %dma_start3A_1880, %dma_start3A_1881] : memref<2x400x128xf32, #tpu.memory_space<vmem>> -> memref<1x50x128xf32, #tpu.memory_space<vmem>>
        %dma_start3A_1883 = tpu.memref_squeeze %dma_start3A_1882 : memref<1x50x128xf32, #tpu.memory_space<vmem>> -> memref<50x128xf32, #tpu.memory_space<vmem>>
        tpu.enqueue_dma source(%dma_start3A_1883 : memref<50x128xf32, #tpu.memory_space<vmem>>) target(%dma_start3A_1879 : memref<50x128xf32, #tpu.memory_space<hbm>>) target_semaphore(%arg17 : memref<!tpu.dma_semaphore, #tpu.memory_space<semaphore_mem>>)
        %mul3A_1884 = arith.constant 8 : i32
        %mul3A_1885 = arith.muli %sub3A_1729, %mul3A_1884 : i32
        %add3A_1886 = arith.addi %mul3A_2, %mul3A_1885 : i32
        %add3A_1887 = arith.constant 7 : i32
        %add3A_1888 = arith.addi %add3A_1886, %add3A_1887 : i32
        %dma_start3A_1889 = arith.constant 1 : i32
        %dma_start3A_1890 = arith.constant 350 : i32
        %dma_start3A_1891 = arith.constant 0 : i32
        %dma_start3A_1892 = tpu.memref_slice %arg11[%dma_start3A_1889, %dma_start3A_1890, %dma_start3A_1891] : memref<2x400x128xf32, #tpu.memory_space<vmem>> -> memref<1x50x128xf32, #tpu.memory_space<vmem>>
        %dma_start3A_1893 = tpu.memref_squeeze %dma_start3A_1892 : memref<1x50x128xf32, #tpu.memory_space<vmem>> -> memref<50x128xf32, #tpu.memory_space<vmem>>
        %dma_start3A_1894 = arith.constant 0 : i32
        %dma_start3A_1895 = arith.constant 0 : i32
        %dma_start3A_1896 = tpu.memref_slice %arg6[%add3A_1888, %dma_start3A_1894, %dma_start3A_1895] : memref<16384x50x128xf32, #tpu.memory_space<hbm>> -> memref<1x50x128xf32, #tpu.memory_space<hbm>>
        %dma_start3A_1897 = tpu.memref_squeeze %dma_start3A_1896 : memref<1x50x128xf32, #tpu.memory_space<hbm>> -> memref<50x128xf32, #tpu.memory_space<hbm>>
        %dma_start3A_1898 = arith.constant 0 : i32
        %dma_start3A_1899 = arith.constant 0 : i32
        %dma_start3A_1900 = tpu.memref_slice %arg6[%add3A_1888, %dma_start3A_1898, %dma_start3A_1899] : memref<16384x50x128xf32, #tpu.memory_space<hbm>> -> memref<1x50x128xf32, #tpu.memory_space<hbm>>
        %dma_start3A_1901 = tpu.memref_squeeze %dma_start3A_1900 : memref<1x50x128xf32, #tpu.memory_space<hbm>> -> memref<50x128xf32, #tpu.memory_space<hbm>>
        %dma_start3A_1902 = arith.constant 350 : i32
        %dma_start3A_1903 = arith.constant 0 : i32
        %dma_start3A_1904 = tpu.memref_slice %arg11[%dma_start3A_1889, %dma_start3A_1902, %dma_start3A_1903] : memref<2x400x128xf32, #tpu.memory_space<vmem>> -> memref<1x50x128xf32, #tpu.memory_space<vmem>>
        %dma_start3A_1905 = tpu.memref_squeeze %dma_start3A_1904 : memref<1x50x128xf32, #tpu.memory_space<vmem>> -> memref<50x128xf32, #tpu.memory_space<vmem>>
        tpu.enqueue_dma source(%dma_start3A_1905 : memref<50x128xf32, #tpu.memory_space<vmem>>) target(%dma_start3A_1901 : memref<50x128xf32, #tpu.memory_space<hbm>>) target_semaphore(%arg17 : memref<!tpu.dma_semaphore, #tpu.memory_space<semaphore_mem>>)
      } else {
      }
      %lt3A = arith.constant 31 : i32
      %lt3A_864 = arith.cmpi slt, %scan3A_265, %lt3A : i32
      %convert_element_type3A_865 = arith.extui %lt3A_864 : i1 to i32
      %cond3A_866 = arith.constant 0 : i32
      %cond3A_867 = arith.cmpi ne, %convert_element_type3A_865, %cond3A_866 : i32
      scf.if %cond3A_867 {
        %add3A_1688 = arith.constant 2 : i32
        %add3A_1689 = arith.addi %add3A_269, %add3A_1688 : i32
        %mul3A_1690 = arith.constant 400 : i32
        %mul3A_1691 = arith.muli %add3A_1689, %mul3A_1690 : i32
        %add3A_1692 = arith.addi %mul3A_6, %mul3A_1691 : i32
        %dma_start3A_1693 = arith.constant 0 : i32
        %dma_start3A_1694 = tpu.memref_slice %arg7[%dma_start3A_1693] : memref<800xi32, #tpu.memory_space<vmem>> -> memref<400xi32, #tpu.memory_space<vmem>>
        %dma_start3A_1695 = tpu.memref_slice %arg2[%add3A_1692] : memref<819200xi32, #tpu.memory_space<hbm>> -> memref<400xi32, #tpu.memory_space<hbm>>
        %dma_start3A_1696 = arith.constant 0 : i32
        %dma_start3A_1697 = tpu.memref_slice %arg7[%dma_start3A_1696] : memref<800xi32, #tpu.memory_space<vmem>> -> memref<400xi32, #tpu.memory_space<vmem>>
        %dma_start3A_1698 = tpu.memref_slice %arg2[%add3A_1692] : memref<819200xi32, #tpu.memory_space<hbm>> -> memref<400xi32, #tpu.memory_space<hbm>>
        tpu.enqueue_dma source(%dma_start3A_1698 : memref<400xi32, #tpu.memory_space<hbm>>) target(%dma_start3A_1697 : memref<400xi32, #tpu.memory_space<vmem>>) target_semaphore(%arg12 : memref<!tpu.dma_semaphore, #tpu.memory_space<semaphore_mem>>)
        %dma_start3A_1699 = arith.constant 0 : i32
        %dma_start3A_1700 = tpu.memref_slice %arg8[%dma_start3A_1699] : memref<800xi32, #tpu.memory_space<vmem>> -> memref<400xi32, #tpu.memory_space<vmem>>
        %dma_start3A_1701 = tpu.memref_slice %arg3[%add3A_1692] : memref<819200xi32, #tpu.memory_space<hbm>> -> memref<400xi32, #tpu.memory_space<hbm>>
        %dma_start3A_1702 = arith.constant 0 : i32
        %dma_start3A_1703 = tpu.memref_slice %arg8[%dma_start3A_1702] : memref<800xi32, #tpu.memory_space<vmem>> -> memref<400xi32, #tpu.memory_space<vmem>>
        %dma_start3A_1704 = tpu.memref_slice %arg3[%add3A_1692] : memref<819200xi32, #tpu.memory_space<hbm>> -> memref<400xi32, #tpu.memory_space<hbm>>
        tpu.enqueue_dma source(%dma_start3A_1704 : memref<400xi32, #tpu.memory_space<hbm>>) target(%dma_start3A_1703 : memref<400xi32, #tpu.memory_space<vmem>>) target_semaphore(%arg12 : memref<!tpu.dma_semaphore, #tpu.memory_space<semaphore_mem>>)
        %dma_start3A_1705 = arith.constant 0 : i32
        %dma_start3A_1706 = tpu.memref_slice %arg9[%dma_start3A_1705] : memref<800xi32, #tpu.memory_space<vmem>> -> memref<400xi32, #tpu.memory_space<vmem>>
        %dma_start3A_1707 = tpu.memref_slice %arg4[%add3A_1692] : memref<819200xi32, #tpu.memory_space<hbm>> -> memref<400xi32, #tpu.memory_space<hbm>>
        %dma_start3A_1708 = arith.constant 0 : i32
        %dma_start3A_1709 = tpu.memref_slice %arg9[%dma_start3A_1708] : memref<800xi32, #tpu.memory_space<vmem>> -> memref<400xi32, #tpu.memory_space<vmem>>
        %dma_start3A_1710 = tpu.memref_slice %arg4[%add3A_1692] : memref<819200xi32, #tpu.memory_space<hbm>> -> memref<400xi32, #tpu.memory_space<hbm>>
        tpu.enqueue_dma source(%dma_start3A_1710 : memref<400xi32, #tpu.memory_space<hbm>>) target(%dma_start3A_1709 : memref<400xi32, #tpu.memory_space<vmem>>) target_semaphore(%arg12 : memref<!tpu.dma_semaphore, #tpu.memory_space<semaphore_mem>>)
      } else {
      }
      %mul3A_868 = arith.constant 2 : i32
      %mul3A_869 = arith.muli %scan3A_265, %mul3A_868 : i32
      %add3A_870 = arith.constant 1 : i32
      %add3A_871 = arith.addi %mul3A_869, %add3A_870 : i32
      %dma_wait3A_872 = arith.constant 400 : i32
      %dma_wait3A_873 = tpu.memref_slice %arg7[%dma_wait3A_872] : memref<800xi32, #tpu.memory_space<vmem>> -> memref<400xi32, #tpu.memory_space<vmem>>
      %dma_wait3A_874 = arith.constant 0 : i32
      %dma_wait3A_875 = tpu.memref_slice %arg2[%dma_wait3A_874] : memref<819200xi32, #tpu.memory_space<hbm>> -> memref<400xi32, #tpu.memory_space<hbm>>
      %dma_wait3A_876 = arith.constant 400 : i32
      %dma_wait3A_877 = tpu.memref_slice %arg7[%dma_wait3A_876] : memref<800xi32, #tpu.memory_space<vmem>> -> memref<400xi32, #tpu.memory_space<vmem>>
      %dma_wait3A_878 = arith.constant 0 : i32
      %dma_wait3A_879 = tpu.memref_slice %arg2[%dma_wait3A_878] : memref<819200xi32, #tpu.memory_space<hbm>> -> memref<400xi32, #tpu.memory_space<hbm>>
      tpu.wait_dma2 semaphore(%arg13 : memref<!tpu.dma_semaphore, #tpu.memory_space<semaphore_mem>>) src(%dma_wait3A_879 : memref<400xi32, #tpu.memory_space<hbm>>) dst(%dma_wait3A_877 : memref<400xi32, #tpu.memory_space<vmem>>)
      %dma_wait3A_880 = arith.constant 400 : i32
      %dma_wait3A_881 = tpu.memref_slice %arg8[%dma_wait3A_880] : memref<800xi32, #tpu.memory_space<vmem>> -> memref<400xi32, #tpu.memory_space<vmem>>
      %dma_wait3A_882 = arith.constant 0 : i32
      %dma_wait3A_883 = tpu.memref_slice %arg2[%dma_wait3A_882] : memref<819200xi32, #tpu.memory_space<hbm>> -> memref<400xi32, #tpu.memory_space<hbm>>
      %dma_wait3A_884 = arith.constant 400 : i32
      %dma_wait3A_885 = tpu.memref_slice %arg8[%dma_wait3A_884] : memref<800xi32, #tpu.memory_space<vmem>> -> memref<400xi32, #tpu.memory_space<vmem>>
      %dma_wait3A_886 = arith.constant 0 : i32
      %dma_wait3A_887 = tpu.memref_slice %arg2[%dma_wait3A_886] : memref<819200xi32, #tpu.memory_space<hbm>> -> memref<400xi32, #tpu.memory_space<hbm>>
      tpu.wait_dma2 semaphore(%arg13 : memref<!tpu.dma_semaphore, #tpu.memory_space<semaphore_mem>>) src(%dma_wait3A_887 : memref<400xi32, #tpu.memory_space<hbm>>) dst(%dma_wait3A_885 : memref<400xi32, #tpu.memory_space<vmem>>)
      %dma_wait3A_888 = arith.constant 400 : i32
      %dma_wait3A_889 = tpu.memref_slice %arg9[%dma_wait3A_888] : memref<800xi32, #tpu.memory_space<vmem>> -> memref<400xi32, #tpu.memory_space<vmem>>
      %dma_wait3A_890 = arith.constant 0 : i32
      %dma_wait3A_891 = tpu.memref_slice %arg2[%dma_wait3A_890] : memref<819200xi32, #tpu.memory_space<hbm>> -> memref<400xi32, #tpu.memory_space<hbm>>
      %dma_wait3A_892 = arith.constant 400 : i32
      %dma_wait3A_893 = tpu.memref_slice %arg9[%dma_wait3A_892] : memref<800xi32, #tpu.memory_space<vmem>> -> memref<400xi32, #tpu.memory_space<vmem>>
      %dma_wait3A_894 = arith.constant 0 : i32
      %dma_wait3A_895 = tpu.memref_slice %arg2[%dma_wait3A_894] : memref<819200xi32, #tpu.memory_space<hbm>> -> memref<400xi32, #tpu.memory_space<hbm>>
      tpu.wait_dma2 semaphore(%arg13 : memref<!tpu.dma_semaphore, #tpu.memory_space<semaphore_mem>>) src(%dma_wait3A_895 : memref<400xi32, #tpu.memory_space<hbm>>) dst(%dma_wait3A_893 : memref<400xi32, #tpu.memory_space<vmem>>)
      %get3A_896 = arith.constant 400 : index
      %get3A_897 = tpu.vector_load %arg7[%get3A_896] {strides = array<i32>} : memref<800xi32, #tpu.memory_space<vmem>>, vector<16xi32>,
      %get3A_898 = vector.shape_cast %get3A_897 : vector<16xi32> to vector<16xi32>
      %mul3A_899 = arith.constant 16 : i32
      %mul3A_900 = vector.broadcast %mul3A_899 : i32 to vector<16xi32>
      %mul3A_901 = arith.muli %get3A_898, %mul3A_900 : vector<16xi32>
      %get3A_902 = arith.constant 400 : index
      %get3A_903 = tpu.vector_load %arg8[%get3A_902] {strides = array<i32>} : memref<800xi32, #tpu.memory_space<vmem>>, vector<16xi32>,
      %get3A_904 = vector.shape_cast %get3A_903 : vector<16xi32> to vector<16xi32>
      %add3A_905 = arith.addi %mul3A_901, %get3A_904 : vector<16xi32>
      %mul3A_906 = arith.constant 16 : i32
      %mul3A_907 = vector.broadcast %mul3A_906 : i32 to vector<16xi32>
      %mul3A_908 = arith.muli %add3A_905, %mul3A_907 : vector<16xi32>
      %get3A_909 = arith.constant 400 : index
      %get3A_910 = tpu.vector_load %arg9[%get3A_909] {strides = array<i32>} : memref<800xi32, #tpu.memory_space<vmem>>, vector<16xi32>,
      %get3A_911 = vector.shape_cast %get3A_910 : vector<16xi32> to vector<16xi32>
      %add3A_912 = arith.addi %mul3A_908, %get3A_911 : vector<16xi32>
      %swap3A_913 = arith.constant 400 : index
      %swap3A_914 = tpu.vector_load %arg10[%swap3A_913] {strides = array<i32>} : memref<800xi32, #tpu.memory_space<vmem>>, vector<16xi32>,
      %swap3A_915 = vector.shape_cast %swap3A_914 : vector<16xi32> to vector<16xi32>
      %swap3A_916 = vector.shape_cast %add3A_912 : vector<16xi32> to vector<16xi32>
      tpu.vector_store %arg10[%swap3A_913], %swap3A_916 {strides = array<i32>} : memref<800xi32, #tpu.memory_space<vmem>>, vector<16xi32>,
      %get3A_917 = arith.constant 416 : index
      %get3A_918 = tpu.vector_load %arg7[%get3A_917] {strides = array<i32>} : memref<800xi32, #tpu.memory_space<vmem>>, vector<16xi32>,
      %get3A_919 = vector.shape_cast %get3A_918 : vector<16xi32> to vector<16xi32>
      %mul3A_920 = arith.constant 16 : i32
      %mul3A_921 = vector.broadcast %mul3A_920 : i32 to vector<16xi32>
      %mul3A_922 = arith.muli %get3A_919, %mul3A_921 : vector<16xi32>
      %get3A_923 = arith.constant 416 : index
      %get3A_924 = tpu.vector_load %arg8[%get3A_923] {strides = array<i32>} : memref<800xi32, #tpu.memory_space<vmem>>, vector<16xi32>,
      %get3A_925 = vector.shape_cast %get3A_924 : vector<16xi32> to vector<16xi32>
      %add3A_926 = arith.addi %mul3A_922, %get3A_925 : vector<16xi32>
      %mul3A_927 = arith.constant 16 : i32
      %mul3A_928 = vector.broadcast %mul3A_927 : i32 to vector<16xi32>
      %mul3A_929 = arith.muli %add3A_926, %mul3A_928 : vector<16xi32>
      %get3A_930 = arith.constant 416 : index
      %get3A_931 = tpu.vector_load %arg9[%get3A_930] {strides = array<i32>} : memref<800xi32, #tpu.memory_space<vmem>>, vector<16xi32>,
      %get3A_932 = vector.shape_cast %get3A_931 : vector<16xi32> to vector<16xi32>
      %add3A_933 = arith.addi %mul3A_929, %get3A_932 : vector<16xi32>
      %swap3A_934 = arith.constant 416 : index
      %swap3A_935 = tpu.vector_load %arg10[%swap3A_934] {strides = array<i32>} : memref<800xi32, #tpu.memory_space<vmem>>, vector<16xi32>,
      %swap3A_936 = vector.shape_cast %swap3A_935 : vector<16xi32> to vector<16xi32>
      %swap3A_937 = vector.shape_cast %add3A_933 : vector<16xi32> to vector<16xi32>
      tpu.vector_store %arg10[%swap3A_934], %swap3A_937 {strides = array<i32>} : memref<800xi32, #tpu.memory_space<vmem>>, vector<16xi32>,
      %get3A_938 = arith.constant 432 : index
      %get3A_939 = tpu.vector_load %arg7[%get3A_938] {strides = array<i32>} : memref<800xi32, #tpu.memory_space<vmem>>, vector<16xi32>,
      %get3A_940 = vector.shape_cast %get3A_939 : vector<16xi32> to vector<16xi32>
      %mul3A_941 = arith.constant 16 : i32
      %mul3A_942 = vector.broadcast %mul3A_941 : i32 to vector<16xi32>
      %mul3A_943 = arith.muli %get3A_940, %mul3A_942 : vector<16xi32>
      %get3A_944 = arith.constant 432 : index
      %get3A_945 = tpu.vector_load %arg8[%get3A_944] {strides = array<i32>} : memref<800xi32, #tpu.memory_space<vmem>>, vector<16xi32>,
      %get3A_946 = vector.shape_cast %get3A_945 : vector<16xi32> to vector<16xi32>
      %add3A_947 = arith.addi %mul3A_943, %get3A_946 : vector<16xi32>
      %mul3A_948 = arith.constant 16 : i32
      %mul3A_949 = vector.broadcast %mul3A_948 : i32 to vector<16xi32>
      %mul3A_950 = arith.muli %add3A_947, %mul3A_949 : vector<16xi32>
      %get3A_951 = arith.constant 432 : index
      %get3A_952 = tpu.vector_load %arg9[%get3A_951] {strides = array<i32>} : memref<800xi32, #tpu.memory_space<vmem>>, vector<16xi32>,
      %get3A_953 = vector.shape_cast %get3A_952 : vector<16xi32> to vector<16xi32>
      %add3A_954 = arith.addi %mul3A_950, %get3A_953 : vector<16xi32>
      %swap3A_955 = arith.constant 432 : index
      %swap3A_956 = tpu.vector_load %arg10[%swap3A_955] {strides = array<i32>} : memref<800xi32, #tpu.memory_space<vmem>>, vector<16xi32>,
      %swap3A_957 = vector.shape_cast %swap3A_956 : vector<16xi32> to vector<16xi32>
      %swap3A_958 = vector.shape_cast %add3A_954 : vector<16xi32> to vector<16xi32>
      tpu.vector_store %arg10[%swap3A_955], %swap3A_958 {strides = array<i32>} : memref<800xi32, #tpu.memory_space<vmem>>, vector<16xi32>,
      %get3A_959 = arith.constant 448 : index
      %get3A_960 = tpu.vector_load %arg7[%get3A_959] {strides = array<i32>} : memref<800xi32, #tpu.memory_space<vmem>>, vector<16xi32>,
      %get3A_961 = vector.shape_cast %get3A_960 : vector<16xi32> to vector<16xi32>
      %mul3A_962 = arith.constant 16 : i32
      %mul3A_963 = vector.broadcast %mul3A_962 : i32 to vector<16xi32>
      %mul3A_964 = arith.muli %get3A_961, %mul3A_963 : vector<16xi32>
      %get3A_965 = arith.constant 448 : index
      %get3A_966 = tpu.vector_load %arg8[%get3A_965] {strides = array<i32>} : memref<800xi32, #tpu.memory_space<vmem>>, vector<16xi32>,
      %get3A_967 = vector.shape_cast %get3A_966 : vector<16xi32> to vector<16xi32>
      %add3A_968 = arith.addi %mul3A_964, %get3A_967 : vector<16xi32>
      %mul3A_969 = arith.constant 16 : i32
      %mul3A_970 = vector.broadcast %mul3A_969 : i32 to vector<16xi32>
      %mul3A_971 = arith.muli %add3A_968, %mul3A_970 : vector<16xi32>
      %get3A_972 = arith.constant 448 : index
      %get3A_973 = tpu.vector_load %arg9[%get3A_972] {strides = array<i32>} : memref<800xi32, #tpu.memory_space<vmem>>, vector<16xi32>,
      %get3A_974 = vector.shape_cast %get3A_973 : vector<16xi32> to vector<16xi32>
      %add3A_975 = arith.addi %mul3A_971, %get3A_974 : vector<16xi32>
      %swap3A_976 = arith.constant 448 : index
      %swap3A_977 = tpu.vector_load %arg10[%swap3A_976] {strides = array<i32>} : memref<800xi32, #tpu.memory_space<vmem>>, vector<16xi32>,
      %swap3A_978 = vector.shape_cast %swap3A_977 : vector<16xi32> to vector<16xi32>
      %swap3A_979 = vector.shape_cast %add3A_975 : vector<16xi32> to vector<16xi32>
      tpu.vector_store %arg10[%swap3A_976], %swap3A_979 {strides = array<i32>} : memref<800xi32, #tpu.memory_space<vmem>>, vector<16xi32>,
      %get3A_980 = arith.constant 464 : index
      %get3A_981 = tpu.vector_load %arg7[%get3A_980] {strides = array<i32>} : memref<800xi32, #tpu.memory_space<vmem>>, vector<16xi32>,
      %get3A_982 = vector.shape_cast %get3A_981 : vector<16xi32> to vector<16xi32>
      %mul3A_983 = arith.constant 16 : i32
      %mul3A_984 = vector.broadcast %mul3A_983 : i32 to vector<16xi32>
      %mul3A_985 = arith.muli %get3A_982, %mul3A_984 : vector<16xi32>
      %get3A_986 = arith.constant 464 : index
      %get3A_987 = tpu.vector_load %arg8[%get3A_986] {strides = array<i32>} : memref<800xi32, #tpu.memory_space<vmem>>, vector<16xi32>,
      %get3A_988 = vector.shape_cast %get3A_987 : vector<16xi32> to vector<16xi32>
      %add3A_989 = arith.addi %mul3A_985, %get3A_988 : vector<16xi32>
      %mul3A_990 = arith.constant 16 : i32
      %mul3A_991 = vector.broadcast %mul3A_990 : i32 to vector<16xi32>
      %mul3A_992 = arith.muli %add3A_989, %mul3A_991 : vector<16xi32>
      %get3A_993 = arith.constant 464 : index
      %get3A_994 = tpu.vector_load %arg9[%get3A_993] {strides = array<i32>} : memref<800xi32, #tpu.memory_space<vmem>>, vector<16xi32>,
      %get3A_995 = vector.shape_cast %get3A_994 : vector<16xi32> to vector<16xi32>
      %add3A_996 = arith.addi %mul3A_992, %get3A_995 : vector<16xi32>
      %swap3A_997 = arith.constant 464 : index
      %swap3A_998 = tpu.vector_load %arg10[%swap3A_997] {strides = array<i32>} : memref<800xi32, #tpu.memory_space<vmem>>, vector<16xi32>,
      %swap3A_999 = vector.shape_cast %swap3A_998 : vector<16xi32> to vector<16xi32>
      %swap3A_1000 = vector.shape_cast %add3A_996 : vector<16xi32> to vector<16xi32>
      tpu.vector_store %arg10[%swap3A_997], %swap3A_1000 {strides = array<i32>} : memref<800xi32, #tpu.memory_space<vmem>>, vector<16xi32>,
      %get3A_1001 = arith.constant 480 : index
      %get3A_1002 = tpu.vector_load %arg7[%get3A_1001] {strides = array<i32>} : memref<800xi32, #tpu.memory_space<vmem>>, vector<16xi32>,
      %get3A_1003 = vector.shape_cast %get3A_1002 : vector<16xi32> to vector<16xi32>
      %mul3A_1004 = arith.constant 16 : i32
      %mul3A_1005 = vector.broadcast %mul3A_1004 : i32 to vector<16xi32>
      %mul3A_1006 = arith.muli %get3A_1003, %mul3A_1005 : vector<16xi32>
      %get3A_1007 = arith.constant 480 : index
      %get3A_1008 = tpu.vector_load %arg8[%get3A_1007] {strides = array<i32>} : memref<800xi32, #tpu.memory_space<vmem>>, vector<16xi32>,
      %get3A_1009 = vector.shape_cast %get3A_1008 : vector<16xi32> to vector<16xi32>
      %add3A_1010 = arith.addi %mul3A_1006, %get3A_1009 : vector<16xi32>
      %mul3A_1011 = arith.constant 16 : i32
      %mul3A_1012 = vector.broadcast %mul3A_1011 : i32 to vector<16xi32>
      %mul3A_1013 = arith.muli %add3A_1010, %mul3A_1012 : vector<16xi32>
      %get3A_1014 = arith.constant 480 : index
      %get3A_1015 = tpu.vector_load %arg9[%get3A_1014] {strides = array<i32>} : memref<800xi32, #tpu.memory_space<vmem>>, vector<16xi32>,
      %get3A_1016 = vector.shape_cast %get3A_1015 : vector<16xi32> to vector<16xi32>
      %add3A_1017 = arith.addi %mul3A_1013, %get3A_1016 : vector<16xi32>
      %swap3A_1018 = arith.constant 480 : index
      %swap3A_1019 = tpu.vector_load %arg10[%swap3A_1018] {strides = array<i32>} : memref<800xi32, #tpu.memory_space<vmem>>, vector<16xi32>,
      %swap3A_1020 = vector.shape_cast %swap3A_1019 : vector<16xi32> to vector<16xi32>
      %swap3A_1021 = vector.shape_cast %add3A_1017 : vector<16xi32> to vector<16xi32>
      tpu.vector_store %arg10[%swap3A_1018], %swap3A_1021 {strides = array<i32>} : memref<800xi32, #tpu.memory_space<vmem>>, vector<16xi32>,
      %get3A_1022 = arith.constant 496 : index
      %get3A_1023 = tpu.vector_load %arg7[%get3A_1022] {strides = array<i32>} : memref<800xi32, #tpu.memory_space<vmem>>, vector<16xi32>,
      %get3A_1024 = vector.shape_cast %get3A_1023 : vector<16xi32> to vector<16xi32>
      %mul3A_1025 = arith.constant 16 : i32
      %mul3A_1026 = vector.broadcast %mul3A_1025 : i32 to vector<16xi32>
      %mul3A_1027 = arith.muli %get3A_1024, %mul3A_1026 : vector<16xi32>
      %get3A_1028 = arith.constant 496 : index
      %get3A_1029 = tpu.vector_load %arg8[%get3A_1028] {strides = array<i32>} : memref<800xi32, #tpu.memory_space<vmem>>, vector<16xi32>,
      %get3A_1030 = vector.shape_cast %get3A_1029 : vector<16xi32> to vector<16xi32>
      %add3A_1031 = arith.addi %mul3A_1027, %get3A_1030 : vector<16xi32>
      %mul3A_1032 = arith.constant 16 : i32
      %mul3A_1033 = vector.broadcast %mul3A_1032 : i32 to vector<16xi32>
      %mul3A_1034 = arith.muli %add3A_1031, %mul3A_1033 : vector<16xi32>
      %get3A_1035 = arith.constant 496 : index
      %get3A_1036 = tpu.vector_load %arg9[%get3A_1035] {strides = array<i32>} : memref<800xi32, #tpu.memory_space<vmem>>, vector<16xi32>,
      %get3A_1037 = vector.shape_cast %get3A_1036 : vector<16xi32> to vector<16xi32>
      %add3A_1038 = arith.addi %mul3A_1034, %get3A_1037 : vector<16xi32>
      %swap3A_1039 = arith.constant 496 : index
      %swap3A_1040 = tpu.vector_load %arg10[%swap3A_1039] {strides = array<i32>} : memref<800xi32, #tpu.memory_space<vmem>>, vector<16xi32>,
      %swap3A_1041 = vector.shape_cast %swap3A_1040 : vector<16xi32> to vector<16xi32>
      %swap3A_1042 = vector.shape_cast %add3A_1038 : vector<16xi32> to vector<16xi32>
      tpu.vector_store %arg10[%swap3A_1039], %swap3A_1042 {strides = array<i32>} : memref<800xi32, #tpu.memory_space<vmem>>, vector<16xi32>,
      %get3A_1043 = arith.constant 512 : index
      %get3A_1044 = tpu.vector_load %arg7[%get3A_1043] {strides = array<i32>} : memref<800xi32, #tpu.memory_space<vmem>>, vector<16xi32>,
      %get3A_1045 = vector.shape_cast %get3A_1044 : vector<16xi32> to vector<16xi32>
      %mul3A_1046 = arith.constant 16 : i32
      %mul3A_1047 = vector.broadcast %mul3A_1046 : i32 to vector<16xi32>
      %mul3A_1048 = arith.muli %get3A_1045, %mul3A_1047 : vector<16xi32>
      %get3A_1049 = arith.constant 512 : index
      %get3A_1050 = tpu.vector_load %arg8[%get3A_1049] {strides = array<i32>} : memref<800xi32, #tpu.memory_space<vmem>>, vector<16xi32>,
      %get3A_1051 = vector.shape_cast %get3A_1050 : vector<16xi32> to vector<16xi32>
      %add3A_1052 = arith.addi %mul3A_1048, %get3A_1051 : vector<16xi32>
      %mul3A_1053 = arith.constant 16 : i32
      %mul3A_1054 = vector.broadcast %mul3A_1053 : i32 to vector<16xi32>
      %mul3A_1055 = arith.muli %add3A_1052, %mul3A_1054 : vector<16xi32>
      %get3A_1056 = arith.constant 512 : index
      %get3A_1057 = tpu.vector_load %arg9[%get3A_1056] {strides = array<i32>} : memref<800xi32, #tpu.memory_space<vmem>>, vector<16xi32>,
      %get3A_1058 = vector.shape_cast %get3A_1057 : vector<16xi32> to vector<16xi32>
      %add3A_1059 = arith.addi %mul3A_1055, %get3A_1058 : vector<16xi32>
      %swap3A_1060 = arith.constant 512 : index
      %swap3A_1061 = tpu.vector_load %arg10[%swap3A_1060] {strides = array<i32>} : memref<800xi32, #tpu.memory_space<vmem>>, vector<16xi32>,
      %swap3A_1062 = vector.shape_cast %swap3A_1061 : vector<16xi32> to vector<16xi32>
      %swap3A_1063 = vector.shape_cast %add3A_1059 : vector<16xi32> to vector<16xi32>
      tpu.vector_store %arg10[%swap3A_1060], %swap3A_1063 {strides = array<i32>} : memref<800xi32, #tpu.memory_space<vmem>>, vector<16xi32>,
      %get3A_1064 = arith.constant 528 : index
      %get3A_1065 = tpu.vector_load %arg7[%get3A_1064] {strides = array<i32>} : memref<800xi32, #tpu.memory_space<vmem>>, vector<16xi32>,
      %get3A_1066 = vector.shape_cast %get3A_1065 : vector<16xi32> to vector<16xi32>
      %mul3A_1067 = arith.constant 16 : i32
      %mul3A_1068 = vector.broadcast %mul3A_1067 : i32 to vector<16xi32>
      %mul3A_1069 = arith.muli %get3A_1066, %mul3A_1068 : vector<16xi32>
      %get3A_1070 = arith.constant 528 : index
      %get3A_1071 = tpu.vector_load %arg8[%get3A_1070] {strides = array<i32>} : memref<800xi32, #tpu.memory_space<vmem>>, vector<16xi32>,
      %get3A_1072 = vector.shape_cast %get3A_1071 : vector<16xi32> to vector<16xi32>
      %add3A_1073 = arith.addi %mul3A_1069, %get3A_1072 : vector<16xi32>
      %mul3A_1074 = arith.constant 16 : i32
      %mul3A_1075 = vector.broadcast %mul3A_1074 : i32 to vector<16xi32>
      %mul3A_1076 = arith.muli %add3A_1073, %mul3A_1075 : vector<16xi32>
      %get3A_1077 = arith.constant 528 : index
      %get3A_1078 = tpu.vector_load %arg9[%get3A_1077] {strides = array<i32>} : memref<800xi32, #tpu.memory_space<vmem>>, vector<16xi32>,
      %get3A_1079 = vector.shape_cast %get3A_1078 : vector<16xi32> to vector<16xi32>
      %add3A_1080 = arith.addi %mul3A_1076, %get3A_1079 : vector<16xi32>
      %swap3A_1081 = arith.constant 528 : index
      %swap3A_1082 = tpu.vector_load %arg10[%swap3A_1081] {strides = array<i32>} : memref<800xi32, #tpu.memory_space<vmem>>, vector<16xi32>,
      %swap3A_1083 = vector.shape_cast %swap3A_1082 : vector<16xi32> to vector<16xi32>
      %swap3A_1084 = vector.shape_cast %add3A_1080 : vector<16xi32> to vector<16xi32>
      tpu.vector_store %arg10[%swap3A_1081], %swap3A_1084 {strides = array<i32>} : memref<800xi32, #tpu.memory_space<vmem>>, vector<16xi32>,
      %get3A_1085 = arith.constant 544 : index
      %get3A_1086 = tpu.vector_load %arg7[%get3A_1085] {strides = array<i32>} : memref<800xi32, #tpu.memory_space<vmem>>, vector<16xi32>,
      %get3A_1087 = vector.shape_cast %get3A_1086 : vector<16xi32> to vector<16xi32>
      %mul3A_1088 = arith.constant 16 : i32
      %mul3A_1089 = vector.broadcast %mul3A_1088 : i32 to vector<16xi32>
      %mul3A_1090 = arith.muli %get3A_1087, %mul3A_1089 : vector<16xi32>
      %get3A_1091 = arith.constant 544 : index
      %get3A_1092 = tpu.vector_load %arg8[%get3A_1091] {strides = array<i32>} : memref<800xi32, #tpu.memory_space<vmem>>, vector<16xi32>,
      %get3A_1093 = vector.shape_cast %get3A_1092 : vector<16xi32> to vector<16xi32>
      %add3A_1094 = arith.addi %mul3A_1090, %get3A_1093 : vector<16xi32>
      %mul3A_1095 = arith.constant 16 : i32
      %mul3A_1096 = vector.broadcast %mul3A_1095 : i32 to vector<16xi32>
      %mul3A_1097 = arith.muli %add3A_1094, %mul3A_1096 : vector<16xi32>
      %get3A_1098 = arith.constant 544 : index
      %get3A_1099 = tpu.vector_load %arg9[%get3A_1098] {strides = array<i32>} : memref<800xi32, #tpu.memory_space<vmem>>, vector<16xi32>,
      %get3A_1100 = vector.shape_cast %get3A_1099 : vector<16xi32> to vector<16xi32>
      %add3A_1101 = arith.addi %mul3A_1097, %get3A_1100 : vector<16xi32>
      %swap3A_1102 = arith.constant 544 : index
      %swap3A_1103 = tpu.vector_load %arg10[%swap3A_1102] {strides = array<i32>} : memref<800xi32, #tpu.memory_space<vmem>>, vector<16xi32>,
      %swap3A_1104 = vector.shape_cast %swap3A_1103 : vector<16xi32> to vector<16xi32>
      %swap3A_1105 = vector.shape_cast %add3A_1101 : vector<16xi32> to vector<16xi32>
      tpu.vector_store %arg10[%swap3A_1102], %swap3A_1105 {strides = array<i32>} : memref<800xi32, #tpu.memory_space<vmem>>, vector<16xi32>,
      %get3A_1106 = arith.constant 560 : index
      %get3A_1107 = tpu.vector_load %arg7[%get3A_1106] {strides = array<i32>} : memref<800xi32, #tpu.memory_space<vmem>>, vector<16xi32>,
      %get3A_1108 = vector.shape_cast %get3A_1107 : vector<16xi32> to vector<16xi32>
      %mul3A_1109 = arith.constant 16 : i32
      %mul3A_1110 = vector.broadcast %mul3A_1109 : i32 to vector<16xi32>
      %mul3A_1111 = arith.muli %get3A_1108, %mul3A_1110 : vector<16xi32>
      %get3A_1112 = arith.constant 560 : index
      %get3A_1113 = tpu.vector_load %arg8[%get3A_1112] {strides = array<i32>} : memref<800xi32, #tpu.memory_space<vmem>>, vector<16xi32>,
      %get3A_1114 = vector.shape_cast %get3A_1113 : vector<16xi32> to vector<16xi32>
      %add3A_1115 = arith.addi %mul3A_1111, %get3A_1114 : vector<16xi32>
      %mul3A_1116 = arith.constant 16 : i32
      %mul3A_1117 = vector.broadcast %mul3A_1116 : i32 to vector<16xi32>
      %mul3A_1118 = arith.muli %add3A_1115, %mul3A_1117 : vector<16xi32>
      %get3A_1119 = arith.constant 560 : index
      %get3A_1120 = tpu.vector_load %arg9[%get3A_1119] {strides = array<i32>} : memref<800xi32, #tpu.memory_space<vmem>>, vector<16xi32>,
      %get3A_1121 = vector.shape_cast %get3A_1120 : vector<16xi32> to vector<16xi32>
      %add3A_1122 = arith.addi %mul3A_1118, %get3A_1121 : vector<16xi32>
      %swap3A_1123 = arith.constant 560 : index
      %swap3A_1124 = tpu.vector_load %arg10[%swap3A_1123] {strides = array<i32>} : memref<800xi32, #tpu.memory_space<vmem>>, vector<16xi32>,
      %swap3A_1125 = vector.shape_cast %swap3A_1124 : vector<16xi32> to vector<16xi32>
      %swap3A_1126 = vector.shape_cast %add3A_1122 : vector<16xi32> to vector<16xi32>
      tpu.vector_store %arg10[%swap3A_1123], %swap3A_1126 {strides = array<i32>} : memref<800xi32, #tpu.memory_space<vmem>>, vector<16xi32>,
      %get3A_1127 = arith.constant 576 : index
      %get3A_1128 = tpu.vector_load %arg7[%get3A_1127] {strides = array<i32>} : memref<800xi32, #tpu.memory_space<vmem>>, vector<16xi32>,
      %get3A_1129 = vector.shape_cast %get3A_1128 : vector<16xi32> to vector<16xi32>
      %mul3A_1130 = arith.constant 16 : i32
      %mul3A_1131 = vector.broadcast %mul3A_1130 : i32 to vector<16xi32>
      %mul3A_1132 = arith.muli %get3A_1129, %mul3A_1131 : vector<16xi32>
      %get3A_1133 = arith.constant 576 : index
      %get3A_1134 = tpu.vector_load %arg8[%get3A_1133] {strides = array<i32>} : memref<800xi32, #tpu.memory_space<vmem>>, vector<16xi32>,
      %get3A_1135 = vector.shape_cast %get3A_1134 : vector<16xi32> to vector<16xi32>
      %add3A_1136 = arith.addi %mul3A_1132, %get3A_1135 : vector<16xi32>
      %mul3A_1137 = arith.constant 16 : i32
      %mul3A_1138 = vector.broadcast %mul3A_1137 : i32 to vector<16xi32>
      %mul3A_1139 = arith.muli %add3A_1136, %mul3A_1138 : vector<16xi32>
      %get3A_1140 = arith.constant 576 : index
      %get3A_1141 = tpu.vector_load %arg9[%get3A_1140] {strides = array<i32>} : memref<800xi32, #tpu.memory_space<vmem>>, vector<16xi32>,
      %get3A_1142 = vector.shape_cast %get3A_1141 : vector<16xi32> to vector<16xi32>
      %add3A_1143 = arith.addi %mul3A_1139, %get3A_1142 : vector<16xi32>
      %swap3A_1144 = arith.constant 576 : index
      %swap3A_1145 = tpu.vector_load %arg10[%swap3A_1144] {strides = array<i32>} : memref<800xi32, #tpu.memory_space<vmem>>, vector<16xi32>,
      %swap3A_1146 = vector.shape_cast %swap3A_1145 : vector<16xi32> to vector<16xi32>
      %swap3A_1147 = vector.shape_cast %add3A_1143 : vector<16xi32> to vector<16xi32>
      tpu.vector_store %arg10[%swap3A_1144], %swap3A_1147 {strides = array<i32>} : memref<800xi32, #tpu.memory_space<vmem>>, vector<16xi32>,
      %get3A_1148 = arith.constant 592 : index
      %get3A_1149 = tpu.vector_load %arg7[%get3A_1148] {strides = array<i32>} : memref<800xi32, #tpu.memory_space<vmem>>, vector<16xi32>,
      %get3A_1150 = vector.shape_cast %get3A_1149 : vector<16xi32> to vector<16xi32>
      %mul3A_1151 = arith.constant 16 : i32
      %mul3A_1152 = vector.broadcast %mul3A_1151 : i32 to vector<16xi32>
      %mul3A_1153 = arith.muli %get3A_1150, %mul3A_1152 : vector<16xi32>
      %get3A_1154 = arith.constant 592 : index
      %get3A_1155 = tpu.vector_load %arg8[%get3A_1154] {strides = array<i32>} : memref<800xi32, #tpu.memory_space<vmem>>, vector<16xi32>,
      %get3A_1156 = vector.shape_cast %get3A_1155 : vector<16xi32> to vector<16xi32>
      %add3A_1157 = arith.addi %mul3A_1153, %get3A_1156 : vector<16xi32>
      %mul3A_1158 = arith.constant 16 : i32
      %mul3A_1159 = vector.broadcast %mul3A_1158 : i32 to vector<16xi32>
      %mul3A_1160 = arith.muli %add3A_1157, %mul3A_1159 : vector<16xi32>
      %get3A_1161 = arith.constant 592 : index
      %get3A_1162 = tpu.vector_load %arg9[%get3A_1161] {strides = array<i32>} : memref<800xi32, #tpu.memory_space<vmem>>, vector<16xi32>,
      %get3A_1163 = vector.shape_cast %get3A_1162 : vector<16xi32> to vector<16xi32>
      %add3A_1164 = arith.addi %mul3A_1160, %get3A_1163 : vector<16xi32>
      %swap3A_1165 = arith.constant 592 : index
      %swap3A_1166 = tpu.vector_load %arg10[%swap3A_1165] {strides = array<i32>} : memref<800xi32, #tpu.memory_space<vmem>>, vector<16xi32>,
      %swap3A_1167 = vector.shape_cast %swap3A_1166 : vector<16xi32> to vector<16xi32>
      %swap3A_1168 = vector.shape_cast %add3A_1164 : vector<16xi32> to vector<16xi32>
      tpu.vector_store %arg10[%swap3A_1165], %swap3A_1168 {strides = array<i32>} : memref<800xi32, #tpu.memory_space<vmem>>, vector<16xi32>,
      %get3A_1169 = arith.constant 608 : index
      %get3A_1170 = tpu.vector_load %arg7[%get3A_1169] {strides = array<i32>} : memref<800xi32, #tpu.memory_space<vmem>>, vector<16xi32>,
      %get3A_1171 = vector.shape_cast %get3A_1170 : vector<16xi32> to vector<16xi32>
      %mul3A_1172 = arith.constant 16 : i32
      %mul3A_1173 = vector.broadcast %mul3A_1172 : i32 to vector<16xi32>
      %mul3A_1174 = arith.muli %get3A_1171, %mul3A_1173 : vector<16xi32>
      %get3A_1175 = arith.constant 608 : index
      %get3A_1176 = tpu.vector_load %arg8[%get3A_1175] {strides = array<i32>} : memref<800xi32, #tpu.memory_space<vmem>>, vector<16xi32>,
      %get3A_1177 = vector.shape_cast %get3A_1176 : vector<16xi32> to vector<16xi32>
      %add3A_1178 = arith.addi %mul3A_1174, %get3A_1177 : vector<16xi32>
      %mul3A_1179 = arith.constant 16 : i32
      %mul3A_1180 = vector.broadcast %mul3A_1179 : i32 to vector<16xi32>
      %mul3A_1181 = arith.muli %add3A_1178, %mul3A_1180 : vector<16xi32>
      %get3A_1182 = arith.constant 608 : index
      %get3A_1183 = tpu.vector_load %arg9[%get3A_1182] {strides = array<i32>} : memref<800xi32, #tpu.memory_space<vmem>>, vector<16xi32>,
      %get3A_1184 = vector.shape_cast %get3A_1183 : vector<16xi32> to vector<16xi32>
      %add3A_1185 = arith.addi %mul3A_1181, %get3A_1184 : vector<16xi32>
      %swap3A_1186 = arith.constant 608 : index
      %swap3A_1187 = tpu.vector_load %arg10[%swap3A_1186] {strides = array<i32>} : memref<800xi32, #tpu.memory_space<vmem>>, vector<16xi32>,
      %swap3A_1188 = vector.shape_cast %swap3A_1187 : vector<16xi32> to vector<16xi32>
      %swap3A_1189 = vector.shape_cast %add3A_1185 : vector<16xi32> to vector<16xi32>
      tpu.vector_store %arg10[%swap3A_1186], %swap3A_1189 {strides = array<i32>} : memref<800xi32, #tpu.memory_space<vmem>>, vector<16xi32>,
      %get3A_1190 = arith.constant 624 : index
      %get3A_1191 = tpu.vector_load %arg7[%get3A_1190] {strides = array<i32>} : memref<800xi32, #tpu.memory_space<vmem>>, vector<16xi32>,
      %get3A_1192 = vector.shape_cast %get3A_1191 : vector<16xi32> to vector<16xi32>
      %mul3A_1193 = arith.constant 16 : i32
      %mul3A_1194 = vector.broadcast %mul3A_1193 : i32 to vector<16xi32>
      %mul3A_1195 = arith.muli %get3A_1192, %mul3A_1194 : vector<16xi32>
      %get3A_1196 = arith.constant 624 : index
      %get3A_1197 = tpu.vector_load %arg8[%get3A_1196] {strides = array<i32>} : memref<800xi32, #tpu.memory_space<vmem>>, vector<16xi32>,
      %get3A_1198 = vector.shape_cast %get3A_1197 : vector<16xi32> to vector<16xi32>
      %add3A_1199 = arith.addi %mul3A_1195, %get3A_1198 : vector<16xi32>
      %mul3A_1200 = arith.constant 16 : i32
      %mul3A_1201 = vector.broadcast %mul3A_1200 : i32 to vector<16xi32>
      %mul3A_1202 = arith.muli %add3A_1199, %mul3A_1201 : vector<16xi32>
      %get3A_1203 = arith.constant 624 : index
      %get3A_1204 = tpu.vector_load %arg9[%get3A_1203] {strides = array<i32>} : memref<800xi32, #tpu.memory_space<vmem>>, vector<16xi32>,
      %get3A_1205 = vector.shape_cast %get3A_1204 : vector<16xi32> to vector<16xi32>
      %add3A_1206 = arith.addi %mul3A_1202, %get3A_1205 : vector<16xi32>
      %swap3A_1207 = arith.constant 624 : index
      %swap3A_1208 = tpu.vector_load %arg10[%swap3A_1207] {strides = array<i32>} : memref<800xi32, #tpu.memory_space<vmem>>, vector<16xi32>,
      %swap3A_1209 = vector.shape_cast %swap3A_1208 : vector<16xi32> to vector<16xi32>
      %swap3A_1210 = vector.shape_cast %add3A_1206 : vector<16xi32> to vector<16xi32>
      tpu.vector_store %arg10[%swap3A_1207], %swap3A_1210 {strides = array<i32>} : memref<800xi32, #tpu.memory_space<vmem>>, vector<16xi32>,
      %get3A_1211 = arith.constant 640 : index
      %get3A_1212 = tpu.vector_load %arg7[%get3A_1211] {strides = array<i32>} : memref<800xi32, #tpu.memory_space<vmem>>, vector<16xi32>,
      %get3A_1213 = vector.shape_cast %get3A_1212 : vector<16xi32> to vector<16xi32>
      %mul3A_1214 = arith.constant 16 : i32
      %mul3A_1215 = vector.broadcast %mul3A_1214 : i32 to vector<16xi32>
      %mul3A_1216 = arith.muli %get3A_1213, %mul3A_1215 : vector<16xi32>
      %get3A_1217 = arith.constant 640 : index
      %get3A_1218 = tpu.vector_load %arg8[%get3A_1217] {strides = array<i32>} : memref<800xi32, #tpu.memory_space<vmem>>, vector<16xi32>,
      %get3A_1219 = vector.shape_cast %get3A_1218 : vector<16xi32> to vector<16xi32>
      %add3A_1220 = arith.addi %mul3A_1216, %get3A_1219 : vector<16xi32>
      %mul3A_1221 = arith.constant 16 : i32
      %mul3A_1222 = vector.broadcast %mul3A_1221 : i32 to vector<16xi32>
      %mul3A_1223 = arith.muli %add3A_1220, %mul3A_1222 : vector<16xi32>
      %get3A_1224 = arith.constant 640 : index
      %get3A_1225 = tpu.vector_load %arg9[%get3A_1224] {strides = array<i32>} : memref<800xi32, #tpu.memory_space<vmem>>, vector<16xi32>,
      %get3A_1226 = vector.shape_cast %get3A_1225 : vector<16xi32> to vector<16xi32>
      %add3A_1227 = arith.addi %mul3A_1223, %get3A_1226 : vector<16xi32>
      %swap3A_1228 = arith.constant 640 : index
      %swap3A_1229 = tpu.vector_load %arg10[%swap3A_1228] {strides = array<i32>} : memref<800xi32, #tpu.memory_space<vmem>>, vector<16xi32>,
      %swap3A_1230 = vector.shape_cast %swap3A_1229 : vector<16xi32> to vector<16xi32>
      %swap3A_1231 = vector.shape_cast %add3A_1227 : vector<16xi32> to vector<16xi32>
      tpu.vector_store %arg10[%swap3A_1228], %swap3A_1231 {strides = array<i32>} : memref<800xi32, #tpu.memory_space<vmem>>, vector<16xi32>,
      %get3A_1232 = arith.constant 656 : index
      %get3A_1233 = tpu.vector_load %arg7[%get3A_1232] {strides = array<i32>} : memref<800xi32, #tpu.memory_space<vmem>>, vector<16xi32>,
      %get3A_1234 = vector.shape_cast %get3A_1233 : vector<16xi32> to vector<16xi32>
      %mul3A_1235 = arith.constant 16 : i32
      %mul3A_1236 = vector.broadcast %mul3A_1235 : i32 to vector<16xi32>
      %mul3A_1237 = arith.muli %get3A_1234, %mul3A_1236 : vector<16xi32>
      %get3A_1238 = arith.constant 656 : index
      %get3A_1239 = tpu.vector_load %arg8[%get3A_1238] {strides = array<i32>} : memref<800xi32, #tpu.memory_space<vmem>>, vector<16xi32>,
      %get3A_1240 = vector.shape_cast %get3A_1239 : vector<16xi32> to vector<16xi32>
      %add3A_1241 = arith.addi %mul3A_1237, %get3A_1240 : vector<16xi32>
      %mul3A_1242 = arith.constant 16 : i32
      %mul3A_1243 = vector.broadcast %mul3A_1242 : i32 to vector<16xi32>
      %mul3A_1244 = arith.muli %add3A_1241, %mul3A_1243 : vector<16xi32>
      %get3A_1245 = arith.constant 656 : index
      %get3A_1246 = tpu.vector_load %arg9[%get3A_1245] {strides = array<i32>} : memref<800xi32, #tpu.memory_space<vmem>>, vector<16xi32>,
      %get3A_1247 = vector.shape_cast %get3A_1246 : vector<16xi32> to vector<16xi32>
      %add3A_1248 = arith.addi %mul3A_1244, %get3A_1247 : vector<16xi32>
      %swap3A_1249 = arith.constant 656 : index
      %swap3A_1250 = tpu.vector_load %arg10[%swap3A_1249] {strides = array<i32>} : memref<800xi32, #tpu.memory_space<vmem>>, vector<16xi32>,
      %swap3A_1251 = vector.shape_cast %swap3A_1250 : vector<16xi32> to vector<16xi32>
      %swap3A_1252 = vector.shape_cast %add3A_1248 : vector<16xi32> to vector<16xi32>
      tpu.vector_store %arg10[%swap3A_1249], %swap3A_1252 {strides = array<i32>} : memref<800xi32, #tpu.memory_space<vmem>>, vector<16xi32>,
      %get3A_1253 = arith.constant 672 : index
      %get3A_1254 = tpu.vector_load %arg7[%get3A_1253] {strides = array<i32>} : memref<800xi32, #tpu.memory_space<vmem>>, vector<16xi32>,
      %get3A_1255 = vector.shape_cast %get3A_1254 : vector<16xi32> to vector<16xi32>
      %mul3A_1256 = arith.constant 16 : i32
      %mul3A_1257 = vector.broadcast %mul3A_1256 : i32 to vector<16xi32>
      %mul3A_1258 = arith.muli %get3A_1255, %mul3A_1257 : vector<16xi32>
      %get3A_1259 = arith.constant 672 : index
      %get3A_1260 = tpu.vector_load %arg8[%get3A_1259] {strides = array<i32>} : memref<800xi32, #tpu.memory_space<vmem>>, vector<16xi32>,
      %get3A_1261 = vector.shape_cast %get3A_1260 : vector<16xi32> to vector<16xi32>
      %add3A_1262 = arith.addi %mul3A_1258, %get3A_1261 : vector<16xi32>
      %mul3A_1263 = arith.constant 16 : i32
      %mul3A_1264 = vector.broadcast %mul3A_1263 : i32 to vector<16xi32>
      %mul3A_1265 = arith.muli %add3A_1262, %mul3A_1264 : vector<16xi32>
      %get3A_1266 = arith.constant 672 : index
      %get3A_1267 = tpu.vector_load %arg9[%get3A_1266] {strides = array<i32>} : memref<800xi32, #tpu.memory_space<vmem>>, vector<16xi32>,
      %get3A_1268 = vector.shape_cast %get3A_1267 : vector<16xi32> to vector<16xi32>
      %add3A_1269 = arith.addi %mul3A_1265, %get3A_1268 : vector<16xi32>
      %swap3A_1270 = arith.constant 672 : index
      %swap3A_1271 = tpu.vector_load %arg10[%swap3A_1270] {strides = array<i32>} : memref<800xi32, #tpu.memory_space<vmem>>, vector<16xi32>,
      %swap3A_1272 = vector.shape_cast %swap3A_1271 : vector<16xi32> to vector<16xi32>
      %swap3A_1273 = vector.shape_cast %add3A_1269 : vector<16xi32> to vector<16xi32>
      tpu.vector_store %arg10[%swap3A_1270], %swap3A_1273 {strides = array<i32>} : memref<800xi32, #tpu.memory_space<vmem>>, vector<16xi32>,
      %get3A_1274 = arith.constant 688 : index
      %get3A_1275 = tpu.vector_load %arg7[%get3A_1274] {strides = array<i32>} : memref<800xi32, #tpu.memory_space<vmem>>, vector<16xi32>,
      %get3A_1276 = vector.shape_cast %get3A_1275 : vector<16xi32> to vector<16xi32>
      %mul3A_1277 = arith.constant 16 : i32
      %mul3A_1278 = vector.broadcast %mul3A_1277 : i32 to vector<16xi32>
      %mul3A_1279 = arith.muli %get3A_1276, %mul3A_1278 : vector<16xi32>
      %get3A_1280 = arith.constant 688 : index
      %get3A_1281 = tpu.vector_load %arg8[%get3A_1280] {strides = array<i32>} : memref<800xi32, #tpu.memory_space<vmem>>, vector<16xi32>,
      %get3A_1282 = vector.shape_cast %get3A_1281 : vector<16xi32> to vector<16xi32>
      %add3A_1283 = arith.addi %mul3A_1279, %get3A_1282 : vector<16xi32>
      %mul3A_1284 = arith.constant 16 : i32
      %mul3A_1285 = vector.broadcast %mul3A_1284 : i32 to vector<16xi32>
      %mul3A_1286 = arith.muli %add3A_1283, %mul3A_1285 : vector<16xi32>
      %get3A_1287 = arith.constant 688 : index
      %get3A_1288 = tpu.vector_load %arg9[%get3A_1287] {strides = array<i32>} : memref<800xi32, #tpu.memory_space<vmem>>, vector<16xi32>,
      %get3A_1289 = vector.shape_cast %get3A_1288 : vector<16xi32> to vector<16xi32>
      %add3A_1290 = arith.addi %mul3A_1286, %get3A_1289 : vector<16xi32>
      %swap3A_1291 = arith.constant 688 : index
      %swap3A_1292 = tpu.vector_load %arg10[%swap3A_1291] {strides = array<i32>} : memref<800xi32, #tpu.memory_space<vmem>>, vector<16xi32>,
      %swap3A_1293 = vector.shape_cast %swap3A_1292 : vector<16xi32> to vector<16xi32>
      %swap3A_1294 = vector.shape_cast %add3A_1290 : vector<16xi32> to vector<16xi32>
      tpu.vector_store %arg10[%swap3A_1291], %swap3A_1294 {strides = array<i32>} : memref<800xi32, #tpu.memory_space<vmem>>, vector<16xi32>,
      %get3A_1295 = arith.constant 704 : index
      %get3A_1296 = tpu.vector_load %arg7[%get3A_1295] {strides = array<i32>} : memref<800xi32, #tpu.memory_space<vmem>>, vector<16xi32>,
      %get3A_1297 = vector.shape_cast %get3A_1296 : vector<16xi32> to vector<16xi32>
      %mul3A_1298 = arith.constant 16 : i32
      %mul3A_1299 = vector.broadcast %mul3A_1298 : i32 to vector<16xi32>
      %mul3A_1300 = arith.muli %get3A_1297, %mul3A_1299 : vector<16xi32>
      %get3A_1301 = arith.constant 704 : index
      %get3A_1302 = tpu.vector_load %arg8[%get3A_1301] {strides = array<i32>} : memref<800xi32, #tpu.memory_space<vmem>>, vector<16xi32>,
      %get3A_1303 = vector.shape_cast %get3A_1302 : vector<16xi32> to vector<16xi32>
      %add3A_1304 = arith.addi %mul3A_1300, %get3A_1303 : vector<16xi32>
      %mul3A_1305 = arith.constant 16 : i32
      %mul3A_1306 = vector.broadcast %mul3A_1305 : i32 to vector<16xi32>
      %mul3A_1307 = arith.muli %add3A_1304, %mul3A_1306 : vector<16xi32>
      %get3A_1308 = arith.constant 704 : index
      %get3A_1309 = tpu.vector_load %arg9[%get3A_1308] {strides = array<i32>} : memref<800xi32, #tpu.memory_space<vmem>>, vector<16xi32>,
      %get3A_1310 = vector.shape_cast %get3A_1309 : vector<16xi32> to vector<16xi32>
      %add3A_1311 = arith.addi %mul3A_1307, %get3A_1310 : vector<16xi32>
      %swap3A_1312 = arith.constant 704 : index
      %swap3A_1313 = tpu.vector_load %arg10[%swap3A_1312] {strides = array<i32>} : memref<800xi32, #tpu.memory_space<vmem>>, vector<16xi32>,
      %swap3A_1314 = vector.shape_cast %swap3A_1313 : vector<16xi32> to vector<16xi32>
      %swap3A_1315 = vector.shape_cast %add3A_1311 : vector<16xi32> to vector<16xi32>
      tpu.vector_store %arg10[%swap3A_1312], %swap3A_1315 {strides = array<i32>} : memref<800xi32, #tpu.memory_space<vmem>>, vector<16xi32>,
      %get3A_1316 = arith.constant 720 : index
      %get3A_1317 = tpu.vector_load %arg7[%get3A_1316] {strides = array<i32>} : memref<800xi32, #tpu.memory_space<vmem>>, vector<16xi32>,
      %get3A_1318 = vector.shape_cast %get3A_1317 : vector<16xi32> to vector<16xi32>
      %mul3A_1319 = arith.constant 16 : i32
      %mul3A_1320 = vector.broadcast %mul3A_1319 : i32 to vector<16xi32>
      %mul3A_1321 = arith.muli %get3A_1318, %mul3A_1320 : vector<16xi32>
      %get3A_1322 = arith.constant 720 : index
      %get3A_1323 = tpu.vector_load %arg8[%get3A_1322] {strides = array<i32>} : memref<800xi32, #tpu.memory_space<vmem>>, vector<16xi32>,
      %get3A_1324 = vector.shape_cast %get3A_1323 : vector<16xi32> to vector<16xi32>
      %add3A_1325 = arith.addi %mul3A_1321, %get3A_1324 : vector<16xi32>
      %mul3A_1326 = arith.constant 16 : i32
      %mul3A_1327 = vector.broadcast %mul3A_1326 : i32 to vector<16xi32>
      %mul3A_1328 = arith.muli %add3A_1325, %mul3A_1327 : vector<16xi32>
      %get3A_1329 = arith.constant 720 : index
      %get3A_1330 = tpu.vector_load %arg9[%get3A_1329] {strides = array<i32>} : memref<800xi32, #tpu.memory_space<vmem>>, vector<16xi32>,
      %get3A_1331 = vector.shape_cast %get3A_1330 : vector<16xi32> to vector<16xi32>
      %add3A_1332 = arith.addi %mul3A_1328, %get3A_1331 : vector<16xi32>
      %swap3A_1333 = arith.constant 720 : index
      %swap3A_1334 = tpu.vector_load %arg10[%swap3A_1333] {strides = array<i32>} : memref<800xi32, #tpu.memory_space<vmem>>, vector<16xi32>,
      %swap3A_1335 = vector.shape_cast %swap3A_1334 : vector<16xi32> to vector<16xi32>
      %swap3A_1336 = vector.shape_cast %add3A_1332 : vector<16xi32> to vector<16xi32>
      tpu.vector_store %arg10[%swap3A_1333], %swap3A_1336 {strides = array<i32>} : memref<800xi32, #tpu.memory_space<vmem>>, vector<16xi32>,
      %get3A_1337 = arith.constant 736 : index
      %get3A_1338 = tpu.vector_load %arg7[%get3A_1337] {strides = array<i32>} : memref<800xi32, #tpu.memory_space<vmem>>, vector<16xi32>,
      %get3A_1339 = vector.shape_cast %get3A_1338 : vector<16xi32> to vector<16xi32>
      %mul3A_1340 = arith.constant 16 : i32
      %mul3A_1341 = vector.broadcast %mul3A_1340 : i32 to vector<16xi32>
      %mul3A_1342 = arith.muli %get3A_1339, %mul3A_1341 : vector<16xi32>
      %get3A_1343 = arith.constant 736 : index
      %get3A_1344 = tpu.vector_load %arg8[%get3A_1343] {strides = array<i32>} : memref<800xi32, #tpu.memory_space<vmem>>, vector<16xi32>,
      %get3A_1345 = vector.shape_cast %get3A_1344 : vector<16xi32> to vector<16xi32>
      %add3A_1346 = arith.addi %mul3A_1342, %get3A_1345 : vector<16xi32>
      %mul3A_1347 = arith.constant 16 : i32
      %mul3A_1348 = vector.broadcast %mul3A_1347 : i32 to vector<16xi32>
      %mul3A_1349 = arith.muli %add3A_1346, %mul3A_1348 : vector<16xi32>
      %get3A_1350 = arith.constant 736 : index
      %get3A_1351 = tpu.vector_load %arg9[%get3A_1350] {strides = array<i32>} : memref<800xi32, #tpu.memory_space<vmem>>, vector<16xi32>,
      %get3A_1352 = vector.shape_cast %get3A_1351 : vector<16xi32> to vector<16xi32>
      %add3A_1353 = arith.addi %mul3A_1349, %get3A_1352 : vector<16xi32>
      %swap3A_1354 = arith.constant 736 : index
      %swap3A_1355 = tpu.vector_load %arg10[%swap3A_1354] {strides = array<i32>} : memref<800xi32, #tpu.memory_space<vmem>>, vector<16xi32>,
      %swap3A_1356 = vector.shape_cast %swap3A_1355 : vector<16xi32> to vector<16xi32>
      %swap3A_1357 = vector.shape_cast %add3A_1353 : vector<16xi32> to vector<16xi32>
      tpu.vector_store %arg10[%swap3A_1354], %swap3A_1357 {strides = array<i32>} : memref<800xi32, #tpu.memory_space<vmem>>, vector<16xi32>,
      %get3A_1358 = arith.constant 752 : index
      %get3A_1359 = tpu.vector_load %arg7[%get3A_1358] {strides = array<i32>} : memref<800xi32, #tpu.memory_space<vmem>>, vector<16xi32>,
      %get3A_1360 = vector.shape_cast %get3A_1359 : vector<16xi32> to vector<16xi32>
      %mul3A_1361 = arith.constant 16 : i32
      %mul3A_1362 = vector.broadcast %mul3A_1361 : i32 to vector<16xi32>
      %mul3A_1363 = arith.muli %get3A_1360, %mul3A_1362 : vector<16xi32>
      %get3A_1364 = arith.constant 752 : index
      %get3A_1365 = tpu.vector_load %arg8[%get3A_1364] {strides = array<i32>} : memref<800xi32, #tpu.memory_space<vmem>>, vector<16xi32>,
      %get3A_1366 = vector.shape_cast %get3A_1365 : vector<16xi32> to vector<16xi32>
      %add3A_1367 = arith.addi %mul3A_1363, %get3A_1366 : vector<16xi32>
      %mul3A_1368 = arith.constant 16 : i32
      %mul3A_1369 = vector.broadcast %mul3A_1368 : i32 to vector<16xi32>
      %mul3A_1370 = arith.muli %add3A_1367, %mul3A_1369 : vector<16xi32>
      %get3A_1371 = arith.constant 752 : index
      %get3A_1372 = tpu.vector_load %arg9[%get3A_1371] {strides = array<i32>} : memref<800xi32, #tpu.memory_space<vmem>>, vector<16xi32>,
      %get3A_1373 = vector.shape_cast %get3A_1372 : vector<16xi32> to vector<16xi32>
      %add3A_1374 = arith.addi %mul3A_1370, %get3A_1373 : vector<16xi32>
      %swap3A_1375 = arith.constant 752 : index
      %swap3A_1376 = tpu.vector_load %arg10[%swap3A_1375] {strides = array<i32>} : memref<800xi32, #tpu.memory_space<vmem>>, vector<16xi32>,
      %swap3A_1377 = vector.shape_cast %swap3A_1376 : vector<16xi32> to vector<16xi32>
      %swap3A_1378 = vector.shape_cast %add3A_1374 : vector<16xi32> to vector<16xi32>
      tpu.vector_store %arg10[%swap3A_1375], %swap3A_1378 {strides = array<i32>} : memref<800xi32, #tpu.memory_space<vmem>>, vector<16xi32>,
      %get3A_1379 = arith.constant 768 : index
      %get3A_1380 = tpu.vector_load %arg7[%get3A_1379] {strides = array<i32>} : memref<800xi32, #tpu.memory_space<vmem>>, vector<16xi32>,
      %get3A_1381 = vector.shape_cast %get3A_1380 : vector<16xi32> to vector<16xi32>
      %mul3A_1382 = arith.constant 16 : i32
      %mul3A_1383 = vector.broadcast %mul3A_1382 : i32 to vector<16xi32>
      %mul3A_1384 = arith.muli %get3A_1381, %mul3A_1383 : vector<16xi32>
      %get3A_1385 = arith.constant 768 : index
      %get3A_1386 = tpu.vector_load %arg8[%get3A_1385] {strides = array<i32>} : memref<800xi32, #tpu.memory_space<vmem>>, vector<16xi32>,
      %get3A_1387 = vector.shape_cast %get3A_1386 : vector<16xi32> to vector<16xi32>
      %add3A_1388 = arith.addi %mul3A_1384, %get3A_1387 : vector<16xi32>
      %mul3A_1389 = arith.constant 16 : i32
      %mul3A_1390 = vector.broadcast %mul3A_1389 : i32 to vector<16xi32>
      %mul3A_1391 = arith.muli %add3A_1388, %mul3A_1390 : vector<16xi32>
      %get3A_1392 = arith.constant 768 : index
      %get3A_1393 = tpu.vector_load %arg9[%get3A_1392] {strides = array<i32>} : memref<800xi32, #tpu.memory_space<vmem>>, vector<16xi32>,
      %get3A_1394 = vector.shape_cast %get3A_1393 : vector<16xi32> to vector<16xi32>
      %add3A_1395 = arith.addi %mul3A_1391, %get3A_1394 : vector<16xi32>
      %swap3A_1396 = arith.constant 768 : index
      %swap3A_1397 = tpu.vector_load %arg10[%swap3A_1396] {strides = array<i32>} : memref<800xi32, #tpu.memory_space<vmem>>, vector<16xi32>,
      %swap3A_1398 = vector.shape_cast %swap3A_1397 : vector<16xi32> to vector<16xi32>
      %swap3A_1399 = vector.shape_cast %add3A_1395 : vector<16xi32> to vector<16xi32>
      tpu.vector_store %arg10[%swap3A_1396], %swap3A_1399 {strides = array<i32>} : memref<800xi32, #tpu.memory_space<vmem>>, vector<16xi32>,
      %get3A_1400 = arith.constant 784 : index
      %get3A_1401 = tpu.vector_load %arg7[%get3A_1400] {strides = array<i32>} : memref<800xi32, #tpu.memory_space<vmem>>, vector<16xi32>,
      %get3A_1402 = vector.shape_cast %get3A_1401 : vector<16xi32> to vector<16xi32>
      %mul3A_1403 = arith.constant 16 : i32
      %mul3A_1404 = vector.broadcast %mul3A_1403 : i32 to vector<16xi32>
      %mul3A_1405 = arith.muli %get3A_1402, %mul3A_1404 : vector<16xi32>
      %get3A_1406 = arith.constant 784 : index
      %get3A_1407 = tpu.vector_load %arg8[%get3A_1406] {strides = array<i32>} : memref<800xi32, #tpu.memory_space<vmem>>, vector<16xi32>,
      %get3A_1408 = vector.shape_cast %get3A_1407 : vector<16xi32> to vector<16xi32>
      %add3A_1409 = arith.addi %mul3A_1405, %get3A_1408 : vector<16xi32>
      %mul3A_1410 = arith.constant 16 : i32
      %mul3A_1411 = vector.broadcast %mul3A_1410 : i32 to vector<16xi32>
      %mul3A_1412 = arith.muli %add3A_1409, %mul3A_1411 : vector<16xi32>
      %get3A_1413 = arith.constant 784 : index
      %get3A_1414 = tpu.vector_load %arg9[%get3A_1413] {strides = array<i32>} : memref<800xi32, #tpu.memory_space<vmem>>, vector<16xi32>,
      %get3A_1415 = vector.shape_cast %get3A_1414 : vector<16xi32> to vector<16xi32>
      %add3A_1416 = arith.addi %mul3A_1412, %get3A_1415 : vector<16xi32>
      %swap3A_1417 = arith.constant 784 : index
      %swap3A_1418 = tpu.vector_load %arg10[%swap3A_1417] {strides = array<i32>} : memref<800xi32, #tpu.memory_space<vmem>>, vector<16xi32>,
      %swap3A_1419 = vector.shape_cast %swap3A_1418 : vector<16xi32> to vector<16xi32>
      %swap3A_1420 = vector.shape_cast %add3A_1416 : vector<16xi32> to vector<16xi32>
      tpu.vector_store %arg10[%swap3A_1417], %swap3A_1420 {strides = array<i32>} : memref<800xi32, #tpu.memory_space<vmem>>, vector<16xi32>,
      %gt3A_1421 = arith.constant 0 : i32
      %gt3A_1422 = arith.cmpi sgt, %scan3A_265, %gt3A_1421 : i32
      %convert_element_type3A_1423 = arith.extui %gt3A_1422 : i1 to i32
      %cond3A_1424 = arith.constant 0 : i32
      %cond3A_1425 = arith.cmpi ne, %convert_element_type3A_1423, %cond3A_1424 : i32
      scf.if %cond3A_1425 {
        %dma_wait3A_1688 = arith.constant 1 : i32
        %dma_wait3A_1689 = arith.constant 0 : i32
        %dma_wait3A_1690 = arith.constant 0 : i32
        %dma_wait3A_1691 = tpu.memref_slice %arg11[%dma_wait3A_1688, %dma_wait3A_1689, %dma_wait3A_1690] : memref<2x400x128xf32, #tpu.memory_space<vmem>> -> memref<1x50x128xf32, #tpu.memory_space<vmem>>
        %dma_wait3A_1692 = tpu.memref_squeeze %dma_wait3A_1691 : memref<1x50x128xf32, #tpu.memory_space<vmem>> -> memref<50x128xf32, #tpu.memory_space<vmem>>
        %dma_wait3A_1693 = arith.constant 0 : i32
        %dma_wait3A_1694 = arith.constant 0 : i32
        %dma_wait3A_1695 = tpu.memref_slice %arg6[%mul3A_2, %dma_wait3A_1693, %dma_wait3A_1694] : memref<16384x50x128xf32, #tpu.memory_space<hbm>> -> memref<1x50x128xf32, #tpu.memory_space<hbm>>
        %dma_wait3A_1696 = tpu.memref_squeeze %dma_wait3A_1695 : memref<1x50x128xf32, #tpu.memory_space<hbm>> -> memref<50x128xf32, #tpu.memory_space<hbm>>
        %dma_wait3A_1697 = arith.constant 0 : i32
        %dma_wait3A_1698 = arith.constant 0 : i32
        %dma_wait3A_1699 = tpu.memref_slice %arg6[%mul3A_2, %dma_wait3A_1697, %dma_wait3A_1698] : memref<16384x50x128xf32, #tpu.memory_space<hbm>> -> memref<1x50x128xf32, #tpu.memory_space<hbm>>
        %dma_wait3A_1700 = tpu.memref_squeeze %dma_wait3A_1699 : memref<1x50x128xf32, #tpu.memory_space<hbm>> -> memref<50x128xf32, #tpu.memory_space<hbm>>
        %dma_wait3A_1701 = arith.constant 0 : i32
        %dma_wait3A_1702 = arith.constant 0 : i32
        %dma_wait3A_1703 = tpu.memref_slice %arg11[%dma_wait3A_1688, %dma_wait3A_1701, %dma_wait3A_1702] : memref<2x400x128xf32, #tpu.memory_space<vmem>> -> memref<1x50x128xf32, #tpu.memory_space<vmem>>
        %dma_wait3A_1704 = tpu.memref_squeeze %dma_wait3A_1703 : memref<1x50x128xf32, #tpu.memory_space<vmem>> -> memref<50x128xf32, #tpu.memory_space<vmem>>
        tpu.wait_dma2 semaphore(%arg17 : memref<!tpu.dma_semaphore, #tpu.memory_space<semaphore_mem>>) src(%dma_wait3A_1704 : memref<50x128xf32, #tpu.memory_space<vmem>>) dst(%dma_wait3A_1700 : memref<50x128xf32, #tpu.memory_space<hbm>>)
        %dma_wait3A_1705 = arith.constant 1 : i32
        %dma_wait3A_1706 = arith.constant 50 : i32
        %dma_wait3A_1707 = arith.constant 0 : i32
        %dma_wait3A_1708 = tpu.memref_slice %arg11[%dma_wait3A_1705, %dma_wait3A_1706, %dma_wait3A_1707] : memref<2x400x128xf32, #tpu.memory_space<vmem>> -> memref<1x50x128xf32, #tpu.memory_space<vmem>>
        %dma_wait3A_1709 = tpu.memref_squeeze %dma_wait3A_1708 : memref<1x50x128xf32, #tpu.memory_space<vmem>> -> memref<50x128xf32, #tpu.memory_space<vmem>>
        %dma_wait3A_1710 = arith.constant 0 : i32
        %dma_wait3A_1711 = arith.constant 0 : i32
        %dma_wait3A_1712 = tpu.memref_slice %arg6[%mul3A_2, %dma_wait3A_1710, %dma_wait3A_1711] : memref<16384x50x128xf32, #tpu.memory_space<hbm>> -> memref<1x50x128xf32, #tpu.memory_space<hbm>>
        %dma_wait3A_1713 = tpu.memref_squeeze %dma_wait3A_1712 : memref<1x50x128xf32, #tpu.memory_space<hbm>> -> memref<50x128xf32, #tpu.memory_space<hbm>>
        %dma_wait3A_1714 = arith.constant 0 : i32
        %dma_wait3A_1715 = arith.constant 0 : i32
        %dma_wait3A_1716 = tpu.memref_slice %arg6[%mul3A_2, %dma_wait3A_1714, %dma_wait3A_1715] : memref<16384x50x128xf32, #tpu.memory_space<hbm>> -> memref<1x50x128xf32, #tpu.memory_space<hbm>>
        %dma_wait3A_1717 = tpu.memref_squeeze %dma_wait3A_1716 : memref<1x50x128xf32, #tpu.memory_space<hbm>> -> memref<50x128xf32, #tpu.memory_space<hbm>>
        %dma_wait3A_1718 = arith.constant 50 : i32
        %dma_wait3A_1719 = arith.constant 0 : i32
        %dma_wait3A_1720 = tpu.memref_slice %arg11[%dma_wait3A_1705, %dma_wait3A_1718, %dma_wait3A_1719] : memref<2x400x128xf32, #tpu.memory_space<vmem>> -> memref<1x50x128xf32, #tpu.memory_space<vmem>>
        %dma_wait3A_1721 = tpu.memref_squeeze %dma_wait3A_1720 : memref<1x50x128xf32, #tpu.memory_space<vmem>> -> memref<50x128xf32, #tpu.memory_space<vmem>>
        tpu.wait_dma2 semaphore(%arg17 : memref<!tpu.dma_semaphore, #tpu.memory_space<semaphore_mem>>) src(%dma_wait3A_1721 : memref<50x128xf32, #tpu.memory_space<vmem>>) dst(%dma_wait3A_1717 : memref<50x128xf32, #tpu.memory_space<hbm>>)
        %dma_wait3A_1722 = arith.constant 1 : i32
        %dma_wait3A_1723 = arith.constant 100 : i32
        %dma_wait3A_1724 = arith.constant 0 : i32
        %dma_wait3A_1725 = tpu.memref_slice %arg11[%dma_wait3A_1722, %dma_wait3A_1723, %dma_wait3A_1724] : memref<2x400x128xf32, #tpu.memory_space<vmem>> -> memref<1x50x128xf32, #tpu.memory_space<vmem>>
        %dma_wait3A_1726 = tpu.memref_squeeze %dma_wait3A_1725 : memref<1x50x128xf32, #tpu.memory_space<vmem>> -> memref<50x128xf32, #tpu.memory_space<vmem>>
        %dma_wait3A_1727 = arith.constant 0 : i32
        %dma_wait3A_1728 = arith.constant 0 : i32
        %dma_wait3A_1729 = tpu.memref_slice %arg6[%mul3A_2, %dma_wait3A_1727, %dma_wait3A_1728] : memref<16384x50x128xf32, #tpu.memory_space<hbm>> -> memref<1x50x128xf32, #tpu.memory_space<hbm>>
        %dma_wait3A_1730 = tpu.memref_squeeze %dma_wait3A_1729 : memref<1x50x128xf32, #tpu.memory_space<hbm>> -> memref<50x128xf32, #tpu.memory_space<hbm>>
        %dma_wait3A_1731 = arith.constant 0 : i32
        %dma_wait3A_1732 = arith.constant 0 : i32
        %dma_wait3A_1733 = tpu.memref_slice %arg6[%mul3A_2, %dma_wait3A_1731, %dma_wait3A_1732] : memref<16384x50x128xf32, #tpu.memory_space<hbm>> -> memref<1x50x128xf32, #tpu.memory_space<hbm>>
        %dma_wait3A_1734 = tpu.memref_squeeze %dma_wait3A_1733 : memref<1x50x128xf32, #tpu.memory_space<hbm>> -> memref<50x128xf32, #tpu.memory_space<hbm>>
        %dma_wait3A_1735 = arith.constant 100 : i32
        %dma_wait3A_1736 = arith.constant 0 : i32
        %dma_wait3A_1737 = tpu.memref_slice %arg11[%dma_wait3A_1722, %dma_wait3A_1735, %dma_wait3A_1736] : memref<2x400x128xf32, #tpu.memory_space<vmem>> -> memref<1x50x128xf32, #tpu.memory_space<vmem>>
        %dma_wait3A_1738 = tpu.memref_squeeze %dma_wait3A_1737 : memref<1x50x128xf32, #tpu.memory_space<vmem>> -> memref<50x128xf32, #tpu.memory_space<vmem>>
        tpu.wait_dma2 semaphore(%arg17 : memref<!tpu.dma_semaphore, #tpu.memory_space<semaphore_mem>>) src(%dma_wait3A_1738 : memref<50x128xf32, #tpu.memory_space<vmem>>) dst(%dma_wait3A_1734 : memref<50x128xf32, #tpu.memory_space<hbm>>)
        %dma_wait3A_1739 = arith.constant 1 : i32
        %dma_wait3A_1740 = arith.constant 150 : i32
        %dma_wait3A_1741 = arith.constant 0 : i32
        %dma_wait3A_1742 = tpu.memref_slice %arg11[%dma_wait3A_1739, %dma_wait3A_1740, %dma_wait3A_1741] : memref<2x400x128xf32, #tpu.memory_space<vmem>> -> memref<1x50x128xf32, #tpu.memory_space<vmem>>
        %dma_wait3A_1743 = tpu.memref_squeeze %dma_wait3A_1742 : memref<1x50x128xf32, #tpu.memory_space<vmem>> -> memref<50x128xf32, #tpu.memory_space<vmem>>
        %dma_wait3A_1744 = arith.constant 0 : i32
        %dma_wait3A_1745 = arith.constant 0 : i32
        %dma_wait3A_1746 = tpu.memref_slice %arg6[%mul3A_2, %dma_wait3A_1744, %dma_wait3A_1745] : memref<16384x50x128xf32, #tpu.memory_space<hbm>> -> memref<1x50x128xf32, #tpu.memory_space<hbm>>
        %dma_wait3A_1747 = tpu.memref_squeeze %dma_wait3A_1746 : memref<1x50x128xf32, #tpu.memory_space<hbm>> -> memref<50x128xf32, #tpu.memory_space<hbm>>
        %dma_wait3A_1748 = arith.constant 0 : i32
        %dma_wait3A_1749 = arith.constant 0 : i32
        %dma_wait3A_1750 = tpu.memref_slice %arg6[%mul3A_2, %dma_wait3A_1748, %dma_wait3A_1749] : memref<16384x50x128xf32, #tpu.memory_space<hbm>> -> memref<1x50x128xf32, #tpu.memory_space<hbm>>
        %dma_wait3A_1751 = tpu.memref_squeeze %dma_wait3A_1750 : memref<1x50x128xf32, #tpu.memory_space<hbm>> -> memref<50x128xf32, #tpu.memory_space<hbm>>
        %dma_wait3A_1752 = arith.constant 150 : i32
        %dma_wait3A_1753 = arith.constant 0 : i32
        %dma_wait3A_1754 = tpu.memref_slice %arg11[%dma_wait3A_1739, %dma_wait3A_1752, %dma_wait3A_1753] : memref<2x400x128xf32, #tpu.memory_space<vmem>> -> memref<1x50x128xf32, #tpu.memory_space<vmem>>
        %dma_wait3A_1755 = tpu.memref_squeeze %dma_wait3A_1754 : memref<1x50x128xf32, #tpu.memory_space<vmem>> -> memref<50x128xf32, #tpu.memory_space<vmem>>
        tpu.wait_dma2 semaphore(%arg17 : memref<!tpu.dma_semaphore, #tpu.memory_space<semaphore_mem>>) src(%dma_wait3A_1755 : memref<50x128xf32, #tpu.memory_space<vmem>>) dst(%dma_wait3A_1751 : memref<50x128xf32, #tpu.memory_space<hbm>>)
        %dma_wait3A_1756 = arith.constant 1 : i32
        %dma_wait3A_1757 = arith.constant 200 : i32
        %dma_wait3A_1758 = arith.constant 0 : i32
        %dma_wait3A_1759 = tpu.memref_slice %arg11[%dma_wait3A_1756, %dma_wait3A_1757, %dma_wait3A_1758] : memref<2x400x128xf32, #tpu.memory_space<vmem>> -> memref<1x50x128xf32, #tpu.memory_space<vmem>>
        %dma_wait3A_1760 = tpu.memref_squeeze %dma_wait3A_1759 : memref<1x50x128xf32, #tpu.memory_space<vmem>> -> memref<50x128xf32, #tpu.memory_space<vmem>>
        %dma_wait3A_1761 = arith.constant 0 : i32
        %dma_wait3A_1762 = arith.constant 0 : i32
        %dma_wait3A_1763 = tpu.memref_slice %arg6[%mul3A_2, %dma_wait3A_1761, %dma_wait3A_1762] : memref<16384x50x128xf32, #tpu.memory_space<hbm>> -> memref<1x50x128xf32, #tpu.memory_space<hbm>>
        %dma_wait3A_1764 = tpu.memref_squeeze %dma_wait3A_1763 : memref<1x50x128xf32, #tpu.memory_space<hbm>> -> memref<50x128xf32, #tpu.memory_space<hbm>>
        %dma_wait3A_1765 = arith.constant 0 : i32
        %dma_wait3A_1766 = arith.constant 0 : i32
        %dma_wait3A_1767 = tpu.memref_slice %arg6[%mul3A_2, %dma_wait3A_1765, %dma_wait3A_1766] : memref<16384x50x128xf32, #tpu.memory_space<hbm>> -> memref<1x50x128xf32, #tpu.memory_space<hbm>>
        %dma_wait3A_1768 = tpu.memref_squeeze %dma_wait3A_1767 : memref<1x50x128xf32, #tpu.memory_space<hbm>> -> memref<50x128xf32, #tpu.memory_space<hbm>>
        %dma_wait3A_1769 = arith.constant 200 : i32
        %dma_wait3A_1770 = arith.constant 0 : i32
        %dma_wait3A_1771 = tpu.memref_slice %arg11[%dma_wait3A_1756, %dma_wait3A_1769, %dma_wait3A_1770] : memref<2x400x128xf32, #tpu.memory_space<vmem>> -> memref<1x50x128xf32, #tpu.memory_space<vmem>>
        %dma_wait3A_1772 = tpu.memref_squeeze %dma_wait3A_1771 : memref<1x50x128xf32, #tpu.memory_space<vmem>> -> memref<50x128xf32, #tpu.memory_space<vmem>>
        tpu.wait_dma2 semaphore(%arg17 : memref<!tpu.dma_semaphore, #tpu.memory_space<semaphore_mem>>) src(%dma_wait3A_1772 : memref<50x128xf32, #tpu.memory_space<vmem>>) dst(%dma_wait3A_1768 : memref<50x128xf32, #tpu.memory_space<hbm>>)
        %dma_wait3A_1773 = arith.constant 1 : i32
        %dma_wait3A_1774 = arith.constant 250 : i32
        %dma_wait3A_1775 = arith.constant 0 : i32
        %dma_wait3A_1776 = tpu.memref_slice %arg11[%dma_wait3A_1773, %dma_wait3A_1774, %dma_wait3A_1775] : memref<2x400x128xf32, #tpu.memory_space<vmem>> -> memref<1x50x128xf32, #tpu.memory_space<vmem>>
        %dma_wait3A_1777 = tpu.memref_squeeze %dma_wait3A_1776 : memref<1x50x128xf32, #tpu.memory_space<vmem>> -> memref<50x128xf32, #tpu.memory_space<vmem>>
        %dma_wait3A_1778 = arith.constant 0 : i32
        %dma_wait3A_1779 = arith.constant 0 : i32
        %dma_wait3A_1780 = tpu.memref_slice %arg6[%mul3A_2, %dma_wait3A_1778, %dma_wait3A_1779] : memref<16384x50x128xf32, #tpu.memory_space<hbm>> -> memref<1x50x128xf32, #tpu.memory_space<hbm>>
        %dma_wait3A_1781 = tpu.memref_squeeze %dma_wait3A_1780 : memref<1x50x128xf32, #tpu.memory_space<hbm>> -> memref<50x128xf32, #tpu.memory_space<hbm>>
        %dma_wait3A_1782 = arith.constant 0 : i32
        %dma_wait3A_1783 = arith.constant 0 : i32
        %dma_wait3A_1784 = tpu.memref_slice %arg6[%mul3A_2, %dma_wait3A_1782, %dma_wait3A_1783] : memref<16384x50x128xf32, #tpu.memory_space<hbm>> -> memref<1x50x128xf32, #tpu.memory_space<hbm>>
        %dma_wait3A_1785 = tpu.memref_squeeze %dma_wait3A_1784 : memref<1x50x128xf32, #tpu.memory_space<hbm>> -> memref<50x128xf32, #tpu.memory_space<hbm>>
        %dma_wait3A_1786 = arith.constant 250 : i32
        %dma_wait3A_1787 = arith.constant 0 : i32
        %dma_wait3A_1788 = tpu.memref_slice %arg11[%dma_wait3A_1773, %dma_wait3A_1786, %dma_wait3A_1787] : memref<2x400x128xf32, #tpu.memory_space<vmem>> -> memref<1x50x128xf32, #tpu.memory_space<vmem>>
        %dma_wait3A_1789 = tpu.memref_squeeze %dma_wait3A_1788 : memref<1x50x128xf32, #tpu.memory_space<vmem>> -> memref<50x128xf32, #tpu.memory_space<vmem>>
        tpu.wait_dma2 semaphore(%arg17 : memref<!tpu.dma_semaphore, #tpu.memory_space<semaphore_mem>>) src(%dma_wait3A_1789 : memref<50x128xf32, #tpu.memory_space<vmem>>) dst(%dma_wait3A_1785 : memref<50x128xf32, #tpu.memory_space<hbm>>)
        %dma_wait3A_1790 = arith.constant 1 : i32
        %dma_wait3A_1791 = arith.constant 300 : i32
        %dma_wait3A_1792 = arith.constant 0 : i32
        %dma_wait3A_1793 = tpu.memref_slice %arg11[%dma_wait3A_1790, %dma_wait3A_1791, %dma_wait3A_1792] : memref<2x400x128xf32, #tpu.memory_space<vmem>> -> memref<1x50x128xf32, #tpu.memory_space<vmem>>
        %dma_wait3A_1794 = tpu.memref_squeeze %dma_wait3A_1793 : memref<1x50x128xf32, #tpu.memory_space<vmem>> -> memref<50x128xf32, #tpu.memory_space<vmem>>
        %dma_wait3A_1795 = arith.constant 0 : i32
        %dma_wait3A_1796 = arith.constant 0 : i32
        %dma_wait3A_1797 = tpu.memref_slice %arg6[%mul3A_2, %dma_wait3A_1795, %dma_wait3A_1796] : memref<16384x50x128xf32, #tpu.memory_space<hbm>> -> memref<1x50x128xf32, #tpu.memory_space<hbm>>
        %dma_wait3A_1798 = tpu.memref_squeeze %dma_wait3A_1797 : memref<1x50x128xf32, #tpu.memory_space<hbm>> -> memref<50x128xf32, #tpu.memory_space<hbm>>
        %dma_wait3A_1799 = arith.constant 0 : i32
        %dma_wait3A_1800 = arith.constant 0 : i32
        %dma_wait3A_1801 = tpu.memref_slice %arg6[%mul3A_2, %dma_wait3A_1799, %dma_wait3A_1800] : memref<16384x50x128xf32, #tpu.memory_space<hbm>> -> memref<1x50x128xf32, #tpu.memory_space<hbm>>
        %dma_wait3A_1802 = tpu.memref_squeeze %dma_wait3A_1801 : memref<1x50x128xf32, #tpu.memory_space<hbm>> -> memref<50x128xf32, #tpu.memory_space<hbm>>
        %dma_wait3A_1803 = arith.constant 300 : i32
        %dma_wait3A_1804 = arith.constant 0 : i32
        %dma_wait3A_1805 = tpu.memref_slice %arg11[%dma_wait3A_1790, %dma_wait3A_1803, %dma_wait3A_1804] : memref<2x400x128xf32, #tpu.memory_space<vmem>> -> memref<1x50x128xf32, #tpu.memory_space<vmem>>
        %dma_wait3A_1806 = tpu.memref_squeeze %dma_wait3A_1805 : memref<1x50x128xf32, #tpu.memory_space<vmem>> -> memref<50x128xf32, #tpu.memory_space<vmem>>
        tpu.wait_dma2 semaphore(%arg17 : memref<!tpu.dma_semaphore, #tpu.memory_space<semaphore_mem>>) src(%dma_wait3A_1806 : memref<50x128xf32, #tpu.memory_space<vmem>>) dst(%dma_wait3A_1802 : memref<50x128xf32, #tpu.memory_space<hbm>>)
        %dma_wait3A_1807 = arith.constant 1 : i32
        %dma_wait3A_1808 = arith.constant 350 : i32
        %dma_wait3A_1809 = arith.constant 0 : i32
        %dma_wait3A_1810 = tpu.memref_slice %arg11[%dma_wait3A_1807, %dma_wait3A_1808, %dma_wait3A_1809] : memref<2x400x128xf32, #tpu.memory_space<vmem>> -> memref<1x50x128xf32, #tpu.memory_space<vmem>>
        %dma_wait3A_1811 = tpu.memref_squeeze %dma_wait3A_1810 : memref<1x50x128xf32, #tpu.memory_space<vmem>> -> memref<50x128xf32, #tpu.memory_space<vmem>>
        %dma_wait3A_1812 = arith.constant 0 : i32
        %dma_wait3A_1813 = arith.constant 0 : i32
        %dma_wait3A_1814 = tpu.memref_slice %arg6[%mul3A_2, %dma_wait3A_1812, %dma_wait3A_1813] : memref<16384x50x128xf32, #tpu.memory_space<hbm>> -> memref<1x50x128xf32, #tpu.memory_space<hbm>>
        %dma_wait3A_1815 = tpu.memref_squeeze %dma_wait3A_1814 : memref<1x50x128xf32, #tpu.memory_space<hbm>> -> memref<50x128xf32, #tpu.memory_space<hbm>>
        %dma_wait3A_1816 = arith.constant 0 : i32
        %dma_wait3A_1817 = arith.constant 0 : i32
        %dma_wait3A_1818 = tpu.memref_slice %arg6[%mul3A_2, %dma_wait3A_1816, %dma_wait3A_1817] : memref<16384x50x128xf32, #tpu.memory_space<hbm>> -> memref<1x50x128xf32, #tpu.memory_space<hbm>>
        %dma_wait3A_1819 = tpu.memref_squeeze %dma_wait3A_1818 : memref<1x50x128xf32, #tpu.memory_space<hbm>> -> memref<50x128xf32, #tpu.memory_space<hbm>>
        %dma_wait3A_1820 = arith.constant 350 : i32
        %dma_wait3A_1821 = arith.constant 0 : i32
        %dma_wait3A_1822 = tpu.memref_slice %arg11[%dma_wait3A_1807, %dma_wait3A_1820, %dma_wait3A_1821] : memref<2x400x128xf32, #tpu.memory_space<vmem>> -> memref<1x50x128xf32, #tpu.memory_space<vmem>>
        %dma_wait3A_1823 = tpu.memref_squeeze %dma_wait3A_1822 : memref<1x50x128xf32, #tpu.memory_space<vmem>> -> memref<50x128xf32, #tpu.memory_space<vmem>>
        tpu.wait_dma2 semaphore(%arg17 : memref<!tpu.dma_semaphore, #tpu.memory_space<semaphore_mem>>) src(%dma_wait3A_1823 : memref<50x128xf32, #tpu.memory_space<vmem>>) dst(%dma_wait3A_1819 : memref<50x128xf32, #tpu.memory_space<hbm>>)
      } else {
      }
      %dma_start3A_1426 = arith.constant 1 : i32
      %dma_start3A_1427 = arith.constant 0 : i32
      %dma_start3A_1428 = arith.constant 0 : i32
      %dma_start3A_1429 = tpu.memref_slice %arg11[%dma_start3A_1426, %dma_start3A_1427, %dma_start3A_1428] : memref<2x400x128xf32, #tpu.memory_space<vmem>> -> memref<1x128x128xf32, #tpu.memory_space<vmem>>
      %dma_start3A_1430 = tpu.memref_squeeze %dma_start3A_1429 : memref<1x128x128xf32, #tpu.memory_space<vmem>> -> memref<128x128xf32, #tpu.memory_space<vmem>>
      %dma_start3A_1431 = arith.constant 400 : i32
      %dma_start3A_1432 = tpu.memref_slice %arg10[%dma_start3A_1431] : memref<800xi32, #tpu.memory_space<vmem>> -> memref<128xi32, #tpu.memory_space<vmem>>
      %dma_start3A_1433 = arith.constant 0 : i32
      %dma_start3A_1434 = arith.constant 0 : i32
      %dma_start3A_1435 = tpu.memref_slice %arg5[%dma_start3A_1433, %dma_start3A_1434] : memref<4096x128xf32, #tpu.memory_space<hbm>> -> memref<4096x128xf32, #tpu.memory_space<hbm>>
      tpu.enqueue_indirect_dma source(%dma_start3A_1435 : memref<4096x128xf32, #tpu.memory_space<hbm>>) target(%dma_start3A_1430 : memref<128x128xf32, #tpu.memory_space<vmem>>) offsets(%dma_start3A_1432 : memref<128xi32, #tpu.memory_space<vmem>>) semaphore(%arg15 : memref<!tpu.dma_semaphore, #tpu.memory_space<semaphore_mem>>)
      %dma_start3A_1436 = arith.constant 1 : i32
      %dma_start3A_1437 = arith.constant 128 : i32
      %dma_start3A_1438 = arith.constant 0 : i32
      %dma_start3A_1439 = tpu.memref_slice %arg11[%dma_start3A_1436, %dma_start3A_1437, %dma_start3A_1438] : memref<2x400x128xf32, #tpu.memory_space<vmem>> -> memref<1x128x128xf32, #tpu.memory_space<vmem>>
      %dma_start3A_1440 = tpu.memref_squeeze %dma_start3A_1439 : memref<1x128x128xf32, #tpu.memory_space<vmem>> -> memref<128x128xf32, #tpu.memory_space<vmem>>
      %dma_start3A_1441 = arith.constant 528 : i32
      %dma_start3A_1442 = tpu.memref_slice %arg10[%dma_start3A_1441] : memref<800xi32, #tpu.memory_space<vmem>> -> memref<128xi32, #tpu.memory_space<vmem>>
      %dma_start3A_1443 = arith.constant 0 : i32
      %dma_start3A_1444 = arith.constant 0 : i32
      %dma_start3A_1445 = tpu.memref_slice %arg5[%dma_start3A_1443, %dma_start3A_1444] : memref<4096x128xf32, #tpu.memory_space<hbm>> -> memref<4096x128xf32, #tpu.memory_space<hbm>>
      tpu.enqueue_indirect_dma source(%dma_start3A_1445 : memref<4096x128xf32, #tpu.memory_space<hbm>>) target(%dma_start3A_1440 : memref<128x128xf32, #tpu.memory_space<vmem>>) offsets(%dma_start3A_1442 : memref<128xi32, #tpu.memory_space<vmem>>) semaphore(%arg15 : memref<!tpu.dma_semaphore, #tpu.memory_space<semaphore_mem>>)
      %dma_start3A_1446 = arith.constant 1 : i32
      %dma_start3A_1447 = arith.constant 256 : i32
      %dma_start3A_1448 = arith.constant 0 : i32
      %dma_start3A_1449 = tpu.memref_slice %arg11[%dma_start3A_1446, %dma_start3A_1447, %dma_start3A_1448] : memref<2x400x128xf32, #tpu.memory_space<vmem>> -> memref<1x128x128xf32, #tpu.memory_space<vmem>>
      %dma_start3A_1450 = tpu.memref_squeeze %dma_start3A_1449 : memref<1x128x128xf32, #tpu.memory_space<vmem>> -> memref<128x128xf32, #tpu.memory_space<vmem>>
      %dma_start3A_1451 = arith.constant 656 : i32
      %dma_start3A_1452 = tpu.memref_slice %arg10[%dma_start3A_1451] : memref<800xi32, #tpu.memory_space<vmem>> -> memref<128xi32, #tpu.memory_space<vmem>>
      %dma_start3A_1453 = arith.constant 0 : i32
      %dma_start3A_1454 = arith.constant 0 : i32
      %dma_start3A_1455 = tpu.memref_slice %arg5[%dma_start3A_1453, %dma_start3A_1454] : memref<4096x128xf32, #tpu.memory_space<hbm>> -> memref<4096x128xf32, #tpu.memory_space<hbm>>
      tpu.enqueue_indirect_dma source(%dma_start3A_1455 : memref<4096x128xf32, #tpu.memory_space<hbm>>) target(%dma_start3A_1450 : memref<128x128xf32, #tpu.memory_space<vmem>>) offsets(%dma_start3A_1452 : memref<128xi32, #tpu.memory_space<vmem>>) semaphore(%arg15 : memref<!tpu.dma_semaphore, #tpu.memory_space<semaphore_mem>>)
      %dma_start3A_1456 = arith.constant 1 : i32
      %dma_start3A_1457 = arith.constant 384 : i32
      %dma_start3A_1458 = arith.constant 0 : i32
      %dma_start3A_1459 = tpu.memref_slice %arg11[%dma_start3A_1456, %dma_start3A_1457, %dma_start3A_1458] : memref<2x400x128xf32, #tpu.memory_space<vmem>> -> memref<1x16x128xf32, #tpu.memory_space<vmem>>
      %dma_start3A_1460 = tpu.memref_squeeze %dma_start3A_1459 : memref<1x16x128xf32, #tpu.memory_space<vmem>> -> memref<16x128xf32, #tpu.memory_space<vmem>>
      %dma_start3A_1461 = arith.constant 784 : i32
      %dma_start3A_1462 = tpu.memref_slice %arg10[%dma_start3A_1461] : memref<800xi32, #tpu.memory_space<vmem>> -> memref<16xi32, #tpu.memory_space<vmem>>
      %dma_start3A_1463 = arith.constant 0 : i32
      %dma_start3A_1464 = arith.constant 0 : i32
      %dma_start3A_1465 = tpu.memref_slice %arg5[%dma_start3A_1463, %dma_start3A_1464] : memref<4096x128xf32, #tpu.memory_space<hbm>> -> memref<4096x128xf32, #tpu.memory_space<hbm>>
      tpu.enqueue_indirect_dma source(%dma_start3A_1465 : memref<4096x128xf32, #tpu.memory_space<hbm>>) target(%dma_start3A_1460 : memref<16x128xf32, #tpu.memory_space<vmem>>) offsets(%dma_start3A_1462 : memref<16xi32, #tpu.memory_space<vmem>>) semaphore(%arg15 : memref<!tpu.dma_semaphore, #tpu.memory_space<semaphore_mem>>)
      %dma_wait3A_1466 = arith.constant 0 : i32
      %dma_wait3A_1467 = arith.constant 0 : i32
      %dma_wait3A_1468 = arith.constant 0 : i32
      %dma_wait3A_1469 = tpu.memref_slice %arg11[%dma_wait3A_1466, %dma_wait3A_1467, %dma_wait3A_1468] : memref<2x400x128xf32, #tpu.memory_space<vmem>> -> memref<1x128x128xf32, #tpu.memory_space<vmem>>
      %dma_wait3A_1470 = tpu.memref_squeeze %dma_wait3A_1469 : memref<1x128x128xf32, #tpu.memory_space<vmem>> -> memref<128x128xf32, #tpu.memory_space<vmem>>
      %dma_wait3A_1471 = arith.constant 0 : i32
      %dma_wait3A_1472 = tpu.memref_slice %arg10[%dma_wait3A_1471] : memref<800xi32, #tpu.memory_space<vmem>> -> memref<128xi32, #tpu.memory_space<vmem>>
      %dma_wait3A_1473 = arith.constant 0 : i32
      %dma_wait3A_1474 = arith.constant 0 : i32
      %dma_wait3A_1475 = tpu.memref_slice %arg5[%dma_wait3A_1473, %dma_wait3A_1474] : memref<4096x128xf32, #tpu.memory_space<hbm>> -> memref<4096x128xf32, #tpu.memory_space<hbm>>
      tpu.wait_indirect_dma semaphore(%arg14 : memref<!tpu.dma_semaphore, #tpu.memory_space<semaphore_mem>>) src(%dma_wait3A_1475 : memref<4096x128xf32, #tpu.memory_space<hbm>>) dst(%dma_wait3A_1470 : memref<128x128xf32, #tpu.memory_space<vmem>>)
      %dma_wait3A_1476 = arith.constant 0 : i32
      %dma_wait3A_1477 = arith.constant 128 : i32
      %dma_wait3A_1478 = arith.constant 0 : i32
      %dma_wait3A_1479 = tpu.memref_slice %arg11[%dma_wait3A_1476, %dma_wait3A_1477, %dma_wait3A_1478] : memref<2x400x128xf32, #tpu.memory_space<vmem>> -> memref<1x128x128xf32, #tpu.memory_space<vmem>>
      %dma_wait3A_1480 = tpu.memref_squeeze %dma_wait3A_1479 : memref<1x128x128xf32, #tpu.memory_space<vmem>> -> memref<128x128xf32, #tpu.memory_space<vmem>>
      %dma_wait3A_1481 = arith.constant 128 : i32
      %dma_wait3A_1482 = tpu.memref_slice %arg10[%dma_wait3A_1481] : memref<800xi32, #tpu.memory_space<vmem>> -> memref<128xi32, #tpu.memory_space<vmem>>
      %dma_wait3A_1483 = arith.constant 0 : i32
      %dma_wait3A_1484 = arith.constant 0 : i32
      %dma_wait3A_1485 = tpu.memref_slice %arg5[%dma_wait3A_1483, %dma_wait3A_1484] : memref<4096x128xf32, #tpu.memory_space<hbm>> -> memref<4096x128xf32, #tpu.memory_space<hbm>>
      tpu.wait_indirect_dma semaphore(%arg14 : memref<!tpu.dma_semaphore, #tpu.memory_space<semaphore_mem>>) src(%dma_wait3A_1485 : memref<4096x128xf32, #tpu.memory_space<hbm>>) dst(%dma_wait3A_1480 : memref<128x128xf32, #tpu.memory_space<vmem>>)
      %dma_wait3A_1486 = arith.constant 0 : i32
      %dma_wait3A_1487 = arith.constant 256 : i32
      %dma_wait3A_1488 = arith.constant 0 : i32
      %dma_wait3A_1489 = tpu.memref_slice %arg11[%dma_wait3A_1486, %dma_wait3A_1487, %dma_wait3A_1488] : memref<2x400x128xf32, #tpu.memory_space<vmem>> -> memref<1x128x128xf32, #tpu.memory_space<vmem>>
      %dma_wait3A_1490 = tpu.memref_squeeze %dma_wait3A_1489 : memref<1x128x128xf32, #tpu.memory_space<vmem>> -> memref<128x128xf32, #tpu.memory_space<vmem>>
      %dma_wait3A_1491 = arith.constant 256 : i32
      %dma_wait3A_1492 = tpu.memref_slice %arg10[%dma_wait3A_1491] : memref<800xi32, #tpu.memory_space<vmem>> -> memref<128xi32, #tpu.memory_space<vmem>>
      %dma_wait3A_1493 = arith.constant 0 : i32
      %dma_wait3A_1494 = arith.constant 0 : i32
      %dma_wait3A_1495 = tpu.memref_slice %arg5[%dma_wait3A_1493, %dma_wait3A_1494] : memref<4096x128xf32, #tpu.memory_space<hbm>> -> memref<4096x128xf32, #tpu.memory_space<hbm>>
      tpu.wait_indirect_dma semaphore(%arg14 : memref<!tpu.dma_semaphore, #tpu.memory_space<semaphore_mem>>) src(%dma_wait3A_1495 : memref<4096x128xf32, #tpu.memory_space<hbm>>) dst(%dma_wait3A_1490 : memref<128x128xf32, #tpu.memory_space<vmem>>)
      %dma_wait3A_1496 = arith.constant 0 : i32
      %dma_wait3A_1497 = arith.constant 384 : i32
      %dma_wait3A_1498 = arith.constant 0 : i32
      %dma_wait3A_1499 = tpu.memref_slice %arg11[%dma_wait3A_1496, %dma_wait3A_1497, %dma_wait3A_1498] : memref<2x400x128xf32, #tpu.memory_space<vmem>> -> memref<1x16x128xf32, #tpu.memory_space<vmem>>
      %dma_wait3A_1500 = tpu.memref_squeeze %dma_wait3A_1499 : memref<1x16x128xf32, #tpu.memory_space<vmem>> -> memref<16x128xf32, #tpu.memory_space<vmem>>
      %dma_wait3A_1501 = arith.constant 384 : i32
      %dma_wait3A_1502 = tpu.memref_slice %arg10[%dma_wait3A_1501] : memref<800xi32, #tpu.memory_space<vmem>> -> memref<16xi32, #tpu.memory_space<vmem>>
      %dma_wait3A_1503 = arith.constant 0 : i32
      %dma_wait3A_1504 = arith.constant 0 : i32
      %dma_wait3A_1505 = tpu.memref_slice %arg5[%dma_wait3A_1503, %dma_wait3A_1504] : memref<4096x128xf32, #tpu.memory_space<hbm>> -> memref<4096x128xf32, #tpu.memory_space<hbm>>
      tpu.wait_indirect_dma semaphore(%arg14 : memref<!tpu.dma_semaphore, #tpu.memory_space<semaphore_mem>>) src(%dma_wait3A_1505 : memref<4096x128xf32, #tpu.memory_space<hbm>>) dst(%dma_wait3A_1500 : memref<16x128xf32, #tpu.memory_space<vmem>>)
      %sub3A = arith.constant 1 : i32
      %sub3A_1506 = arith.subi %add3A_871, %sub3A : i32
      %mul3A_1507 = arith.constant 8 : i32
      %mul3A_1508 = arith.muli %sub3A_1506, %mul3A_1507 : i32
      %add3A_1509 = arith.addi %mul3A_2, %mul3A_1508 : i32
      %add3A_1510 = arith.constant 0 : i32
      %add3A_1511 = arith.addi %add3A_1509, %add3A_1510 : i32
      %dma_start3A_1512 = arith.constant 0 : i32
      %dma_start3A_1513 = arith.constant 0 : i32
      %dma_start3A_1514 = arith.constant 0 : i32
      %dma_start3A_1515 = tpu.memref_slice %arg11[%dma_start3A_1512, %dma_start3A_1513, %dma_start3A_1514] : memref<2x400x128xf32, #tpu.memory_space<vmem>> -> memref<1x50x128xf32, #tpu.memory_space<vmem>>
      %dma_start3A_1516 = tpu.memref_squeeze %dma_start3A_1515 : memref<1x50x128xf32, #tpu.memory_space<vmem>> -> memref<50x128xf32, #tpu.memory_space<vmem>>
      %dma_start3A_1517 = arith.constant 0 : i32
      %dma_start3A_1518 = arith.constant 0 : i32
      %dma_start3A_1519 = tpu.memref_slice %arg6[%add3A_1511, %dma_start3A_1517, %dma_start3A_1518] : memref<16384x50x128xf32, #tpu.memory_space<hbm>> -> memref<1x50x128xf32, #tpu.memory_space<hbm>>
      %dma_start3A_1520 = tpu.memref_squeeze %dma_start3A_1519 : memref<1x50x128xf32, #tpu.memory_space<hbm>> -> memref<50x128xf32, #tpu.memory_space<hbm>>
      %dma_start3A_1521 = arith.constant 0 : i32
      %dma_start3A_1522 = arith.constant 0 : i32
      %dma_start3A_1523 = tpu.memref_slice %arg6[%add3A_1511, %dma_start3A_1521, %dma_start3A_1522] : memref<16384x50x128xf32, #tpu.memory_space<hbm>> -> memref<1x50x128xf32, #tpu.memory_space<hbm>>
      %dma_start3A_1524 = tpu.memref_squeeze %dma_start3A_1523 : memref<1x50x128xf32, #tpu.memory_space<hbm>> -> memref<50x128xf32, #tpu.memory_space<hbm>>
      %dma_start3A_1525 = arith.constant 0 : i32
      %dma_start3A_1526 = arith.constant 0 : i32
      %dma_start3A_1527 = tpu.memref_slice %arg11[%dma_start3A_1512, %dma_start3A_1525, %dma_start3A_1526] : memref<2x400x128xf32, #tpu.memory_space<vmem>> -> memref<1x50x128xf32, #tpu.memory_space<vmem>>
      %dma_start3A_1528 = tpu.memref_squeeze %dma_start3A_1527 : memref<1x50x128xf32, #tpu.memory_space<vmem>> -> memref<50x128xf32, #tpu.memory_space<vmem>>
      tpu.enqueue_dma source(%dma_start3A_1528 : memref<50x128xf32, #tpu.memory_space<vmem>>) target(%dma_start3A_1524 : memref<50x128xf32, #tpu.memory_space<hbm>>) target_semaphore(%arg16 : memref<!tpu.dma_semaphore, #tpu.memory_space<semaphore_mem>>)
      %mul3A_1529 = arith.constant 8 : i32
      %mul3A_1530 = arith.muli %sub3A_1506, %mul3A_1529 : i32
      %add3A_1531 = arith.addi %mul3A_2, %mul3A_1530 : i32
      %add3A_1532 = arith.constant 1 : i32
      %add3A_1533 = arith.addi %add3A_1531, %add3A_1532 : i32
      %dma_start3A_1534 = arith.constant 0 : i32
      %dma_start3A_1535 = arith.constant 50 : i32
      %dma_start3A_1536 = arith.constant 0 : i32
      %dma_start3A_1537 = tpu.memref_slice %arg11[%dma_start3A_1534, %dma_start3A_1535, %dma_start3A_1536] : memref<2x400x128xf32, #tpu.memory_space<vmem>> -> memref<1x50x128xf32, #tpu.memory_space<vmem>>
      %dma_start3A_1538 = tpu.memref_squeeze %dma_start3A_1537 : memref<1x50x128xf32, #tpu.memory_space<vmem>> -> memref<50x128xf32, #tpu.memory_space<vmem>>
      %dma_start3A_1539 = arith.constant 0 : i32
      %dma_start3A_1540 = arith.constant 0 : i32
      %dma_start3A_1541 = tpu.memref_slice %arg6[%add3A_1533, %dma_start3A_1539, %dma_start3A_1540] : memref<16384x50x128xf32, #tpu.memory_space<hbm>> -> memref<1x50x128xf32, #tpu.memory_space<hbm>>
      %dma_start3A_1542 = tpu.memref_squeeze %dma_start3A_1541 : memref<1x50x128xf32, #tpu.memory_space<hbm>> -> memref<50x128xf32, #tpu.memory_space<hbm>>
      %dma_start3A_1543 = arith.constant 0 : i32
      %dma_start3A_1544 = arith.constant 0 : i32
      %dma_start3A_1545 = tpu.memref_slice %arg6[%add3A_1533, %dma_start3A_1543, %dma_start3A_1544] : memref<16384x50x128xf32, #tpu.memory_space<hbm>> -> memref<1x50x128xf32, #tpu.memory_space<hbm>>
      %dma_start3A_1546 = tpu.memref_squeeze %dma_start3A_1545 : memref<1x50x128xf32, #tpu.memory_space<hbm>> -> memref<50x128xf32, #tpu.memory_space<hbm>>
      %dma_start3A_1547 = arith.constant 50 : i32
      %dma_start3A_1548 = arith.constant 0 : i32
      %dma_start3A_1549 = tpu.memref_slice %arg11[%dma_start3A_1534, %dma_start3A_1547, %dma_start3A_1548] : memref<2x400x128xf32, #tpu.memory_space<vmem>> -> memref<1x50x128xf32, #tpu.memory_space<vmem>>
      %dma_start3A_1550 = tpu.memref_squeeze %dma_start3A_1549 : memref<1x50x128xf32, #tpu.memory_space<vmem>> -> memref<50x128xf32, #tpu.memory_space<vmem>>
      tpu.enqueue_dma source(%dma_start3A_1550 : memref<50x128xf32, #tpu.memory_space<vmem>>) target(%dma_start3A_1546 : memref<50x128xf32, #tpu.memory_space<hbm>>) target_semaphore(%arg16 : memref<!tpu.dma_semaphore, #tpu.memory_space<semaphore_mem>>)
      %mul3A_1551 = arith.constant 8 : i32
      %mul3A_1552 = arith.muli %sub3A_1506, %mul3A_1551 : i32
      %add3A_1553 = arith.addi %mul3A_2, %mul3A_1552 : i32
      %add3A_1554 = arith.constant 2 : i32
      %add3A_1555 = arith.addi %add3A_1553, %add3A_1554 : i32
      %dma_start3A_1556 = arith.constant 0 : i32
      %dma_start3A_1557 = arith.constant 100 : i32
      %dma_start3A_1558 = arith.constant 0 : i32
      %dma_start3A_1559 = tpu.memref_slice %arg11[%dma_start3A_1556, %dma_start3A_1557, %dma_start3A_1558] : memref<2x400x128xf32, #tpu.memory_space<vmem>> -> memref<1x50x128xf32, #tpu.memory_space<vmem>>
      %dma_start3A_1560 = tpu.memref_squeeze %dma_start3A_1559 : memref<1x50x128xf32, #tpu.memory_space<vmem>> -> memref<50x128xf32, #tpu.memory_space<vmem>>
      %dma_start3A_1561 = arith.constant 0 : i32
      %dma_start3A_1562 = arith.constant 0 : i32
      %dma_start3A_1563 = tpu.memref_slice %arg6[%add3A_1555, %dma_start3A_1561, %dma_start3A_1562] : memref<16384x50x128xf32, #tpu.memory_space<hbm>> -> memref<1x50x128xf32, #tpu.memory_space<hbm>>
      %dma_start3A_1564 = tpu.memref_squeeze %dma_start3A_1563 : memref<1x50x128xf32, #tpu.memory_space<hbm>> -> memref<50x128xf32, #tpu.memory_space<hbm>>
      %dma_start3A_1565 = arith.constant 0 : i32
      %dma_start3A_1566 = arith.constant 0 : i32
      %dma_start3A_1567 = tpu.memref_slice %arg6[%add3A_1555, %dma_start3A_1565, %dma_start3A_1566] : memref<16384x50x128xf32, #tpu.memory_space<hbm>> -> memref<1x50x128xf32, #tpu.memory_space<hbm>>
      %dma_start3A_1568 = tpu.memref_squeeze %dma_start3A_1567 : memref<1x50x128xf32, #tpu.memory_space<hbm>> -> memref<50x128xf32, #tpu.memory_space<hbm>>
      %dma_start3A_1569 = arith.constant 100 : i32
      %dma_start3A_1570 = arith.constant 0 : i32
      %dma_start3A_1571 = tpu.memref_slice %arg11[%dma_start3A_1556, %dma_start3A_1569, %dma_start3A_1570] : memref<2x400x128xf32, #tpu.memory_space<vmem>> -> memref<1x50x128xf32, #tpu.memory_space<vmem>>
      %dma_start3A_1572 = tpu.memref_squeeze %dma_start3A_1571 : memref<1x50x128xf32, #tpu.memory_space<vmem>> -> memref<50x128xf32, #tpu.memory_space<vmem>>
      tpu.enqueue_dma source(%dma_start3A_1572 : memref<50x128xf32, #tpu.memory_space<vmem>>) target(%dma_start3A_1568 : memref<50x128xf32, #tpu.memory_space<hbm>>) target_semaphore(%arg16 : memref<!tpu.dma_semaphore, #tpu.memory_space<semaphore_mem>>)
      %mul3A_1573 = arith.constant 8 : i32
      %mul3A_1574 = arith.muli %sub3A_1506, %mul3A_1573 : i32
      %add3A_1575 = arith.addi %mul3A_2, %mul3A_1574 : i32
      %add3A_1576 = arith.constant 3 : i32
      %add3A_1577 = arith.addi %add3A_1575, %add3A_1576 : i32
      %dma_start3A_1578 = arith.constant 0 : i32
      %dma_start3A_1579 = arith.constant 150 : i32
      %dma_start3A_1580 = arith.constant 0 : i32
      %dma_start3A_1581 = tpu.memref_slice %arg11[%dma_start3A_1578, %dma_start3A_1579, %dma_start3A_1580] : memref<2x400x128xf32, #tpu.memory_space<vmem>> -> memref<1x50x128xf32, #tpu.memory_space<vmem>>
      %dma_start3A_1582 = tpu.memref_squeeze %dma_start3A_1581 : memref<1x50x128xf32, #tpu.memory_space<vmem>> -> memref<50x128xf32, #tpu.memory_space<vmem>>
      %dma_start3A_1583 = arith.constant 0 : i32
      %dma_start3A_1584 = arith.constant 0 : i32
      %dma_start3A_1585 = tpu.memref_slice %arg6[%add3A_1577, %dma_start3A_1583, %dma_start3A_1584] : memref<16384x50x128xf32, #tpu.memory_space<hbm>> -> memref<1x50x128xf32, #tpu.memory_space<hbm>>
      %dma_start3A_1586 = tpu.memref_squeeze %dma_start3A_1585 : memref<1x50x128xf32, #tpu.memory_space<hbm>> -> memref<50x128xf32, #tpu.memory_space<hbm>>
      %dma_start3A_1587 = arith.constant 0 : i32
      %dma_start3A_1588 = arith.constant 0 : i32
      %dma_start3A_1589 = tpu.memref_slice %arg6[%add3A_1577, %dma_start3A_1587, %dma_start3A_1588] : memref<16384x50x128xf32, #tpu.memory_space<hbm>> -> memref<1x50x128xf32, #tpu.memory_space<hbm>>
      %dma_start3A_1590 = tpu.memref_squeeze %dma_start3A_1589 : memref<1x50x128xf32, #tpu.memory_space<hbm>> -> memref<50x128xf32, #tpu.memory_space<hbm>>
      %dma_start3A_1591 = arith.constant 150 : i32
      %dma_start3A_1592 = arith.constant 0 : i32
      %dma_start3A_1593 = tpu.memref_slice %arg11[%dma_start3A_1578, %dma_start3A_1591, %dma_start3A_1592] : memref<2x400x128xf32, #tpu.memory_space<vmem>> -> memref<1x50x128xf32, #tpu.memory_space<vmem>>
      %dma_start3A_1594 = tpu.memref_squeeze %dma_start3A_1593 : memref<1x50x128xf32, #tpu.memory_space<vmem>> -> memref<50x128xf32, #tpu.memory_space<vmem>>
      tpu.enqueue_dma source(%dma_start3A_1594 : memref<50x128xf32, #tpu.memory_space<vmem>>) target(%dma_start3A_1590 : memref<50x128xf32, #tpu.memory_space<hbm>>) target_semaphore(%arg16 : memref<!tpu.dma_semaphore, #tpu.memory_space<semaphore_mem>>)
      %mul3A_1595 = arith.constant 8 : i32
      %mul3A_1596 = arith.muli %sub3A_1506, %mul3A_1595 : i32
      %add3A_1597 = arith.addi %mul3A_2, %mul3A_1596 : i32
      %add3A_1598 = arith.constant 4 : i32
      %add3A_1599 = arith.addi %add3A_1597, %add3A_1598 : i32
      %dma_start3A_1600 = arith.constant 0 : i32
      %dma_start3A_1601 = arith.constant 200 : i32
      %dma_start3A_1602 = arith.constant 0 : i32
      %dma_start3A_1603 = tpu.memref_slice %arg11[%dma_start3A_1600, %dma_start3A_1601, %dma_start3A_1602] : memref<2x400x128xf32, #tpu.memory_space<vmem>> -> memref<1x50x128xf32, #tpu.memory_space<vmem>>
      %dma_start3A_1604 = tpu.memref_squeeze %dma_start3A_1603 : memref<1x50x128xf32, #tpu.memory_space<vmem>> -> memref<50x128xf32, #tpu.memory_space<vmem>>
      %dma_start3A_1605 = arith.constant 0 : i32
      %dma_start3A_1606 = arith.constant 0 : i32
      %dma_start3A_1607 = tpu.memref_slice %arg6[%add3A_1599, %dma_start3A_1605, %dma_start3A_1606] : memref<16384x50x128xf32, #tpu.memory_space<hbm>> -> memref<1x50x128xf32, #tpu.memory_space<hbm>>
      %dma_start3A_1608 = tpu.memref_squeeze %dma_start3A_1607 : memref<1x50x128xf32, #tpu.memory_space<hbm>> -> memref<50x128xf32, #tpu.memory_space<hbm>>
      %dma_start3A_1609 = arith.constant 0 : i32
      %dma_start3A_1610 = arith.constant 0 : i32
      %dma_start3A_1611 = tpu.memref_slice %arg6[%add3A_1599, %dma_start3A_1609, %dma_start3A_1610] : memref<16384x50x128xf32, #tpu.memory_space<hbm>> -> memref<1x50x128xf32, #tpu.memory_space<hbm>>
      %dma_start3A_1612 = tpu.memref_squeeze %dma_start3A_1611 : memref<1x50x128xf32, #tpu.memory_space<hbm>> -> memref<50x128xf32, #tpu.memory_space<hbm>>
      %dma_start3A_1613 = arith.constant 200 : i32
      %dma_start3A_1614 = arith.constant 0 : i32
      %dma_start3A_1615 = tpu.memref_slice %arg11[%dma_start3A_1600, %dma_start3A_1613, %dma_start3A_1614] : memref<2x400x128xf32, #tpu.memory_space<vmem>> -> memref<1x50x128xf32, #tpu.memory_space<vmem>>
      %dma_start3A_1616 = tpu.memref_squeeze %dma_start3A_1615 : memref<1x50x128xf32, #tpu.memory_space<vmem>> -> memref<50x128xf32, #tpu.memory_space<vmem>>
      tpu.enqueue_dma source(%dma_start3A_1616 : memref<50x128xf32, #tpu.memory_space<vmem>>) target(%dma_start3A_1612 : memref<50x128xf32, #tpu.memory_space<hbm>>) target_semaphore(%arg16 : memref<!tpu.dma_semaphore, #tpu.memory_space<semaphore_mem>>)
      %mul3A_1617 = arith.constant 8 : i32
      %mul3A_1618 = arith.muli %sub3A_1506, %mul3A_1617 : i32
      %add3A_1619 = arith.addi %mul3A_2, %mul3A_1618 : i32
      %add3A_1620 = arith.constant 5 : i32
      %add3A_1621 = arith.addi %add3A_1619, %add3A_1620 : i32
      %dma_start3A_1622 = arith.constant 0 : i32
      %dma_start3A_1623 = arith.constant 250 : i32
      %dma_start3A_1624 = arith.constant 0 : i32
      %dma_start3A_1625 = tpu.memref_slice %arg11[%dma_start3A_1622, %dma_start3A_1623, %dma_start3A_1624] : memref<2x400x128xf32, #tpu.memory_space<vmem>> -> memref<1x50x128xf32, #tpu.memory_space<vmem>>
      %dma_start3A_1626 = tpu.memref_squeeze %dma_start3A_1625 : memref<1x50x128xf32, #tpu.memory_space<vmem>> -> memref<50x128xf32, #tpu.memory_space<vmem>>
      %dma_start3A_1627 = arith.constant 0 : i32
      %dma_start3A_1628 = arith.constant 0 : i32
      %dma_start3A_1629 = tpu.memref_slice %arg6[%add3A_1621, %dma_start3A_1627, %dma_start3A_1628] : memref<16384x50x128xf32, #tpu.memory_space<hbm>> -> memref<1x50x128xf32, #tpu.memory_space<hbm>>
      %dma_start3A_1630 = tpu.memref_squeeze %dma_start3A_1629 : memref<1x50x128xf32, #tpu.memory_space<hbm>> -> memref<50x128xf32, #tpu.memory_space<hbm>>
      %dma_start3A_1631 = arith.constant 0 : i32
      %dma_start3A_1632 = arith.constant 0 : i32
      %dma_start3A_1633 = tpu.memref_slice %arg6[%add3A_1621, %dma_start3A_1631, %dma_start3A_1632] : memref<16384x50x128xf32, #tpu.memory_space<hbm>> -> memref<1x50x128xf32, #tpu.memory_space<hbm>>
      %dma_start3A_1634 = tpu.memref_squeeze %dma_start3A_1633 : memref<1x50x128xf32, #tpu.memory_space<hbm>> -> memref<50x128xf32, #tpu.memory_space<hbm>>
      %dma_start3A_1635 = arith.constant 250 : i32
      %dma_start3A_1636 = arith.constant 0 : i32
      %dma_start3A_1637 = tpu.memref_slice %arg11[%dma_start3A_1622, %dma_start3A_1635, %dma_start3A_1636] : memref<2x400x128xf32, #tpu.memory_space<vmem>> -> memref<1x50x128xf32, #tpu.memory_space<vmem>>
      %dma_start3A_1638 = tpu.memref_squeeze %dma_start3A_1637 : memref<1x50x128xf32, #tpu.memory_space<vmem>> -> memref<50x128xf32, #tpu.memory_space<vmem>>
      tpu.enqueue_dma source(%dma_start3A_1638 : memref<50x128xf32, #tpu.memory_space<vmem>>) target(%dma_start3A_1634 : memref<50x128xf32, #tpu.memory_space<hbm>>) target_semaphore(%arg16 : memref<!tpu.dma_semaphore, #tpu.memory_space<semaphore_mem>>)
      %mul3A_1639 = arith.constant 8 : i32
      %mul3A_1640 = arith.muli %sub3A_1506, %mul3A_1639 : i32
      %add3A_1641 = arith.addi %mul3A_2, %mul3A_1640 : i32
      %add3A_1642 = arith.constant 6 : i32
      %add3A_1643 = arith.addi %add3A_1641, %add3A_1642 : i32
      %dma_start3A_1644 = arith.constant 0 : i32
      %dma_start3A_1645 = arith.constant 300 : i32
      %dma_start3A_1646 = arith.constant 0 : i32
      %dma_start3A_1647 = tpu.memref_slice %arg11[%dma_start3A_1644, %dma_start3A_1645, %dma_start3A_1646] : memref<2x400x128xf32, #tpu.memory_space<vmem>> -> memref<1x50x128xf32, #tpu.memory_space<vmem>>
      %dma_start3A_1648 = tpu.memref_squeeze %dma_start3A_1647 : memref<1x50x128xf32, #tpu.memory_space<vmem>> -> memref<50x128xf32, #tpu.memory_space<vmem>>
      %dma_start3A_1649 = arith.constant 0 : i32
      %dma_start3A_1650 = arith.constant 0 : i32
      %dma_start3A_1651 = tpu.memref_slice %arg6[%add3A_1643, %dma_start3A_1649, %dma_start3A_1650] : memref<16384x50x128xf32, #tpu.memory_space<hbm>> -> memref<1x50x128xf32, #tpu.memory_space<hbm>>
      %dma_start3A_1652 = tpu.memref_squeeze %dma_start3A_1651 : memref<1x50x128xf32, #tpu.memory_space<hbm>> -> memref<50x128xf32, #tpu.memory_space<hbm>>
      %dma_start3A_1653 = arith.constant 0 : i32
      %dma_start3A_1654 = arith.constant 0 : i32
      %dma_start3A_1655 = tpu.memref_slice %arg6[%add3A_1643, %dma_start3A_1653, %dma_start3A_1654] : memref<16384x50x128xf32, #tpu.memory_space<hbm>> -> memref<1x50x128xf32, #tpu.memory_space<hbm>>
      %dma_start3A_1656 = tpu.memref_squeeze %dma_start3A_1655 : memref<1x50x128xf32, #tpu.memory_space<hbm>> -> memref<50x128xf32, #tpu.memory_space<hbm>>
      %dma_start3A_1657 = arith.constant 300 : i32
      %dma_start3A_1658 = arith.constant 0 : i32
      %dma_start3A_1659 = tpu.memref_slice %arg11[%dma_start3A_1644, %dma_start3A_1657, %dma_start3A_1658] : memref<2x400x128xf32, #tpu.memory_space<vmem>> -> memref<1x50x128xf32, #tpu.memory_space<vmem>>
      %dma_start3A_1660 = tpu.memref_squeeze %dma_start3A_1659 : memref<1x50x128xf32, #tpu.memory_space<vmem>> -> memref<50x128xf32, #tpu.memory_space<vmem>>
      tpu.enqueue_dma source(%dma_start3A_1660 : memref<50x128xf32, #tpu.memory_space<vmem>>) target(%dma_start3A_1656 : memref<50x128xf32, #tpu.memory_space<hbm>>) target_semaphore(%arg16 : memref<!tpu.dma_semaphore, #tpu.memory_space<semaphore_mem>>)
      %mul3A_1661 = arith.constant 8 : i32
      %mul3A_1662 = arith.muli %sub3A_1506, %mul3A_1661 : i32
      %add3A_1663 = arith.addi %mul3A_2, %mul3A_1662 : i32
      %add3A_1664 = arith.constant 7 : i32
      %add3A_1665 = arith.addi %add3A_1663, %add3A_1664 : i32
      %dma_start3A_1666 = arith.constant 0 : i32
      %dma_start3A_1667 = arith.constant 350 : i32
      %dma_start3A_1668 = arith.constant 0 : i32
      %dma_start3A_1669 = tpu.memref_slice %arg11[%dma_start3A_1666, %dma_start3A_1667, %dma_start3A_1668] : memref<2x400x128xf32, #tpu.memory_space<vmem>> -> memref<1x50x128xf32, #tpu.memory_space<vmem>>
      %dma_start3A_1670 = tpu.memref_squeeze %dma_start3A_1669 : memref<1x50x128xf32, #tpu.memory_space<vmem>> -> memref<50x128xf32, #tpu.memory_space<vmem>>
      %dma_start3A_1671 = arith.constant 0 : i32
      %dma_start3A_1672 = arith.constant 0 : i32
      %dma_start3A_1673 = tpu.memref_slice %arg6[%add3A_1665, %dma_start3A_1671, %dma_start3A_1672] : memref<16384x50x128xf32, #tpu.memory_space<hbm>> -> memref<1x50x128xf32, #tpu.memory_space<hbm>>
      %dma_start3A_1674 = tpu.memref_squeeze %dma_start3A_1673 : memref<1x50x128xf32, #tpu.memory_space<hbm>> -> memref<50x128xf32, #tpu.memory_space<hbm>>
      %dma_start3A_1675 = arith.constant 0 : i32
      %dma_start3A_1676 = arith.constant 0 : i32
      %dma_start3A_1677 = tpu.memref_slice %arg6[%add3A_1665, %dma_start3A_1675, %dma_start3A_1676] : memref<16384x50x128xf32, #tpu.memory_space<hbm>> -> memref<1x50x128xf32, #tpu.memory_space<hbm>>
      %dma_start3A_1678 = tpu.memref_squeeze %dma_start3A_1677 : memref<1x50x128xf32, #tpu.memory_space<hbm>> -> memref<50x128xf32, #tpu.memory_space<hbm>>
      %dma_start3A_1679 = arith.constant 350 : i32
      %dma_start3A_1680 = arith.constant 0 : i32
      %dma_start3A_1681 = tpu.memref_slice %arg11[%dma_start3A_1666, %dma_start3A_1679, %dma_start3A_1680] : memref<2x400x128xf32, #tpu.memory_space<vmem>> -> memref<1x50x128xf32, #tpu.memory_space<vmem>>
      %dma_start3A_1682 = tpu.memref_squeeze %dma_start3A_1681 : memref<1x50x128xf32, #tpu.memory_space<vmem>> -> memref<50x128xf32, #tpu.memory_space<vmem>>
      tpu.enqueue_dma source(%dma_start3A_1682 : memref<50x128xf32, #tpu.memory_space<vmem>>) target(%dma_start3A_1678 : memref<50x128xf32, #tpu.memory_space<hbm>>) target_semaphore(%arg16 : memref<!tpu.dma_semaphore, #tpu.memory_space<semaphore_mem>>)
      %lt3A_1683 = arith.constant 31 : i32
      %lt3A_1684 = arith.cmpi slt, %scan3A_265, %lt3A_1683 : i32
      %convert_element_type3A_1685 = arith.extui %lt3A_1684 : i1 to i32
      %cond3A_1686 = arith.constant 0 : i32
      %cond3A_1687 = arith.cmpi ne, %convert_element_type3A_1685, %cond3A_1686 : i32
      scf.if %cond3A_1687 {
        %add3A_1688 = arith.constant 2 : i32
        %add3A_1689 = arith.addi %add3A_871, %add3A_1688 : i32
        %mul3A_1690 = arith.constant 400 : i32
        %mul3A_1691 = arith.muli %add3A_1689, %mul3A_1690 : i32
        %add3A_1692 = arith.addi %mul3A_6, %mul3A_1691 : i32
        %dma_start3A_1693 = arith.constant 400 : i32
        %dma_start3A_1694 = tpu.memref_slice %arg7[%dma_start3A_1693] : memref<800xi32, #tpu.memory_space<vmem>> -> memref<400xi32, #tpu.memory_space<vmem>>
        %dma_start3A_1695 = tpu.memref_slice %arg2[%add3A_1692] : memref<819200xi32, #tpu.memory_space<hbm>> -> memref<400xi32, #tpu.memory_space<hbm>>
        %dma_start3A_1696 = arith.constant 400 : i32
        %dma_start3A_1697 = tpu.memref_slice %arg7[%dma_start3A_1696] : memref<800xi32, #tpu.memory_space<vmem>> -> memref<400xi32, #tpu.memory_space<vmem>>
        %dma_start3A_1698 = tpu.memref_slice %arg2[%add3A_1692] : memref<819200xi32, #tpu.memory_space<hbm>> -> memref<400xi32, #tpu.memory_space<hbm>>
        tpu.enqueue_dma source(%dma_start3A_1698 : memref<400xi32, #tpu.memory_space<hbm>>) target(%dma_start3A_1697 : memref<400xi32, #tpu.memory_space<vmem>>) target_semaphore(%arg13 : memref<!tpu.dma_semaphore, #tpu.memory_space<semaphore_mem>>)
        %dma_start3A_1699 = arith.constant 400 : i32
        %dma_start3A_1700 = tpu.memref_slice %arg8[%dma_start3A_1699] : memref<800xi32, #tpu.memory_space<vmem>> -> memref<400xi32, #tpu.memory_space<vmem>>
        %dma_start3A_1701 = tpu.memref_slice %arg3[%add3A_1692] : memref<819200xi32, #tpu.memory_space<hbm>> -> memref<400xi32, #tpu.memory_space<hbm>>
        %dma_start3A_1702 = arith.constant 400 : i32
        %dma_start3A_1703 = tpu.memref_slice %arg8[%dma_start3A_1702] : memref<800xi32, #tpu.memory_space<vmem>> -> memref<400xi32, #tpu.memory_space<vmem>>
        %dma_start3A_1704 = tpu.memref_slice %arg3[%add3A_1692] : memref<819200xi32, #tpu.memory_space<hbm>> -> memref<400xi32, #tpu.memory_space<hbm>>
        tpu.enqueue_dma source(%dma_start3A_1704 : memref<400xi32, #tpu.memory_space<hbm>>) target(%dma_start3A_1703 : memref<400xi32, #tpu.memory_space<vmem>>) target_semaphore(%arg13 : memref<!tpu.dma_semaphore, #tpu.memory_space<semaphore_mem>>)
        %dma_start3A_1705 = arith.constant 400 : i32
        %dma_start3A_1706 = tpu.memref_slice %arg9[%dma_start3A_1705] : memref<800xi32, #tpu.memory_space<vmem>> -> memref<400xi32, #tpu.memory_space<vmem>>
        %dma_start3A_1707 = tpu.memref_slice %arg4[%add3A_1692] : memref<819200xi32, #tpu.memory_space<hbm>> -> memref<400xi32, #tpu.memory_space<hbm>>
        %dma_start3A_1708 = arith.constant 400 : i32
        %dma_start3A_1709 = tpu.memref_slice %arg9[%dma_start3A_1708] : memref<800xi32, #tpu.memory_space<vmem>> -> memref<400xi32, #tpu.memory_space<vmem>>
        %dma_start3A_1710 = tpu.memref_slice %arg4[%add3A_1692] : memref<819200xi32, #tpu.memory_space<hbm>> -> memref<400xi32, #tpu.memory_space<hbm>>
        tpu.enqueue_dma source(%dma_start3A_1710 : memref<400xi32, #tpu.memory_space<hbm>>) target(%dma_start3A_1709 : memref<400xi32, #tpu.memory_space<vmem>>) target_semaphore(%arg13 : memref<!tpu.dma_semaphore, #tpu.memory_space<semaphore_mem>>)
      } else {
      }
    }
    %scan3A_50 = arith.constant 32 : i32
    %dma_wait3A = arith.constant 1 : i32
    %dma_wait3A_51 = arith.constant 0 : i32
    %dma_wait3A_52 = arith.constant 0 : i32
    %dma_wait3A_53 = tpu.memref_slice %arg11[%dma_wait3A, %dma_wait3A_51, %dma_wait3A_52] : memref<2x400x128xf32, #tpu.memory_space<vmem>> -> memref<1x128x128xf32, #tpu.memory_space<vmem>>
    %dma_wait3A_54 = tpu.memref_squeeze %dma_wait3A_53 : memref<1x128x128xf32, #tpu.memory_space<vmem>> -> memref<128x128xf32, #tpu.memory_space<vmem>>
    %dma_wait3A_55 = arith.constant 400 : i32
    %dma_wait3A_56 = tpu.memref_slice %arg10[%dma_wait3A_55] : memref<800xi32, #tpu.memory_space<vmem>> -> memref<128xi32, #tpu.memory_space<vmem>>
    %dma_wait3A_57 = arith.constant 0 : i32
    %dma_wait3A_58 = arith.constant 0 : i32
    %dma_wait3A_59 = tpu.memref_slice %arg5[%dma_wait3A_57, %dma_wait3A_58] : memref<4096x128xf32, #tpu.memory_space<hbm>> -> memref<4096x128xf32, #tpu.memory_space<hbm>>
    tpu.wait_indirect_dma semaphore(%arg15 : memref<!tpu.dma_semaphore, #tpu.memory_space<semaphore_mem>>) src(%dma_wait3A_59 : memref<4096x128xf32, #tpu.memory_space<hbm>>) dst(%dma_wait3A_54 : memref<128x128xf32, #tpu.memory_space<vmem>>)
    %dma_wait3A_60 = arith.constant 1 : i32
    %dma_wait3A_61 = arith.constant 128 : i32
    %dma_wait3A_62 = arith.constant 0 : i32
    %dma_wait3A_63 = tpu.memref_slice %arg11[%dma_wait3A_60, %dma_wait3A_61, %dma_wait3A_62] : memref<2x400x128xf32, #tpu.memory_space<vmem>> -> memref<1x128x128xf32, #tpu.memory_space<vmem>>
    %dma_wait3A_64 = tpu.memref_squeeze %dma_wait3A_63 : memref<1x128x128xf32, #tpu.memory_space<vmem>> -> memref<128x128xf32, #tpu.memory_space<vmem>>
    %dma_wait3A_65 = arith.constant 528 : i32
    %dma_wait3A_66 = tpu.memref_slice %arg10[%dma_wait3A_65] : memref<800xi32, #tpu.memory_space<vmem>> -> memref<128xi32, #tpu.memory_space<vmem>>
    %dma_wait3A_67 = arith.constant 0 : i32
    %dma_wait3A_68 = arith.constant 0 : i32
    %dma_wait3A_69 = tpu.memref_slice %arg5[%dma_wait3A_67, %dma_wait3A_68] : memref<4096x128xf32, #tpu.memory_space<hbm>> -> memref<4096x128xf32, #tpu.memory_space<hbm>>
    tpu.wait_indirect_dma semaphore(%arg15 : memref<!tpu.dma_semaphore, #tpu.memory_space<semaphore_mem>>) src(%dma_wait3A_69 : memref<4096x128xf32, #tpu.memory_space<hbm>>) dst(%dma_wait3A_64 : memref<128x128xf32, #tpu.memory_space<vmem>>)
    %dma_wait3A_70 = arith.constant 1 : i32
    %dma_wait3A_71 = arith.constant 256 : i32
    %dma_wait3A_72 = arith.constant 0 : i32
    %dma_wait3A_73 = tpu.memref_slice %arg11[%dma_wait3A_70, %dma_wait3A_71, %dma_wait3A_72] : memref<2x400x128xf32, #tpu.memory_space<vmem>> -> memref<1x128x128xf32, #tpu.memory_space<vmem>>
    %dma_wait3A_74 = tpu.memref_squeeze %dma_wait3A_73 : memref<1x128x128xf32, #tpu.memory_space<vmem>> -> memref<128x128xf32, #tpu.memory_space<vmem>>
    %dma_wait3A_75 = arith.constant 656 : i32
    %dma_wait3A_76 = tpu.memref_slice %arg10[%dma_wait3A_75] : memref<800xi32, #tpu.memory_space<vmem>> -> memref<128xi32, #tpu.memory_space<vmem>>
    %dma_wait3A_77 = arith.constant 0 : i32
    %dma_wait3A_78 = arith.constant 0 : i32
    %dma_wait3A_79 = tpu.memref_slice %arg5[%dma_wait3A_77, %dma_wait3A_78] : memref<4096x128xf32, #tpu.memory_space<hbm>> -> memref<4096x128xf32, #tpu.memory_space<hbm>>
    tpu.wait_indirect_dma semaphore(%arg15 : memref<!tpu.dma_semaphore, #tpu.memory_space<semaphore_mem>>) src(%dma_wait3A_79 : memref<4096x128xf32, #tpu.memory_space<hbm>>) dst(%dma_wait3A_74 : memref<128x128xf32, #tpu.memory_space<vmem>>)
    %dma_wait3A_80 = arith.constant 1 : i32
    %dma_wait3A_81 = arith.constant 384 : i32
    %dma_wait3A_82 = arith.constant 0 : i32
    %dma_wait3A_83 = tpu.memref_slice %arg11[%dma_wait3A_80, %dma_wait3A_81, %dma_wait3A_82] : memref<2x400x128xf32, #tpu.memory_space<vmem>> -> memref<1x16x128xf32, #tpu.memory_space<vmem>>
    %dma_wait3A_84 = tpu.memref_squeeze %dma_wait3A_83 : memref<1x16x128xf32, #tpu.memory_space<vmem>> -> memref<16x128xf32, #tpu.memory_space<vmem>>
    %dma_wait3A_85 = arith.constant 784 : i32
    %dma_wait3A_86 = tpu.memref_slice %arg10[%dma_wait3A_85] : memref<800xi32, #tpu.memory_space<vmem>> -> memref<16xi32, #tpu.memory_space<vmem>>
    %dma_wait3A_87 = arith.constant 0 : i32
    %dma_wait3A_88 = arith.constant 0 : i32
    %dma_wait3A_89 = tpu.memref_slice %arg5[%dma_wait3A_87, %dma_wait3A_88] : memref<4096x128xf32, #tpu.memory_space<hbm>> -> memref<4096x128xf32, #tpu.memory_space<hbm>>
    tpu.wait_indirect_dma semaphore(%arg15 : memref<!tpu.dma_semaphore, #tpu.memory_space<semaphore_mem>>) src(%dma_wait3A_89 : memref<4096x128xf32, #tpu.memory_space<hbm>>) dst(%dma_wait3A_84 : memref<16x128xf32, #tpu.memory_space<vmem>>)
    %add3A_90 = arith.constant 504 : i32
    %add3A_91 = arith.addi %mul3A_2, %add3A_90 : i32
    %add3A_92 = arith.constant 0 : i32
    %add3A_93 = arith.addi %add3A_91, %add3A_92 : i32
    %run_scoped3A = arith.constant 1 : i32
    "tpu.region"() ({
      %run_scoped3A_265 = tpu.sem_alloc : memref<!tpu.dma_semaphore, #tpu.memory_space<semaphore_mem>>
      %dma_start3A_266 = arith.constant 0 : i32
      %dma_start3A_267 = arith.constant 0 : i32
      %dma_start3A_268 = tpu.memref_slice %arg11[%run_scoped3A, %dma_start3A_266, %dma_start3A_267] : memref<2x400x128xf32, #tpu.memory_space<vmem>> -> memref<1x50x128xf32, #tpu.memory_space<vmem>>
      %dma_start3A_269 = tpu.memref_squeeze %dma_start3A_268 : memref<1x50x128xf32, #tpu.memory_space<vmem>> -> memref<50x128xf32, #tpu.memory_space<vmem>>
      %dma_start3A_270 = arith.constant 0 : i32
      %dma_start3A_271 = arith.constant 0 : i32
      %dma_start3A_272 = tpu.memref_slice %arg6[%add3A_93, %dma_start3A_270, %dma_start3A_271] : memref<16384x50x128xf32, #tpu.memory_space<hbm>> -> memref<1x50x128xf32, #tpu.memory_space<hbm>>
      %dma_start3A_273 = tpu.memref_squeeze %dma_start3A_272 : memref<1x50x128xf32, #tpu.memory_space<hbm>> -> memref<50x128xf32, #tpu.memory_space<hbm>>
      %dma_start3A_274 = arith.constant 0 : i32
      %dma_start3A_275 = arith.constant 0 : i32
      %dma_start3A_276 = tpu.memref_slice %arg6[%add3A_93, %dma_start3A_274, %dma_start3A_275] : memref<16384x50x128xf32, #tpu.memory_space<hbm>> -> memref<1x50x128xf32, #tpu.memory_space<hbm>>
      %dma_start3A_277 = tpu.memref_squeeze %dma_start3A_276 : memref<1x50x128xf32, #tpu.memory_space<hbm>> -> memref<50x128xf32, #tpu.memory_space<hbm>>
      %dma_start3A_278 = arith.constant 0 : i32
      %dma_start3A_279 = arith.constant 0 : i32
      %dma_start3A_280 = tpu.memref_slice %arg11[%run_scoped3A, %dma_start3A_278, %dma_start3A_279] : memref<2x400x128xf32, #tpu.memory_space<vmem>> -> memref<1x50x128xf32, #tpu.memory_space<vmem>>
      %dma_start3A_281 = tpu.memref_squeeze %dma_start3A_280 : memref<1x50x128xf32, #tpu.memory_space<vmem>> -> memref<50x128xf32, #tpu.memory_space<vmem>>
      tpu.enqueue_dma source(%dma_start3A_281 : memref<50x128xf32, #tpu.memory_space<vmem>>) target(%dma_start3A_277 : memref<50x128xf32, #tpu.memory_space<hbm>>) target_semaphore(%run_scoped3A_265 : memref<!tpu.dma_semaphore, #tpu.memory_space<semaphore_mem>>)
      %dma_wait3A_282 = arith.constant 0 : i32
      %dma_wait3A_283 = arith.constant 0 : i32
      %dma_wait3A_284 = tpu.memref_slice %arg11[%run_scoped3A, %dma_wait3A_282, %dma_wait3A_283] : memref<2x400x128xf32, #tpu.memory_space<vmem>> -> memref<1x50x128xf32, #tpu.memory_space<vmem>>
      %dma_wait3A_285 = tpu.memref_squeeze %dma_wait3A_284 : memref<1x50x128xf32, #tpu.memory_space<vmem>> -> memref<50x128xf32, #tpu.memory_space<vmem>>
      %dma_wait3A_286 = arith.constant 0 : i32
      %dma_wait3A_287 = arith.constant 0 : i32
      %dma_wait3A_288 = tpu.memref_slice %arg6[%add3A_93, %dma_wait3A_286, %dma_wait3A_287] : memref<16384x50x128xf32, #tpu.memory_space<hbm>> -> memref<1x50x128xf32, #tpu.memory_space<hbm>>
      %dma_wait3A_289 = tpu.memref_squeeze %dma_wait3A_288 : memref<1x50x128xf32, #tpu.memory_space<hbm>> -> memref<50x128xf32, #tpu.memory_space<hbm>>
      %dma_wait3A_290 = arith.constant 0 : i32
      %dma_wait3A_291 = arith.constant 0 : i32
      %dma_wait3A_292 = tpu.memref_slice %arg6[%add3A_93, %dma_wait3A_290, %dma_wait3A_291] : memref<16384x50x128xf32, #tpu.memory_space<hbm>> -> memref<1x50x128xf32, #tpu.memory_space<hbm>>
      %dma_wait3A_293 = tpu.memref_squeeze %dma_wait3A_292 : memref<1x50x128xf32, #tpu.memory_space<hbm>> -> memref<50x128xf32, #tpu.memory_space<hbm>>
      %dma_wait3A_294 = arith.constant 0 : i32
      %dma_wait3A_295 = arith.constant 0 : i32
      %dma_wait3A_296 = tpu.memref_slice %arg11[%run_scoped3A, %dma_wait3A_294, %dma_wait3A_295] : memref<2x400x128xf32, #tpu.memory_space<vmem>> -> memref<1x50x128xf32, #tpu.memory_space<vmem>>
      %dma_wait3A_297 = tpu.memref_squeeze %dma_wait3A_296 : memref<1x50x128xf32, #tpu.memory_space<vmem>> -> memref<50x128xf32, #tpu.memory_space<vmem>>
      tpu.wait_dma2 semaphore(%run_scoped3A_265 : memref<!tpu.dma_semaphore, #tpu.memory_space<semaphore_mem>>) src(%dma_wait3A_297 : memref<50x128xf32, #tpu.memory_space<vmem>>) dst(%dma_wait3A_293 : memref<50x128xf32, #tpu.memory_space<hbm>>)
      tpu.yield
    }) : () -> ()
    %add3A_94 = arith.constant 504 : i32
    %add3A_95 = arith.addi %mul3A_2, %add3A_94 : i32
    %add3A_96 = arith.constant 1 : i32
    %add3A_97 = arith.addi %add3A_95, %add3A_96 : i32
    %run_scoped3A_98 = arith.constant 1 : i32
    "tpu.region"() ({
      %run_scoped3A_265 = tpu.sem_alloc : memref<!tpu.dma_semaphore, #tpu.memory_space<semaphore_mem>>
      %dma_start3A_266 = arith.constant 50 : i32
      %dma_start3A_267 = arith.constant 0 : i32
      %dma_start3A_268 = tpu.memref_slice %arg11[%run_scoped3A_98, %dma_start3A_266, %dma_start3A_267] : memref<2x400x128xf32, #tpu.memory_space<vmem>> -> memref<1x50x128xf32, #tpu.memory_space<vmem>>
      %dma_start3A_269 = tpu.memref_squeeze %dma_start3A_268 : memref<1x50x128xf32, #tpu.memory_space<vmem>> -> memref<50x128xf32, #tpu.memory_space<vmem>>
      %dma_start3A_270 = arith.constant 0 : i32
      %dma_start3A_271 = arith.constant 0 : i32
      %dma_start3A_272 = tpu.memref_slice %arg6[%add3A_97, %dma_start3A_270, %dma_start3A_271] : memref<16384x50x128xf32, #tpu.memory_space<hbm>> -> memref<1x50x128xf32, #tpu.memory_space<hbm>>
      %dma_start3A_273 = tpu.memref_squeeze %dma_start3A_272 : memref<1x50x128xf32, #tpu.memory_space<hbm>> -> memref<50x128xf32, #tpu.memory_space<hbm>>
      %dma_start3A_274 = arith.constant 0 : i32
      %dma_start3A_275 = arith.constant 0 : i32
      %dma_start3A_276 = tpu.memref_slice %arg6[%add3A_97, %dma_start3A_274, %dma_start3A_275] : memref<16384x50x128xf32, #tpu.memory_space<hbm>> -> memref<1x50x128xf32, #tpu.memory_space<hbm>>
      %dma_start3A_277 = tpu.memref_squeeze %dma_start3A_276 : memref<1x50x128xf32, #tpu.memory_space<hbm>> -> memref<50x128xf32, #tpu.memory_space<hbm>>
      %dma_start3A_278 = arith.constant 50 : i32
      %dma_start3A_279 = arith.constant 0 : i32
      %dma_start3A_280 = tpu.memref_slice %arg11[%run_scoped3A_98, %dma_start3A_278, %dma_start3A_279] : memref<2x400x128xf32, #tpu.memory_space<vmem>> -> memref<1x50x128xf32, #tpu.memory_space<vmem>>
      %dma_start3A_281 = tpu.memref_squeeze %dma_start3A_280 : memref<1x50x128xf32, #tpu.memory_space<vmem>> -> memref<50x128xf32, #tpu.memory_space<vmem>>
      tpu.enqueue_dma source(%dma_start3A_281 : memref<50x128xf32, #tpu.memory_space<vmem>>) target(%dma_start3A_277 : memref<50x128xf32, #tpu.memory_space<hbm>>) target_semaphore(%run_scoped3A_265 : memref<!tpu.dma_semaphore, #tpu.memory_space<semaphore_mem>>)
      %dma_wait3A_282 = arith.constant 50 : i32
      %dma_wait3A_283 = arith.constant 0 : i32
      %dma_wait3A_284 = tpu.memref_slice %arg11[%run_scoped3A_98, %dma_wait3A_282, %dma_wait3A_283] : memref<2x400x128xf32, #tpu.memory_space<vmem>> -> memref<1x50x128xf32, #tpu.memory_space<vmem>>
      %dma_wait3A_285 = tpu.memref_squeeze %dma_wait3A_284 : memref<1x50x128xf32, #tpu.memory_space<vmem>> -> memref<50x128xf32, #tpu.memory_space<vmem>>
      %dma_wait3A_286 = arith.constant 0 : i32
      %dma_wait3A_287 = arith.constant 0 : i32
      %dma_wait3A_288 = tpu.memref_slice %arg6[%add3A_97, %dma_wait3A_286, %dma_wait3A_287] : memref<16384x50x128xf32, #tpu.memory_space<hbm>> -> memref<1x50x128xf32, #tpu.memory_space<hbm>>
      %dma_wait3A_289 = tpu.memref_squeeze %dma_wait3A_288 : memref<1x50x128xf32, #tpu.memory_space<hbm>> -> memref<50x128xf32, #tpu.memory_space<hbm>>
      %dma_wait3A_290 = arith.constant 0 : i32
      %dma_wait3A_291 = arith.constant 0 : i32
      %dma_wait3A_292 = tpu.memref_slice %arg6[%add3A_97, %dma_wait3A_290, %dma_wait3A_291] : memref<16384x50x128xf32, #tpu.memory_space<hbm>> -> memref<1x50x128xf32, #tpu.memory_space<hbm>>
      %dma_wait3A_293 = tpu.memref_squeeze %dma_wait3A_292 : memref<1x50x128xf32, #tpu.memory_space<hbm>> -> memref<50x128xf32, #tpu.memory_space<hbm>>
      %dma_wait3A_294 = arith.constant 50 : i32
      %dma_wait3A_295 = arith.constant 0 : i32
      %dma_wait3A_296 = tpu.memref_slice %arg11[%run_scoped3A_98, %dma_wait3A_294, %dma_wait3A_295] : memref<2x400x128xf32, #tpu.memory_space<vmem>> -> memref<1x50x128xf32, #tpu.memory_space<vmem>>
      %dma_wait3A_297 = tpu.memref_squeeze %dma_wait3A_296 : memref<1x50x128xf32, #tpu.memory_space<vmem>> -> memref<50x128xf32, #tpu.memory_space<vmem>>
      tpu.wait_dma2 semaphore(%run_scoped3A_265 : memref<!tpu.dma_semaphore, #tpu.memory_space<semaphore_mem>>) src(%dma_wait3A_297 : memref<50x128xf32, #tpu.memory_space<vmem>>) dst(%dma_wait3A_293 : memref<50x128xf32, #tpu.memory_space<hbm>>)
      tpu.yield
    }) : () -> ()
    %add3A_99 = arith.constant 504 : i32
    %add3A_100 = arith.addi %mul3A_2, %add3A_99 : i32
    %add3A_101 = arith.constant 2 : i32
    %add3A_102 = arith.addi %add3A_100, %add3A_101 : i32
    %run_scoped3A_103 = arith.constant 1 : i32
    "tpu.region"() ({
      %run_scoped3A_265 = tpu.sem_alloc : memref<!tpu.dma_semaphore, #tpu.memory_space<semaphore_mem>>
      %dma_start3A_266 = arith.constant 100 : i32
      %dma_start3A_267 = arith.constant 0 : i32
      %dma_start3A_268 = tpu.memref_slice %arg11[%run_scoped3A_103, %dma_start3A_266, %dma_start3A_267] : memref<2x400x128xf32, #tpu.memory_space<vmem>> -> memref<1x50x128xf32, #tpu.memory_space<vmem>>
      %dma_start3A_269 = tpu.memref_squeeze %dma_start3A_268 : memref<1x50x128xf32, #tpu.memory_space<vmem>> -> memref<50x128xf32, #tpu.memory_space<vmem>>
      %dma_start3A_270 = arith.constant 0 : i32
      %dma_start3A_271 = arith.constant 0 : i32
      %dma_start3A_272 = tpu.memref_slice %arg6[%add3A_102, %dma_start3A_270, %dma_start3A_271] : memref<16384x50x128xf32, #tpu.memory_space<hbm>> -> memref<1x50x128xf32, #tpu.memory_space<hbm>>
      %dma_start3A_273 = tpu.memref_squeeze %dma_start3A_272 : memref<1x50x128xf32, #tpu.memory_space<hbm>> -> memref<50x128xf32, #tpu.memory_space<hbm>>
      %dma_start3A_274 = arith.constant 0 : i32
      %dma_start3A_275 = arith.constant 0 : i32
      %dma_start3A_276 = tpu.memref_slice %arg6[%add3A_102, %dma_start3A_274, %dma_start3A_275] : memref<16384x50x128xf32, #tpu.memory_space<hbm>> -> memref<1x50x128xf32, #tpu.memory_space<hbm>>
      %dma_start3A_277 = tpu.memref_squeeze %dma_start3A_276 : memref<1x50x128xf32, #tpu.memory_space<hbm>> -> memref<50x128xf32, #tpu.memory_space<hbm>>
      %dma_start3A_278 = arith.constant 100 : i32
      %dma_start3A_279 = arith.constant 0 : i32
      %dma_start3A_280 = tpu.memref_slice %arg11[%run_scoped3A_103, %dma_start3A_278, %dma_start3A_279] : memref<2x400x128xf32, #tpu.memory_space<vmem>> -> memref<1x50x128xf32, #tpu.memory_space<vmem>>
      %dma_start3A_281 = tpu.memref_squeeze %dma_start3A_280 : memref<1x50x128xf32, #tpu.memory_space<vmem>> -> memref<50x128xf32, #tpu.memory_space<vmem>>
      tpu.enqueue_dma source(%dma_start3A_281 : memref<50x128xf32, #tpu.memory_space<vmem>>) target(%dma_start3A_277 : memref<50x128xf32, #tpu.memory_space<hbm>>) target_semaphore(%run_scoped3A_265 : memref<!tpu.dma_semaphore, #tpu.memory_space<semaphore_mem>>)
      %dma_wait3A_282 = arith.constant 100 : i32
      %dma_wait3A_283 = arith.constant 0 : i32
      %dma_wait3A_284 = tpu.memref_slice %arg11[%run_scoped3A_103, %dma_wait3A_282, %dma_wait3A_283] : memref<2x400x128xf32, #tpu.memory_space<vmem>> -> memref<1x50x128xf32, #tpu.memory_space<vmem>>
      %dma_wait3A_285 = tpu.memref_squeeze %dma_wait3A_284 : memref<1x50x128xf32, #tpu.memory_space<vmem>> -> memref<50x128xf32, #tpu.memory_space<vmem>>
      %dma_wait3A_286 = arith.constant 0 : i32
      %dma_wait3A_287 = arith.constant 0 : i32
      %dma_wait3A_288 = tpu.memref_slice %arg6[%add3A_102, %dma_wait3A_286, %dma_wait3A_287] : memref<16384x50x128xf32, #tpu.memory_space<hbm>> -> memref<1x50x128xf32, #tpu.memory_space<hbm>>
      %dma_wait3A_289 = tpu.memref_squeeze %dma_wait3A_288 : memref<1x50x128xf32, #tpu.memory_space<hbm>> -> memref<50x128xf32, #tpu.memory_space<hbm>>
      %dma_wait3A_290 = arith.constant 0 : i32
      %dma_wait3A_291 = arith.constant 0 : i32
      %dma_wait3A_292 = tpu.memref_slice %arg6[%add3A_102, %dma_wait3A_290, %dma_wait3A_291] : memref<16384x50x128xf32, #tpu.memory_space<hbm>> -> memref<1x50x128xf32, #tpu.memory_space<hbm>>
      %dma_wait3A_293 = tpu.memref_squeeze %dma_wait3A_292 : memref<1x50x128xf32, #tpu.memory_space<hbm>> -> memref<50x128xf32, #tpu.memory_space<hbm>>
      %dma_wait3A_294 = arith.constant 100 : i32
      %dma_wait3A_295 = arith.constant 0 : i32
      %dma_wait3A_296 = tpu.memref_slice %arg11[%run_scoped3A_103, %dma_wait3A_294, %dma_wait3A_295] : memref<2x400x128xf32, #tpu.memory_space<vmem>> -> memref<1x50x128xf32, #tpu.memory_space<vmem>>
      %dma_wait3A_297 = tpu.memref_squeeze %dma_wait3A_296 : memref<1x50x128xf32, #tpu.memory_space<vmem>> -> memref<50x128xf32, #tpu.memory_space<vmem>>
      tpu.wait_dma2 semaphore(%run_scoped3A_265 : memref<!tpu.dma_semaphore, #tpu.memory_space<semaphore_mem>>) src(%dma_wait3A_297 : memref<50x128xf32, #tpu.memory_space<vmem>>) dst(%dma_wait3A_293 : memref<50x128xf32, #tpu.memory_space<hbm>>)
      tpu.yield
    }) : () -> ()
    %add3A_104 = arith.constant 504 : i32
    %add3A_105 = arith.addi %mul3A_2, %add3A_104 : i32
    %add3A_106 = arith.constant 3 : i32
    %add3A_107 = arith.addi %add3A_105, %add3A_106 : i32
    %run_scoped3A_108 = arith.constant 1 : i32
    "tpu.region"() ({
      %run_scoped3A_265 = tpu.sem_alloc : memref<!tpu.dma_semaphore, #tpu.memory_space<semaphore_mem>>
      %dma_start3A_266 = arith.constant 150 : i32
      %dma_start3A_267 = arith.constant 0 : i32
      %dma_start3A_268 = tpu.memref_slice %arg11[%run_scoped3A_108, %dma_start3A_266, %dma_start3A_267] : memref<2x400x128xf32, #tpu.memory_space<vmem>> -> memref<1x50x128xf32, #tpu.memory_space<vmem>>
      %dma_start3A_269 = tpu.memref_squeeze %dma_start3A_268 : memref<1x50x128xf32, #tpu.memory_space<vmem>> -> memref<50x128xf32, #tpu.memory_space<vmem>>
      %dma_start3A_270 = arith.constant 0 : i32
      %dma_start3A_271 = arith.constant 0 : i32
      %dma_start3A_272 = tpu.memref_slice %arg6[%add3A_107, %dma_start3A_270, %dma_start3A_271] : memref<16384x50x128xf32, #tpu.memory_space<hbm>> -> memref<1x50x128xf32, #tpu.memory_space<hbm>>
      %dma_start3A_273 = tpu.memref_squeeze %dma_start3A_272 : memref<1x50x128xf32, #tpu.memory_space<hbm>> -> memref<50x128xf32, #tpu.memory_space<hbm>>
      %dma_start3A_274 = arith.constant 0 : i32
      %dma_start3A_275 = arith.constant 0 : i32
      %dma_start3A_276 = tpu.memref_slice %arg6[%add3A_107, %dma_start3A_274, %dma_start3A_275] : memref<16384x50x128xf32, #tpu.memory_space<hbm>> -> memref<1x50x128xf32, #tpu.memory_space<hbm>>
      %dma_start3A_277 = tpu.memref_squeeze %dma_start3A_276 : memref<1x50x128xf32, #tpu.memory_space<hbm>> -> memref<50x128xf32, #tpu.memory_space<hbm>>
      %dma_start3A_278 = arith.constant 150 : i32
      %dma_start3A_279 = arith.constant 0 : i32
      %dma_start3A_280 = tpu.memref_slice %arg11[%run_scoped3A_108, %dma_start3A_278, %dma_start3A_279] : memref<2x400x128xf32, #tpu.memory_space<vmem>> -> memref<1x50x128xf32, #tpu.memory_space<vmem>>
      %dma_start3A_281 = tpu.memref_squeeze %dma_start3A_280 : memref<1x50x128xf32, #tpu.memory_space<vmem>> -> memref<50x128xf32, #tpu.memory_space<vmem>>
      tpu.enqueue_dma source(%dma_start3A_281 : memref<50x128xf32, #tpu.memory_space<vmem>>) target(%dma_start3A_277 : memref<50x128xf32, #tpu.memory_space<hbm>>) target_semaphore(%run_scoped3A_265 : memref<!tpu.dma_semaphore, #tpu.memory_space<semaphore_mem>>)
      %dma_wait3A_282 = arith.constant 150 : i32
      %dma_wait3A_283 = arith.constant 0 : i32
      %dma_wait3A_284 = tpu.memref_slice %arg11[%run_scoped3A_108, %dma_wait3A_282, %dma_wait3A_283] : memref<2x400x128xf32, #tpu.memory_space<vmem>> -> memref<1x50x128xf32, #tpu.memory_space<vmem>>
      %dma_wait3A_285 = tpu.memref_squeeze %dma_wait3A_284 : memref<1x50x128xf32, #tpu.memory_space<vmem>> -> memref<50x128xf32, #tpu.memory_space<vmem>>
      %dma_wait3A_286 = arith.constant 0 : i32
      %dma_wait3A_287 = arith.constant 0 : i32
      %dma_wait3A_288 = tpu.memref_slice %arg6[%add3A_107, %dma_wait3A_286, %dma_wait3A_287] : memref<16384x50x128xf32, #tpu.memory_space<hbm>> -> memref<1x50x128xf32, #tpu.memory_space<hbm>>
      %dma_wait3A_289 = tpu.memref_squeeze %dma_wait3A_288 : memref<1x50x128xf32, #tpu.memory_space<hbm>> -> memref<50x128xf32, #tpu.memory_space<hbm>>
      %dma_wait3A_290 = arith.constant 0 : i32
      %dma_wait3A_291 = arith.constant 0 : i32
      %dma_wait3A_292 = tpu.memref_slice %arg6[%add3A_107, %dma_wait3A_290, %dma_wait3A_291] : memref<16384x50x128xf32, #tpu.memory_space<hbm>> -> memref<1x50x128xf32, #tpu.memory_space<hbm>>
      %dma_wait3A_293 = tpu.memref_squeeze %dma_wait3A_292 : memref<1x50x128xf32, #tpu.memory_space<hbm>> -> memref<50x128xf32, #tpu.memory_space<hbm>>
      %dma_wait3A_294 = arith.constant 150 : i32
      %dma_wait3A_295 = arith.constant 0 : i32
      %dma_wait3A_296 = tpu.memref_slice %arg11[%run_scoped3A_108, %dma_wait3A_294, %dma_wait3A_295] : memref<2x400x128xf32, #tpu.memory_space<vmem>> -> memref<1x50x128xf32, #tpu.memory_space<vmem>>
      %dma_wait3A_297 = tpu.memref_squeeze %dma_wait3A_296 : memref<1x50x128xf32, #tpu.memory_space<vmem>> -> memref<50x128xf32, #tpu.memory_space<vmem>>
      tpu.wait_dma2 semaphore(%run_scoped3A_265 : memref<!tpu.dma_semaphore, #tpu.memory_space<semaphore_mem>>) src(%dma_wait3A_297 : memref<50x128xf32, #tpu.memory_space<vmem>>) dst(%dma_wait3A_293 : memref<50x128xf32, #tpu.memory_space<hbm>>)
      tpu.yield
    }) : () -> ()
    %add3A_109 = arith.constant 504 : i32
    %add3A_110 = arith.addi %mul3A_2, %add3A_109 : i32
    %add3A_111 = arith.constant 4 : i32
    %add3A_112 = arith.addi %add3A_110, %add3A_111 : i32
    %run_scoped3A_113 = arith.constant 1 : i32
    "tpu.region"() ({
      %run_scoped3A_265 = tpu.sem_alloc : memref<!tpu.dma_semaphore, #tpu.memory_space<semaphore_mem>>
      %dma_start3A_266 = arith.constant 200 : i32
      %dma_start3A_267 = arith.constant 0 : i32
      %dma_start3A_268 = tpu.memref_slice %arg11[%run_scoped3A_113, %dma_start3A_266, %dma_start3A_267] : memref<2x400x128xf32, #tpu.memory_space<vmem>> -> memref<1x50x128xf32, #tpu.memory_space<vmem>>
      %dma_start3A_269 = tpu.memref_squeeze %dma_start3A_268 : memref<1x50x128xf32, #tpu.memory_space<vmem>> -> memref<50x128xf32, #tpu.memory_space<vmem>>
      %dma_start3A_270 = arith.constant 0 : i32
      %dma_start3A_271 = arith.constant 0 : i32
      %dma_start3A_272 = tpu.memref_slice %arg6[%add3A_112, %dma_start3A_270, %dma_start3A_271] : memref<16384x50x128xf32, #tpu.memory_space<hbm>> -> memref<1x50x128xf32, #tpu.memory_space<hbm>>
      %dma_start3A_273 = tpu.memref_squeeze %dma_start3A_272 : memref<1x50x128xf32, #tpu.memory_space<hbm>> -> memref<50x128xf32, #tpu.memory_space<hbm>>
      %dma_start3A_274 = arith.constant 0 : i32
      %dma_start3A_275 = arith.constant 0 : i32
      %dma_start3A_276 = tpu.memref_slice %arg6[%add3A_112, %dma_start3A_274, %dma_start3A_275] : memref<16384x50x128xf32, #tpu.memory_space<hbm>> -> memref<1x50x128xf32, #tpu.memory_space<hbm>>
      %dma_start3A_277 = tpu.memref_squeeze %dma_start3A_276 : memref<1x50x128xf32, #tpu.memory_space<hbm>> -> memref<50x128xf32, #tpu.memory_space<hbm>>
      %dma_start3A_278 = arith.constant 200 : i32
      %dma_start3A_279 = arith.constant 0 : i32
      %dma_start3A_280 = tpu.memref_slice %arg11[%run_scoped3A_113, %dma_start3A_278, %dma_start3A_279] : memref<2x400x128xf32, #tpu.memory_space<vmem>> -> memref<1x50x128xf32, #tpu.memory_space<vmem>>
      %dma_start3A_281 = tpu.memref_squeeze %dma_start3A_280 : memref<1x50x128xf32, #tpu.memory_space<vmem>> -> memref<50x128xf32, #tpu.memory_space<vmem>>
      tpu.enqueue_dma source(%dma_start3A_281 : memref<50x128xf32, #tpu.memory_space<vmem>>) target(%dma_start3A_277 : memref<50x128xf32, #tpu.memory_space<hbm>>) target_semaphore(%run_scoped3A_265 : memref<!tpu.dma_semaphore, #tpu.memory_space<semaphore_mem>>)
      %dma_wait3A_282 = arith.constant 200 : i32
      %dma_wait3A_283 = arith.constant 0 : i32
      %dma_wait3A_284 = tpu.memref_slice %arg11[%run_scoped3A_113, %dma_wait3A_282, %dma_wait3A_283] : memref<2x400x128xf32, #tpu.memory_space<vmem>> -> memref<1x50x128xf32, #tpu.memory_space<vmem>>
      %dma_wait3A_285 = tpu.memref_squeeze %dma_wait3A_284 : memref<1x50x128xf32, #tpu.memory_space<vmem>> -> memref<50x128xf32, #tpu.memory_space<vmem>>
      %dma_wait3A_286 = arith.constant 0 : i32
      %dma_wait3A_287 = arith.constant 0 : i32
      %dma_wait3A_288 = tpu.memref_slice %arg6[%add3A_112, %dma_wait3A_286, %dma_wait3A_287] : memref<16384x50x128xf32, #tpu.memory_space<hbm>> -> memref<1x50x128xf32, #tpu.memory_space<hbm>>
      %dma_wait3A_289 = tpu.memref_squeeze %dma_wait3A_288 : memref<1x50x128xf32, #tpu.memory_space<hbm>> -> memref<50x128xf32, #tpu.memory_space<hbm>>
      %dma_wait3A_290 = arith.constant 0 : i32
      %dma_wait3A_291 = arith.constant 0 : i32
      %dma_wait3A_292 = tpu.memref_slice %arg6[%add3A_112, %dma_wait3A_290, %dma_wait3A_291] : memref<16384x50x128xf32, #tpu.memory_space<hbm>> -> memref<1x50x128xf32, #tpu.memory_space<hbm>>
      %dma_wait3A_293 = tpu.memref_squeeze %dma_wait3A_292 : memref<1x50x128xf32, #tpu.memory_space<hbm>> -> memref<50x128xf32, #tpu.memory_space<hbm>>
      %dma_wait3A_294 = arith.constant 200 : i32
      %dma_wait3A_295 = arith.constant 0 : i32
      %dma_wait3A_296 = tpu.memref_slice %arg11[%run_scoped3A_113, %dma_wait3A_294, %dma_wait3A_295] : memref<2x400x128xf32, #tpu.memory_space<vmem>> -> memref<1x50x128xf32, #tpu.memory_space<vmem>>
      %dma_wait3A_297 = tpu.memref_squeeze %dma_wait3A_296 : memref<1x50x128xf32, #tpu.memory_space<vmem>> -> memref<50x128xf32, #tpu.memory_space<vmem>>
      tpu.wait_dma2 semaphore(%run_scoped3A_265 : memref<!tpu.dma_semaphore, #tpu.memory_space<semaphore_mem>>) src(%dma_wait3A_297 : memref<50x128xf32, #tpu.memory_space<vmem>>) dst(%dma_wait3A_293 : memref<50x128xf32, #tpu.memory_space<hbm>>)
      tpu.yield
    }) : () -> ()
    %add3A_114 = arith.constant 504 : i32
    %add3A_115 = arith.addi %mul3A_2, %add3A_114 : i32
    %add3A_116 = arith.constant 5 : i32
    %add3A_117 = arith.addi %add3A_115, %add3A_116 : i32
    %run_scoped3A_118 = arith.constant 1 : i32
    "tpu.region"() ({
      %run_scoped3A_265 = tpu.sem_alloc : memref<!tpu.dma_semaphore, #tpu.memory_space<semaphore_mem>>
      %dma_start3A_266 = arith.constant 250 : i32
      %dma_start3A_267 = arith.constant 0 : i32
      %dma_start3A_268 = tpu.memref_slice %arg11[%run_scoped3A_118, %dma_start3A_266, %dma_start3A_267] : memref<2x400x128xf32, #tpu.memory_space<vmem>> -> memref<1x50x128xf32, #tpu.memory_space<vmem>>
      %dma_start3A_269 = tpu.memref_squeeze %dma_start3A_268 : memref<1x50x128xf32, #tpu.memory_space<vmem>> -> memref<50x128xf32, #tpu.memory_space<vmem>>
      %dma_start3A_270 = arith.constant 0 : i32
      %dma_start3A_271 = arith.constant 0 : i32
      %dma_start3A_272 = tpu.memref_slice %arg6[%add3A_117, %dma_start3A_270, %dma_start3A_271] : memref<16384x50x128xf32, #tpu.memory_space<hbm>> -> memref<1x50x128xf32, #tpu.memory_space<hbm>>
      %dma_start3A_273 = tpu.memref_squeeze %dma_start3A_272 : memref<1x50x128xf32, #tpu.memory_space<hbm>> -> memref<50x128xf32, #tpu.memory_space<hbm>>
      %dma_start3A_274 = arith.constant 0 : i32
      %dma_start3A_275 = arith.constant 0 : i32
      %dma_start3A_276 = tpu.memref_slice %arg6[%add3A_117, %dma_start3A_274, %dma_start3A_275] : memref<16384x50x128xf32, #tpu.memory_space<hbm>> -> memref<1x50x128xf32, #tpu.memory_space<hbm>>
      %dma_start3A_277 = tpu.memref_squeeze %dma_start3A_276 : memref<1x50x128xf32, #tpu.memory_space<hbm>> -> memref<50x128xf32, #tpu.memory_space<hbm>>
      %dma_start3A_278 = arith.constant 250 : i32
      %dma_start3A_279 = arith.constant 0 : i32
      %dma_start3A_280 = tpu.memref_slice %arg11[%run_scoped3A_118, %dma_start3A_278, %dma_start3A_279] : memref<2x400x128xf32, #tpu.memory_space<vmem>> -> memref<1x50x128xf32, #tpu.memory_space<vmem>>
      %dma_start3A_281 = tpu.memref_squeeze %dma_start3A_280 : memref<1x50x128xf32, #tpu.memory_space<vmem>> -> memref<50x128xf32, #tpu.memory_space<vmem>>
      tpu.enqueue_dma source(%dma_start3A_281 : memref<50x128xf32, #tpu.memory_space<vmem>>) target(%dma_start3A_277 : memref<50x128xf32, #tpu.memory_space<hbm>>) target_semaphore(%run_scoped3A_265 : memref<!tpu.dma_semaphore, #tpu.memory_space<semaphore_mem>>)
      %dma_wait3A_282 = arith.constant 250 : i32
      %dma_wait3A_283 = arith.constant 0 : i32
      %dma_wait3A_284 = tpu.memref_slice %arg11[%run_scoped3A_118, %dma_wait3A_282, %dma_wait3A_283] : memref<2x400x128xf32, #tpu.memory_space<vmem>> -> memref<1x50x128xf32, #tpu.memory_space<vmem>>
      %dma_wait3A_285 = tpu.memref_squeeze %dma_wait3A_284 : memref<1x50x128xf32, #tpu.memory_space<vmem>> -> memref<50x128xf32, #tpu.memory_space<vmem>>
      %dma_wait3A_286 = arith.constant 0 : i32
      %dma_wait3A_287 = arith.constant 0 : i32
      %dma_wait3A_288 = tpu.memref_slice %arg6[%add3A_117, %dma_wait3A_286, %dma_wait3A_287] : memref<16384x50x128xf32, #tpu.memory_space<hbm>> -> memref<1x50x128xf32, #tpu.memory_space<hbm>>
      %dma_wait3A_289 = tpu.memref_squeeze %dma_wait3A_288 : memref<1x50x128xf32, #tpu.memory_space<hbm>> -> memref<50x128xf32, #tpu.memory_space<hbm>>
      %dma_wait3A_290 = arith.constant 0 : i32
      %dma_wait3A_291 = arith.constant 0 : i32
      %dma_wait3A_292 = tpu.memref_slice %arg6[%add3A_117, %dma_wait3A_290, %dma_wait3A_291] : memref<16384x50x128xf32, #tpu.memory_space<hbm>> -> memref<1x50x128xf32, #tpu.memory_space<hbm>>
      %dma_wait3A_293 = tpu.memref_squeeze %dma_wait3A_292 : memref<1x50x128xf32, #tpu.memory_space<hbm>> -> memref<50x128xf32, #tpu.memory_space<hbm>>
      %dma_wait3A_294 = arith.constant 250 : i32
      %dma_wait3A_295 = arith.constant 0 : i32
      %dma_wait3A_296 = tpu.memref_slice %arg11[%run_scoped3A_118, %dma_wait3A_294, %dma_wait3A_295] : memref<2x400x128xf32, #tpu.memory_space<vmem>> -> memref<1x50x128xf32, #tpu.memory_space<vmem>>
      %dma_wait3A_297 = tpu.memref_squeeze %dma_wait3A_296 : memref<1x50x128xf32, #tpu.memory_space<vmem>> -> memref<50x128xf32, #tpu.memory_space<vmem>>
      tpu.wait_dma2 semaphore(%run_scoped3A_265 : memref<!tpu.dma_semaphore, #tpu.memory_space<semaphore_mem>>) src(%dma_wait3A_297 : memref<50x128xf32, #tpu.memory_space<vmem>>) dst(%dma_wait3A_293 : memref<50x128xf32, #tpu.memory_space<hbm>>)
      tpu.yield
    }) : () -> ()
    %add3A_119 = arith.constant 504 : i32
    %add3A_120 = arith.addi %mul3A_2, %add3A_119 : i32
    %add3A_121 = arith.constant 6 : i32
    %add3A_122 = arith.addi %add3A_120, %add3A_121 : i32
    %run_scoped3A_123 = arith.constant 1 : i32
    "tpu.region"() ({
      %run_scoped3A_265 = tpu.sem_alloc : memref<!tpu.dma_semaphore, #tpu.memory_space<semaphore_mem>>
      %dma_start3A_266 = arith.constant 300 : i32
      %dma_start3A_267 = arith.constant 0 : i32
      %dma_start3A_268 = tpu.memref_slice %arg11[%run_scoped3A_123, %dma_start3A_266, %dma_start3A_267] : memref<2x400x128xf32, #tpu.memory_space<vmem>> -> memref<1x50x128xf32, #tpu.memory_space<vmem>>
      %dma_start3A_269 = tpu.memref_squeeze %dma_start3A_268 : memref<1x50x128xf32, #tpu.memory_space<vmem>> -> memref<50x128xf32, #tpu.memory_space<vmem>>
      %dma_start3A_270 = arith.constant 0 : i32
      %dma_start3A_271 = arith.constant 0 : i32
      %dma_start3A_272 = tpu.memref_slice %arg6[%add3A_122, %dma_start3A_270, %dma_start3A_271] : memref<16384x50x128xf32, #tpu.memory_space<hbm>> -> memref<1x50x128xf32, #tpu.memory_space<hbm>>
      %dma_start3A_273 = tpu.memref_squeeze %dma_start3A_272 : memref<1x50x128xf32, #tpu.memory_space<hbm>> -> memref<50x128xf32, #tpu.memory_space<hbm>>
      %dma_start3A_274 = arith.constant 0 : i32
      %dma_start3A_275 = arith.constant 0 : i32
      %dma_start3A_276 = tpu.memref_slice %arg6[%add3A_122, %dma_start3A_274, %dma_start3A_275] : memref<16384x50x128xf32, #tpu.memory_space<hbm>> -> memref<1x50x128xf32, #tpu.memory_space<hbm>>
      %dma_start3A_277 = tpu.memref_squeeze %dma_start3A_276 : memref<1x50x128xf32, #tpu.memory_space<hbm>> -> memref<50x128xf32, #tpu.memory_space<hbm>>
      %dma_start3A_278 = arith.constant 300 : i32
      %dma_start3A_279 = arith.constant 0 : i32
      %dma_start3A_280 = tpu.memref_slice %arg11[%run_scoped3A_123, %dma_start3A_278, %dma_start3A_279] : memref<2x400x128xf32, #tpu.memory_space<vmem>> -> memref<1x50x128xf32, #tpu.memory_space<vmem>>
      %dma_start3A_281 = tpu.memref_squeeze %dma_start3A_280 : memref<1x50x128xf32, #tpu.memory_space<vmem>> -> memref<50x128xf32, #tpu.memory_space<vmem>>
      tpu.enqueue_dma source(%dma_start3A_281 : memref<50x128xf32, #tpu.memory_space<vmem>>) target(%dma_start3A_277 : memref<50x128xf32, #tpu.memory_space<hbm>>) target_semaphore(%run_scoped3A_265 : memref<!tpu.dma_semaphore, #tpu.memory_space<semaphore_mem>>)
      %dma_wait3A_282 = arith.constant 300 : i32
      %dma_wait3A_283 = arith.constant 0 : i32
      %dma_wait3A_284 = tpu.memref_slice %arg11[%run_scoped3A_123, %dma_wait3A_282, %dma_wait3A_283] : memref<2x400x128xf32, #tpu.memory_space<vmem>> -> memref<1x50x128xf32, #tpu.memory_space<vmem>>
      %dma_wait3A_285 = tpu.memref_squeeze %dma_wait3A_284 : memref<1x50x128xf32, #tpu.memory_space<vmem>> -> memref<50x128xf32, #tpu.memory_space<vmem>>
      %dma_wait3A_286 = arith.constant 0 : i32
      %dma_wait3A_287 = arith.constant 0 : i32
      %dma_wait3A_288 = tpu.memref_slice %arg6[%add3A_122, %dma_wait3A_286, %dma_wait3A_287] : memref<16384x50x128xf32, #tpu.memory_space<hbm>> -> memref<1x50x128xf32, #tpu.memory_space<hbm>>
      %dma_wait3A_289 = tpu.memref_squeeze %dma_wait3A_288 : memref<1x50x128xf32, #tpu.memory_space<hbm>> -> memref<50x128xf32, #tpu.memory_space<hbm>>
      %dma_wait3A_290 = arith.constant 0 : i32
      %dma_wait3A_291 = arith.constant 0 : i32
      %dma_wait3A_292 = tpu.memref_slice %arg6[%add3A_122, %dma_wait3A_290, %dma_wait3A_291] : memref<16384x50x128xf32, #tpu.memory_space<hbm>> -> memref<1x50x128xf32, #tpu.memory_space<hbm>>
      %dma_wait3A_293 = tpu.memref_squeeze %dma_wait3A_292 : memref<1x50x128xf32, #tpu.memory_space<hbm>> -> memref<50x128xf32, #tpu.memory_space<hbm>>
      %dma_wait3A_294 = arith.constant 300 : i32
      %dma_wait3A_295 = arith.constant 0 : i32
      %dma_wait3A_296 = tpu.memref_slice %arg11[%run_scoped3A_123, %dma_wait3A_294, %dma_wait3A_295] : memref<2x400x128xf32, #tpu.memory_space<vmem>> -> memref<1x50x128xf32, #tpu.memory_space<vmem>>
      %dma_wait3A_297 = tpu.memref_squeeze %dma_wait3A_296 : memref<1x50x128xf32, #tpu.memory_space<vmem>> -> memref<50x128xf32, #tpu.memory_space<vmem>>
      tpu.wait_dma2 semaphore(%run_scoped3A_265 : memref<!tpu.dma_semaphore, #tpu.memory_space<semaphore_mem>>) src(%dma_wait3A_297 : memref<50x128xf32, #tpu.memory_space<vmem>>) dst(%dma_wait3A_293 : memref<50x128xf32, #tpu.memory_space<hbm>>)
      tpu.yield
    }) : () -> ()
    %add3A_124 = arith.constant 504 : i32
    %add3A_125 = arith.addi %mul3A_2, %add3A_124 : i32
    %add3A_126 = arith.constant 7 : i32
    %add3A_127 = arith.addi %add3A_125, %add3A_126 : i32
    %run_scoped3A_128 = arith.constant 1 : i32
    "tpu.region"() ({
      %run_scoped3A_265 = tpu.sem_alloc : memref<!tpu.dma_semaphore, #tpu.memory_space<semaphore_mem>>
      %dma_start3A_266 = arith.constant 350 : i32
      %dma_start3A_267 = arith.constant 0 : i32
      %dma_start3A_268 = tpu.memref_slice %arg11[%run_scoped3A_128, %dma_start3A_266, %dma_start3A_267] : memref<2x400x128xf32, #tpu.memory_space<vmem>> -> memref<1x50x128xf32, #tpu.memory_space<vmem>>
      %dma_start3A_269 = tpu.memref_squeeze %dma_start3A_268 : memref<1x50x128xf32, #tpu.memory_space<vmem>> -> memref<50x128xf32, #tpu.memory_space<vmem>>
      %dma_start3A_270 = arith.constant 0 : i32
      %dma_start3A_271 = arith.constant 0 : i32
      %dma_start3A_272 = tpu.memref_slice %arg6[%add3A_127, %dma_start3A_270, %dma_start3A_271] : memref<16384x50x128xf32, #tpu.memory_space<hbm>> -> memref<1x50x128xf32, #tpu.memory_space<hbm>>
      %dma_start3A_273 = tpu.memref_squeeze %dma_start3A_272 : memref<1x50x128xf32, #tpu.memory_space<hbm>> -> memref<50x128xf32, #tpu.memory_space<hbm>>
      %dma_start3A_274 = arith.constant 0 : i32
      %dma_start3A_275 = arith.constant 0 : i32
      %dma_start3A_276 = tpu.memref_slice %arg6[%add3A_127, %dma_start3A_274, %dma_start3A_275] : memref<16384x50x128xf32, #tpu.memory_space<hbm>> -> memref<1x50x128xf32, #tpu.memory_space<hbm>>
      %dma_start3A_277 = tpu.memref_squeeze %dma_start3A_276 : memref<1x50x128xf32, #tpu.memory_space<hbm>> -> memref<50x128xf32, #tpu.memory_space<hbm>>
      %dma_start3A_278 = arith.constant 350 : i32
      %dma_start3A_279 = arith.constant 0 : i32
      %dma_start3A_280 = tpu.memref_slice %arg11[%run_scoped3A_128, %dma_start3A_278, %dma_start3A_279] : memref<2x400x128xf32, #tpu.memory_space<vmem>> -> memref<1x50x128xf32, #tpu.memory_space<vmem>>
      %dma_start3A_281 = tpu.memref_squeeze %dma_start3A_280 : memref<1x50x128xf32, #tpu.memory_space<vmem>> -> memref<50x128xf32, #tpu.memory_space<vmem>>
      tpu.enqueue_dma source(%dma_start3A_281 : memref<50x128xf32, #tpu.memory_space<vmem>>) target(%dma_start3A_277 : memref<50x128xf32, #tpu.memory_space<hbm>>) target_semaphore(%run_scoped3A_265 : memref<!tpu.dma_semaphore, #tpu.memory_space<semaphore_mem>>)
      %dma_wait3A_282 = arith.constant 350 : i32
      %dma_wait3A_283 = arith.constant 0 : i32
      %dma_wait3A_284 = tpu.memref_slice %arg11[%run_scoped3A_128, %dma_wait3A_282, %dma_wait3A_283] : memref<2x400x128xf32, #tpu.memory_space<vmem>> -> memref<1x50x128xf32, #tpu.memory_space<vmem>>
      %dma_wait3A_285 = tpu.memref_squeeze %dma_wait3A_284 : memref<1x50x128xf32, #tpu.memory_space<vmem>> -> memref<50x128xf32, #tpu.memory_space<vmem>>
      %dma_wait3A_286 = arith.constant 0 : i32
      %dma_wait3A_287 = arith.constant 0 : i32
      %dma_wait3A_288 = tpu.memref_slice %arg6[%add3A_127, %dma_wait3A_286, %dma_wait3A_287] : memref<16384x50x128xf32, #tpu.memory_space<hbm>> -> memref<1x50x128xf32, #tpu.memory_space<hbm>>
      %dma_wait3A_289 = tpu.memref_squeeze %dma_wait3A_288 : memref<1x50x128xf32, #tpu.memory_space<hbm>> -> memref<50x128xf32, #tpu.memory_space<hbm>>
      %dma_wait3A_290 = arith.constant 0 : i32
      %dma_wait3A_291 = arith.constant 0 : i32
      %dma_wait3A_292 = tpu.memref_slice %arg6[%add3A_127, %dma_wait3A_290, %dma_wait3A_291] : memref<16384x50x128xf32, #tpu.memory_space<hbm>> -> memref<1x50x128xf32, #tpu.memory_space<hbm>>
      %dma_wait3A_293 = tpu.memref_squeeze %dma_wait3A_292 : memref<1x50x128xf32, #tpu.memory_space<hbm>> -> memref<50x128xf32, #tpu.memory_space<hbm>>
      %dma_wait3A_294 = arith.constant 350 : i32
      %dma_wait3A_295 = arith.constant 0 : i32
      %dma_wait3A_296 = tpu.memref_slice %arg11[%run_scoped3A_128, %dma_wait3A_294, %dma_wait3A_295] : memref<2x400x128xf32, #tpu.memory_space<vmem>> -> memref<1x50x128xf32, #tpu.memory_space<vmem>>
      %dma_wait3A_297 = tpu.memref_squeeze %dma_wait3A_296 : memref<1x50x128xf32, #tpu.memory_space<vmem>> -> memref<50x128xf32, #tpu.memory_space<vmem>>
      tpu.wait_dma2 semaphore(%run_scoped3A_265 : memref<!tpu.dma_semaphore, #tpu.memory_space<semaphore_mem>>) src(%dma_wait3A_297 : memref<50x128xf32, #tpu.memory_space<vmem>>) dst(%dma_wait3A_293 : memref<50x128xf32, #tpu.memory_space<hbm>>)
      tpu.yield
    }) : () -> ()
    %dma_wait3A_129 = arith.constant 0 : i32
    %dma_wait3A_130 = arith.constant 0 : i32
    %dma_wait3A_131 = arith.constant 0 : i32
    %dma_wait3A_132 = tpu.memref_slice %arg11[%dma_wait3A_129, %dma_wait3A_130, %dma_wait3A_131] : memref<2x400x128xf32, #tpu.memory_space<vmem>> -> memref<1x50x128xf32, #tpu.memory_space<vmem>>
    %dma_wait3A_133 = tpu.memref_squeeze %dma_wait3A_132 : memref<1x50x128xf32, #tpu.memory_space<vmem>> -> memref<50x128xf32, #tpu.memory_space<vmem>>
    %dma_wait3A_134 = arith.constant 0 : i32
    %dma_wait3A_135 = arith.constant 0 : i32
    %dma_wait3A_136 = tpu.memref_slice %arg6[%mul3A_2, %dma_wait3A_134, %dma_wait3A_135] : memref<16384x50x128xf32, #tpu.memory_space<hbm>> -> memref<1x50x128xf32, #tpu.memory_space<hbm>>
    %dma_wait3A_137 = tpu.memref_squeeze %dma_wait3A_136 : memref<1x50x128xf32, #tpu.memory_space<hbm>> -> memref<50x128xf32, #tpu.memory_space<hbm>>
    %dma_wait3A_138 = arith.constant 0 : i32
    %dma_wait3A_139 = arith.constant 0 : i32
    %dma_wait3A_140 = tpu.memref_slice %arg6[%mul3A_2, %dma_wait3A_138, %dma_wait3A_139] : memref<16384x50x128xf32, #tpu.memory_space<hbm>> -> memref<1x50x128xf32, #tpu.memory_space<hbm>>
    %dma_wait3A_141 = tpu.memref_squeeze %dma_wait3A_140 : memref<1x50x128xf32, #tpu.memory_space<hbm>> -> memref<50x128xf32, #tpu.memory_space<hbm>>
    %dma_wait3A_142 = arith.constant 0 : i32
    %dma_wait3A_143 = arith.constant 0 : i32
    %dma_wait3A_144 = tpu.memref_slice %arg11[%dma_wait3A_129, %dma_wait3A_142, %dma_wait3A_143] : memref<2x400x128xf32, #tpu.memory_space<vmem>> -> memref<1x50x128xf32, #tpu.memory_space<vmem>>
    %dma_wait3A_145 = tpu.memref_squeeze %dma_wait3A_144 : memref<1x50x128xf32, #tpu.memory_space<vmem>> -> memref<50x128xf32, #tpu.memory_space<vmem>>
    tpu.wait_dma2 semaphore(%arg16 : memref<!tpu.dma_semaphore, #tpu.memory_space<semaphore_mem>>) src(%dma_wait3A_145 : memref<50x128xf32, #tpu.memory_space<vmem>>) dst(%dma_wait3A_141 : memref<50x128xf32, #tpu.memory_space<hbm>>)
    %dma_wait3A_146 = arith.constant 0 : i32
    %dma_wait3A_147 = arith.constant 50 : i32
    %dma_wait3A_148 = arith.constant 0 : i32
    %dma_wait3A_149 = tpu.memref_slice %arg11[%dma_wait3A_146, %dma_wait3A_147, %dma_wait3A_148] : memref<2x400x128xf32, #tpu.memory_space<vmem>> -> memref<1x50x128xf32, #tpu.memory_space<vmem>>
    %dma_wait3A_150 = tpu.memref_squeeze %dma_wait3A_149 : memref<1x50x128xf32, #tpu.memory_space<vmem>> -> memref<50x128xf32, #tpu.memory_space<vmem>>
    %dma_wait3A_151 = arith.constant 0 : i32
    %dma_wait3A_152 = arith.constant 0 : i32
    %dma_wait3A_153 = tpu.memref_slice %arg6[%mul3A_2, %dma_wait3A_151, %dma_wait3A_152] : memref<16384x50x128xf32, #tpu.memory_space<hbm>> -> memref<1x50x128xf32, #tpu.memory_space<hbm>>
    %dma_wait3A_154 = tpu.memref_squeeze %dma_wait3A_153 : memref<1x50x128xf32, #tpu.memory_space<hbm>> -> memref<50x128xf32, #tpu.memory_space<hbm>>
    %dma_wait3A_155 = arith.constant 0 : i32
    %dma_wait3A_156 = arith.constant 0 : i32
    %dma_wait3A_157 = tpu.memref_slice %arg6[%mul3A_2, %dma_wait3A_155, %dma_wait3A_156] : memref<16384x50x128xf32, #tpu.memory_space<hbm>> -> memref<1x50x128xf32, #tpu.memory_space<hbm>>
    %dma_wait3A_158 = tpu.memref_squeeze %dma_wait3A_157 : memref<1x50x128xf32, #tpu.memory_space<hbm>> -> memref<50x128xf32, #tpu.memory_space<hbm>>
    %dma_wait3A_159 = arith.constant 50 : i32
    %dma_wait3A_160 = arith.constant 0 : i32
    %dma_wait3A_161 = tpu.memref_slice %arg11[%dma_wait3A_146, %dma_wait3A_159, %dma_wait3A_160] : memref<2x400x128xf32, #tpu.memory_space<vmem>> -> memref<1x50x128xf32, #tpu.memory_space<vmem>>
    %dma_wait3A_162 = tpu.memref_squeeze %dma_wait3A_161 : memref<1x50x128xf32, #tpu.memory_space<vmem>> -> memref<50x128xf32, #tpu.memory_space<vmem>>
    tpu.wait_dma2 semaphore(%arg16 : memref<!tpu.dma_semaphore, #tpu.memory_space<semaphore_mem>>) src(%dma_wait3A_162 : memref<50x128xf32, #tpu.memory_space<vmem>>) dst(%dma_wait3A_158 : memref<50x128xf32, #tpu.memory_space<hbm>>)
    %dma_wait3A_163 = arith.constant 0 : i32
    %dma_wait3A_164 = arith.constant 100 : i32
    %dma_wait3A_165 = arith.constant 0 : i32
    %dma_wait3A_166 = tpu.memref_slice %arg11[%dma_wait3A_163, %dma_wait3A_164, %dma_wait3A_165] : memref<2x400x128xf32, #tpu.memory_space<vmem>> -> memref<1x50x128xf32, #tpu.memory_space<vmem>>
    %dma_wait3A_167 = tpu.memref_squeeze %dma_wait3A_166 : memref<1x50x128xf32, #tpu.memory_space<vmem>> -> memref<50x128xf32, #tpu.memory_space<vmem>>
    %dma_wait3A_168 = arith.constant 0 : i32
    %dma_wait3A_169 = arith.constant 0 : i32
    %dma_wait3A_170 = tpu.memref_slice %arg6[%mul3A_2, %dma_wait3A_168, %dma_wait3A_169] : memref<16384x50x128xf32, #tpu.memory_space<hbm>> -> memref<1x50x128xf32, #tpu.memory_space<hbm>>
    %dma_wait3A_171 = tpu.memref_squeeze %dma_wait3A_170 : memref<1x50x128xf32, #tpu.memory_space<hbm>> -> memref<50x128xf32, #tpu.memory_space<hbm>>
    %dma_wait3A_172 = arith.constant 0 : i32
    %dma_wait3A_173 = arith.constant 0 : i32
    %dma_wait3A_174 = tpu.memref_slice %arg6[%mul3A_2, %dma_wait3A_172, %dma_wait3A_173] : memref<16384x50x128xf32, #tpu.memory_space<hbm>> -> memref<1x50x128xf32, #tpu.memory_space<hbm>>
    %dma_wait3A_175 = tpu.memref_squeeze %dma_wait3A_174 : memref<1x50x128xf32, #tpu.memory_space<hbm>> -> memref<50x128xf32, #tpu.memory_space<hbm>>
    %dma_wait3A_176 = arith.constant 100 : i32
    %dma_wait3A_177 = arith.constant 0 : i32
    %dma_wait3A_178 = tpu.memref_slice %arg11[%dma_wait3A_163, %dma_wait3A_176, %dma_wait3A_177] : memref<2x400x128xf32, #tpu.memory_space<vmem>> -> memref<1x50x128xf32, #tpu.memory_space<vmem>>
    %dma_wait3A_179 = tpu.memref_squeeze %dma_wait3A_178 : memref<1x50x128xf32, #tpu.memory_space<vmem>> -> memref<50x128xf32, #tpu.memory_space<vmem>>
    tpu.wait_dma2 semaphore(%arg16 : memref<!tpu.dma_semaphore, #tpu.memory_space<semaphore_mem>>) src(%dma_wait3A_179 : memref<50x128xf32, #tpu.memory_space<vmem>>) dst(%dma_wait3A_175 : memref<50x128xf32, #tpu.memory_space<hbm>>)
    %dma_wait3A_180 = arith.constant 0 : i32
    %dma_wait3A_181 = arith.constant 150 : i32
    %dma_wait3A_182 = arith.constant 0 : i32
    %dma_wait3A_183 = tpu.memref_slice %arg11[%dma_wait3A_180, %dma_wait3A_181, %dma_wait3A_182] : memref<2x400x128xf32, #tpu.memory_space<vmem>> -> memref<1x50x128xf32, #tpu.memory_space<vmem>>
    %dma_wait3A_184 = tpu.memref_squeeze %dma_wait3A_183 : memref<1x50x128xf32, #tpu.memory_space<vmem>> -> memref<50x128xf32, #tpu.memory_space<vmem>>
    %dma_wait3A_185 = arith.constant 0 : i32
    %dma_wait3A_186 = arith.constant 0 : i32
    %dma_wait3A_187 = tpu.memref_slice %arg6[%mul3A_2, %dma_wait3A_185, %dma_wait3A_186] : memref<16384x50x128xf32, #tpu.memory_space<hbm>> -> memref<1x50x128xf32, #tpu.memory_space<hbm>>
    %dma_wait3A_188 = tpu.memref_squeeze %dma_wait3A_187 : memref<1x50x128xf32, #tpu.memory_space<hbm>> -> memref<50x128xf32, #tpu.memory_space<hbm>>
    %dma_wait3A_189 = arith.constant 0 : i32
    %dma_wait3A_190 = arith.constant 0 : i32
    %dma_wait3A_191 = tpu.memref_slice %arg6[%mul3A_2, %dma_wait3A_189, %dma_wait3A_190] : memref<16384x50x128xf32, #tpu.memory_space<hbm>> -> memref<1x50x128xf32, #tpu.memory_space<hbm>>
    %dma_wait3A_192 = tpu.memref_squeeze %dma_wait3A_191 : memref<1x50x128xf32, #tpu.memory_space<hbm>> -> memref<50x128xf32, #tpu.memory_space<hbm>>
    %dma_wait3A_193 = arith.constant 150 : i32
    %dma_wait3A_194 = arith.constant 0 : i32
    %dma_wait3A_195 = tpu.memref_slice %arg11[%dma_wait3A_180, %dma_wait3A_193, %dma_wait3A_194] : memref<2x400x128xf32, #tpu.memory_space<vmem>> -> memref<1x50x128xf32, #tpu.memory_space<vmem>>
    %dma_wait3A_196 = tpu.memref_squeeze %dma_wait3A_195 : memref<1x50x128xf32, #tpu.memory_space<vmem>> -> memref<50x128xf32, #tpu.memory_space<vmem>>
    tpu.wait_dma2 semaphore(%arg16 : memref<!tpu.dma_semaphore, #tpu.memory_space<semaphore_mem>>) src(%dma_wait3A_196 : memref<50x128xf32, #tpu.memory_space<vmem>>) dst(%dma_wait3A_192 : memref<50x128xf32, #tpu.memory_space<hbm>>)
    %dma_wait3A_197 = arith.constant 0 : i32
    %dma_wait3A_198 = arith.constant 200 : i32
    %dma_wait3A_199 = arith.constant 0 : i32
    %dma_wait3A_200 = tpu.memref_slice %arg11[%dma_wait3A_197, %dma_wait3A_198, %dma_wait3A_199] : memref<2x400x128xf32, #tpu.memory_space<vmem>> -> memref<1x50x128xf32, #tpu.memory_space<vmem>>
    %dma_wait3A_201 = tpu.memref_squeeze %dma_wait3A_200 : memref<1x50x128xf32, #tpu.memory_space<vmem>> -> memref<50x128xf32, #tpu.memory_space<vmem>>
    %dma_wait3A_202 = arith.constant 0 : i32
    %dma_wait3A_203 = arith.constant 0 : i32
    %dma_wait3A_204 = tpu.memref_slice %arg6[%mul3A_2, %dma_wait3A_202, %dma_wait3A_203] : memref<16384x50x128xf32, #tpu.memory_space<hbm>> -> memref<1x50x128xf32, #tpu.memory_space<hbm>>
    %dma_wait3A_205 = tpu.memref_squeeze %dma_wait3A_204 : memref<1x50x128xf32, #tpu.memory_space<hbm>> -> memref<50x128xf32, #tpu.memory_space<hbm>>
    %dma_wait3A_206 = arith.constant 0 : i32
    %dma_wait3A_207 = arith.constant 0 : i32
    %dma_wait3A_208 = tpu.memref_slice %arg6[%mul3A_2, %dma_wait3A_206, %dma_wait3A_207] : memref<16384x50x128xf32, #tpu.memory_space<hbm>> -> memref<1x50x128xf32, #tpu.memory_space<hbm>>
    %dma_wait3A_209 = tpu.memref_squeeze %dma_wait3A_208 : memref<1x50x128xf32, #tpu.memory_space<hbm>> -> memref<50x128xf32, #tpu.memory_space<hbm>>
    %dma_wait3A_210 = arith.constant 200 : i32
    %dma_wait3A_211 = arith.constant 0 : i32
    %dma_wait3A_212 = tpu.memref_slice %arg11[%dma_wait3A_197, %dma_wait3A_210, %dma_wait3A_211] : memref<2x400x128xf32, #tpu.memory_space<vmem>> -> memref<1x50x128xf32, #tpu.memory_space<vmem>>
    %dma_wait3A_213 = tpu.memref_squeeze %dma_wait3A_212 : memref<1x50x128xf32, #tpu.memory_space<vmem>> -> memref<50x128xf32, #tpu.memory_space<vmem>>
    tpu.wait_dma2 semaphore(%arg16 : memref<!tpu.dma_semaphore, #tpu.memory_space<semaphore_mem>>) src(%dma_wait3A_213 : memref<50x128xf32, #tpu.memory_space<vmem>>) dst(%dma_wait3A_209 : memref<50x128xf32, #tpu.memory_space<hbm>>)
    %dma_wait3A_214 = arith.constant 0 : i32
    %dma_wait3A_215 = arith.constant 250 : i32
    %dma_wait3A_216 = arith.constant 0 : i32
    %dma_wait3A_217 = tpu.memref_slice %arg11[%dma_wait3A_214, %dma_wait3A_215, %dma_wait3A_216] : memref<2x400x128xf32, #tpu.memory_space<vmem>> -> memref<1x50x128xf32, #tpu.memory_space<vmem>>
    %dma_wait3A_218 = tpu.memref_squeeze %dma_wait3A_217 : memref<1x50x128xf32, #tpu.memory_space<vmem>> -> memref<50x128xf32, #tpu.memory_space<vmem>>
    %dma_wait3A_219 = arith.constant 0 : i32
    %dma_wait3A_220 = arith.constant 0 : i32
    %dma_wait3A_221 = tpu.memref_slice %arg6[%mul3A_2, %dma_wait3A_219, %dma_wait3A_220] : memref<16384x50x128xf32, #tpu.memory_space<hbm>> -> memref<1x50x128xf32, #tpu.memory_space<hbm>>
    %dma_wait3A_222 = tpu.memref_squeeze %dma_wait3A_221 : memref<1x50x128xf32, #tpu.memory_space<hbm>> -> memref<50x128xf32, #tpu.memory_space<hbm>>
    %dma_wait3A_223 = arith.constant 0 : i32
    %dma_wait3A_224 = arith.constant 0 : i32
    %dma_wait3A_225 = tpu.memref_slice %arg6[%mul3A_2, %dma_wait3A_223, %dma_wait3A_224] : memref<16384x50x128xf32, #tpu.memory_space<hbm>> -> memref<1x50x128xf32, #tpu.memory_space<hbm>>
    %dma_wait3A_226 = tpu.memref_squeeze %dma_wait3A_225 : memref<1x50x128xf32, #tpu.memory_space<hbm>> -> memref<50x128xf32, #tpu.memory_space<hbm>>
    %dma_wait3A_227 = arith.constant 250 : i32
    %dma_wait3A_228 = arith.constant 0 : i32
    %dma_wait3A_229 = tpu.memref_slice %arg11[%dma_wait3A_214, %dma_wait3A_227, %dma_wait3A_228] : memref<2x400x128xf32, #tpu.memory_space<vmem>> -> memref<1x50x128xf32, #tpu.memory_space<vmem>>
    %dma_wait3A_230 = tpu.memref_squeeze %dma_wait3A_229 : memref<1x50x128xf32, #tpu.memory_space<vmem>> -> memref<50x128xf32, #tpu.memory_space<vmem>>
    tpu.wait_dma2 semaphore(%arg16 : memref<!tpu.dma_semaphore, #tpu.memory_space<semaphore_mem>>) src(%dma_wait3A_230 : memref<50x128xf32, #tpu.memory_space<vmem>>) dst(%dma_wait3A_226 : memref<50x128xf32, #tpu.memory_space<hbm>>)
    %dma_wait3A_231 = arith.constant 0 : i32
    %dma_wait3A_232 = arith.constant 300 : i32
    %dma_wait3A_233 = arith.constant 0 : i32
    %dma_wait3A_234 = tpu.memref_slice %arg11[%dma_wait3A_231, %dma_wait3A_232, %dma_wait3A_233] : memref<2x400x128xf32, #tpu.memory_space<vmem>> -> memref<1x50x128xf32, #tpu.memory_space<vmem>>
    %dma_wait3A_235 = tpu.memref_squeeze %dma_wait3A_234 : memref<1x50x128xf32, #tpu.memory_space<vmem>> -> memref<50x128xf32, #tpu.memory_space<vmem>>
    %dma_wait3A_236 = arith.constant 0 : i32
    %dma_wait3A_237 = arith.constant 0 : i32
    %dma_wait3A_238 = tpu.memref_slice %arg6[%mul3A_2, %dma_wait3A_236, %dma_wait3A_237] : memref<16384x50x128xf32, #tpu.memory_space<hbm>> -> memref<1x50x128xf32, #tpu.memory_space<hbm>>
    %dma_wait3A_239 = tpu.memref_squeeze %dma_wait3A_238 : memref<1x50x128xf32, #tpu.memory_space<hbm>> -> memref<50x128xf32, #tpu.memory_space<hbm>>
    %dma_wait3A_240 = arith.constant 0 : i32
    %dma_wait3A_241 = arith.constant 0 : i32
    %dma_wait3A_242 = tpu.memref_slice %arg6[%mul3A_2, %dma_wait3A_240, %dma_wait3A_241] : memref<16384x50x128xf32, #tpu.memory_space<hbm>> -> memref<1x50x128xf32, #tpu.memory_space<hbm>>
    %dma_wait3A_243 = tpu.memref_squeeze %dma_wait3A_242 : memref<1x50x128xf32, #tpu.memory_space<hbm>> -> memref<50x128xf32, #tpu.memory_space<hbm>>
    %dma_wait3A_244 = arith.constant 300 : i32
    %dma_wait3A_245 = arith.constant 0 : i32
    %dma_wait3A_246 = tpu.memref_slice %arg11[%dma_wait3A_231, %dma_wait3A_244, %dma_wait3A_245] : memref<2x400x128xf32, #tpu.memory_space<vmem>> -> memref<1x50x128xf32, #tpu.memory_space<vmem>>
    %dma_wait3A_247 = tpu.memref_squeeze %dma_wait3A_246 : memref<1x50x128xf32, #tpu.memory_space<vmem>> -> memref<50x128xf32, #tpu.memory_space<vmem>>
    tpu.wait_dma2 semaphore(%arg16 : memref<!tpu.dma_semaphore, #tpu.memory_space<semaphore_mem>>) src(%dma_wait3A_247 : memref<50x128xf32, #tpu.memory_space<vmem>>) dst(%dma_wait3A_243 : memref<50x128xf32, #tpu.memory_space<hbm>>)
    %dma_wait3A_248 = arith.constant 0 : i32
    %dma_wait3A_249 = arith.constant 350 : i32
    %dma_wait3A_250 = arith.constant 0 : i32
    %dma_wait3A_251 = tpu.memref_slice %arg11[%dma_wait3A_248, %dma_wait3A_249, %dma_wait3A_250] : memref<2x400x128xf32, #tpu.memory_space<vmem>> -> memref<1x50x128xf32, #tpu.memory_space<vmem>>
    %dma_wait3A_252 = tpu.memref_squeeze %dma_wait3A_251 : memref<1x50x128xf32, #tpu.memory_space<vmem>> -> memref<50x128xf32, #tpu.memory_space<vmem>>
    %dma_wait3A_253 = arith.constant 0 : i32
    %dma_wait3A_254 = arith.constant 0 : i32
    %dma_wait3A_255 = tpu.memref_slice %arg6[%mul3A_2, %dma_wait3A_253, %dma_wait3A_254] : memref<16384x50x128xf32, #tpu.memory_space<hbm>> -> memref<1x50x128xf32, #tpu.memory_space<hbm>>
    %dma_wait3A_256 = tpu.memref_squeeze %dma_wait3A_255 : memref<1x50x128xf32, #tpu.memory_space<hbm>> -> memref<50x128xf32, #tpu.memory_space<hbm>>
    %dma_wait3A_257 = arith.constant 0 : i32
    %dma_wait3A_258 = arith.constant 0 : i32
    %dma_wait3A_259 = tpu.memref_slice %arg6[%mul3A_2, %dma_wait3A_257, %dma_wait3A_258] : memref<16384x50x128xf32, #tpu.memory_space<hbm>> -> memref<1x50x128xf32, #tpu.memory_space<hbm>>
    %dma_wait3A_260 = tpu.memref_squeeze %dma_wait3A_259 : memref<1x50x128xf32, #tpu.memory_space<hbm>> -> memref<50x128xf32, #tpu.memory_space<hbm>>
    %dma_wait3A_261 = arith.constant 350 : i32
    %dma_wait3A_262 = arith.constant 0 : i32
    %dma_wait3A_263 = tpu.memref_slice %arg11[%dma_wait3A_248, %dma_wait3A_261, %dma_wait3A_262] : memref<2x400x128xf32, #tpu.memory_space<vmem>> -> memref<1x50x128xf32, #tpu.memory_space<vmem>>
    %dma_wait3A_264 = tpu.memref_squeeze %dma_wait3A_263 : memref<1x50x128xf32, #tpu.memory_space<vmem>> -> memref<50x128xf32, #tpu.memory_space<vmem>>
    tpu.wait_dma2 semaphore(%arg16 : memref<!tpu.dma_semaphore, #tpu.memory_space<semaphore_mem>>) src(%dma_wait3A_264 : memref<50x128xf32, #tpu.memory_space<vmem>>) dst(%dma_wait3A_260 : memref<50x128xf32, #tpu.memory_space<hbm>>)
    return
  }
}

</mosaic_0001>

<sc_bundles>
// kernel: kernel.3.cloned.1.call-start
scs
__scs_entry_jumppad:
0x0: {  	(pc) =	sbr.rel $0x88, $3  }
0x1: {  	(tag) =	ssettag $0x0;
	lr =	simm.s32 $0x1  }
0x2: {  	[smem:$0x3F9F] =	sst lr;
	_ =	strace $0xD0000000  }
0x3: {  	_ = 	snop  }
0x4: {  	_ = 	snop  }
0x5: {  	_ = 	snop  }
0x6: {  	_ = 	snop  }
0x7: {  	_ = 	snop  }
__scs_overlays_trampoline_lowered:
0x8: {  	[smem:$0x3FAE] =	sst s0  }
0x9: {  	[smem:$0x3FAF] =	sst s1  }
0xa: {  	[smem:$0x3FB0] =	sst s2  }
0xb: {  	[smem:$0x3FB1] =	sst s3  }
0xc: {  	[smem:$0x3FB2] =	sst s4  }
0xd: {  	[smem:$0x3FB3] =	sst s5  }
0xe: {  	[smem:$0x3FB4] =	sst s6  }
0xf: {  	[smem:$0x3FB5] =	sst s7  }
0x10: {  	[smem:$0x3FB6] =	sst s8  }
0x11: {  	[smem:$0x3FB7] =	sst s9;
	s0 =	simm.s32 @!p0 $0x0  }
0x12: {  	s1 =	sld [smem:$0x3F9D];
	s0 =	simm.s32 @p0 $0x1  }
0x13: {  	[smem:$0x3FB8] =	sst s0;
	s0 =	simm.s32 @!p1 $0x0  }
0x14: {  	s2 =	sld [smem:$0x3F9C];
	s0 =	simm.s32 @p1 $0x1  }
0x15: {  	[smem:$0x3FB9] =	sst s0;
	s0 =	simm.s32 @!p2 $0x0  }
0x16: {  	s3 =	sld [smem:$0x3FDB];
	s0 =	simm.s32 @p2 $0x1  }
0x17: {  	s4 =	simm.s32 $0x1BF5;
	[smem:$0x3FBB] =	sst s0  }
0x18: {  	s0 =	sld [smem:$0x3F9E];
	_ =	swait.ge [sflag:s4], $0x0  }
0x19: {  	s7 =	sld [smem:$0x3F9F]  }
0x1a: {  	s8 =	sadd.s32 $0xFFFFE003, lr  }
0x1b: {  	s9 =	sadd.s32 $0xFFFFFEF7, lr;
	s5 =	simm.s32 $0xFFFFFFFF;
	p2 =	slt.u32 s8, $0xFFFFF086  }
0x1c: {  	p1 =	slt.u32 s9, $0xF7A;
	s5 =	simm.s32 @!p2 $0x0  }
0x1d: {  	s5 =	simm.s32 @p1 $0x1;
	p0 =	seq.s32 s7, s2  }
0x1e: {  	s7 =	smul.u32 @!p0 $0xF7A, s2;
	p2 =	seq.s32 @!p0 s5, $0x0  }
0x1f: {  	s9 =	smul.u32 $0xF7A, s1;
	s8 =	simm.s32 @!p0 $0x1BF5;
	p2 =	por !p2, p0  }
0x20: {  	[sflag:s8] =	ssyncset.s32 @!p0 $0xFFFFF086;
	s6 =	sadd.s32 @!p0 s3, s7;
	s7 =	simm.s32 @!p0 $0x108  }
0x21: {  	s3 =	sadd.s32 s3, s9;
	s6 =	sadd.s32 @!p0 $0x88, s6;
	s7 =	simm.s32 @p2 $0x1082  }
0x22: {  	[simem:s7], [sflag:s8] =	dma.local @!p0 [hbm:s6], $0xF7A  }
0x23: {  	s9 =	sor.u32 $0xD0000000, s2;
	s6 =	simm.s32 $0x108;
	_ =	swait.ge @!p0 [sflag:s8], $0x0  }
0x24: {  	s3 =	sadd.s32 $0x88, s3;
	s6 =	simm.s32 @!p1 $0x1082;
	[sflag:s4] =	ssyncset.s32 $0xFFFFF086  }
0x25: {  	[simem:s6], [sflag:s4] =	dma.local [hbm:s3], $0xF7A  }
0x26: {  	[smem:$0x3F9F] =	sst s1;
	(tag) =	ssettag s2;
	_ =	strace s9  }
0x27: {  	s1 =	sld [smem:$0x3FAF]  }
0x28: {  	s2 =	sld [smem:$0x3FB0]  }
0x29: {  	s4 =	sld [smem:$0x3FB2]  }
0x2a: {  	p0 =	seq.s32 s5, $0x0;
	s5 =	sld [smem:$0x3FB3]  }
0x2b: {  	s6 =	sld [smem:$0x3FB4]  }
0x2c: {  	s7 =	sld [smem:$0x3FB5]  }
0x2d: {  	s3 =	simm.s32 $0x108;
	s8 =	sld [smem:$0x3FB6]  }
0x2e: {  	s3 =	simm.s32 @!p0 $0x1082;
	s9 =	sld [smem:$0x3FB7]  }
0x2f: {  	lr =	sadd.s32 s0, s3;
	s0 =	sld [smem:$0x3FAE]  }
0x30: {  	s3 =	sld [smem:$0x3FB1]  }
0x31: {  	[smem:$0x3FBA] =	sst s10  }
0x32: {  	s10 =	sld [smem:$0x3FB8];
	_ =	sdelay $0x3  }
0x33: {  	p0 =	seq.s32 s10, $0x1;
	s10 =	sld [smem:$0x3FBA];
	_ =	sdelay $0x3  }
0x34: {  	[smem:$0x3FBA] =	sst s10  }
0x35: {  	s10 =	sld [smem:$0x3FB9];
	_ =	sdelay $0x3  }
0x36: {  	p1 =	seq.s32 s10, $0x1;
	s10 =	sld [smem:$0x3FBA];
	_ =	sdelay $0x3  }
0x37: {  	[smem:$0x3FBA] =	sst s10  }
0x38: {  	s10 =	sld [smem:$0x3FBB]  }
0x39: {  	_ = 	snop;
	(pc) =	sbr.ind lr, $3  }
0x3a: {  	_ = 	snop  }
0x3b: {  	_ = 	snop  }
0x3c: {  	p2 =	seq.s32 s10, $0x1;
	s10 =	sld [smem:$0x3FBA]  }
0x3d: {  	_ =	shalt  }
0x3e: {  	_ =	shalt  }
0x3f: {  	_ =	shalt  }
0x40: {  	_ =	shalt  }
0x41: {  	_ =	shalt  }
0x42: {  	_ =	shalt  }
0x43: {  	_ =	shalt  }
0x44: {  	_ =	shalt  }
0x45: {  	_ =	shalt  }
0x46: {  	_ =	shalt  }
0x47: {  	_ =	shalt  }
0x48: {  	_ =	shalt  }
0x49: {  	_ =	shalt  }
0x4a: {  	_ =	shalt  }
0x4b: {  	_ =	shalt  }
0x4c: {  	_ =	shalt  }
0x4d: {  	_ =	shalt  }
0x4e: {  	_ =	shalt  }
0x4f: {  	_ =	shalt  }
0x50: {  	_ =	shalt  }
0x51: {  	_ =	shalt  }
0x52: {  	_ =	shalt  }
0x53: {  	_ =	shalt  }
0x54: {  	_ =	shalt  }
0x55: {  	_ =	shalt  }
0x56: {  	_ =	shalt  }
0x57: {  	_ =	shalt  }
0x58: {  	_ =	shalt  }
0x59: {  	_ =	shalt  }
0x5a: {  	_ =	shalt  }
0x5b: {  	_ =	shalt  }
0x5c: {  	_ =	shalt  }
0x5d: {  	_ =	shalt  }
0x5e: {  	_ =	shalt  }
0x5f: {  	_ =	shalt  }
0x60: {  	_ =	shalt  }
0x61: {  	_ =	shalt  }
0x62: {  	_ =	shalt  }
0x63: {  	_ =	shalt  }
0x64: {  	_ =	shalt  }
0x65: {  	_ =	shalt  }
0x66: {  	_ =	shalt  }
0x67: {  	_ =	shalt  }
0x68: {  	_ =	shalt  }
0x69: {  	_ =	shalt  }
0x6a: {  	_ =	shalt  }
0x6b: {  	_ =	shalt  }
0x6c: {  	_ =	shalt  }
0x6d: {  	_ =	shalt  }
0x6e: {  	_ =	shalt  }
0x6f: {  	_ =	shalt  }
0x70: {  	_ =	shalt  }
0x71: {  	_ =	shalt  }
0x72: {  	_ =	shalt  }
0x73: {  	_ =	shalt  }
0x74: {  	_ =	shalt  }
0x75: {  	_ =	shalt  }
0x76: {  	_ =	shalt  }
0x77: {  	_ =	shalt  }
0x78: {  	_ =	shalt  }
0x79: {  	_ =	shalt  }
0x7a: {  	_ =	shalt  }
0x7b: {  	_ =	shalt  }
0x7c: {  	_ =	shalt  }
0x7d: {  	_ =	shalt  }
0x7e: {  	_ =	shalt  }
0x7f: {  	_ =	shalt  }
0x80: {  	_ =	shalt  }
0x81: {  	_ =	shalt  }
0x82: {  	_ =	shalt  }
0x83: {  	_ =	shalt  }
0x84: {  	_ =	shalt  }
0x85: {  	_ =	shalt  }
0x86: {  	_ =	shalt  }
0x87: {  	_ =	shalt  }
.Lfunc_end0:
.L_simem_size_0:
called_computation_lowered:
.L_overlay_start_0:
0x88: {  	s2 =	sld [smem:$0x3FD9]  }
0x89: {  	s3 =	sld [smem:$0x3FFE];
	_ =	sdelay $0x1  }
0x8a: {  	s1 =	srdreg.scid  }
0x8b: {  	s0 =	sand.u32 $0x1, s1  }
0x8c: {  	s17 =	sshll.u32 s0, $0xA;
	s2 =	sadd.s32 s3, s2  }
0x8d: {  	s2 =	sadd.s32 s2, s17  }
0x8e: {  	[smem:$0x3FC6] =	sst s2  }
0x8f: {  	_ = 	snop  }
0x90: {  	s2 =	sld [smem:$0x3FC8]  }
0x91: {  	s18 =	sld [smem:$0x3FD0];
	(tm) =	ssettm $0x1  }
0x92: {  	s4 =	sld [smem:$0x3FFB];
	_ =	sdelay $0x3  }
0x93: {  	_ =	strace s4  }
0x94: {  	s4 =	sld [smem:$0x3FFC];
	_ =	sdelay $0x3  }
0x95: {  	_ =	strace s4  }
0x96: {  	s4 =	sld [smem:$0x3FFD];
	_ =	sdelay $0x3  }
0x97: {  	_ =	strace s4  }
0x98: {  	_ =	strace $0x8FFFFFFF  }
0x99: {  	s19 =	sld [smem:$0x3FDB];
	_ =	sdelay $0x1  }
0x9a: {  	s5 =	simm.s32 $_scs_section_size  }
0x9b: {  	s6 =	simm.s32 $_size__tile_overlayer_lowered;
	s7 =	simm.s32 $_tile_overlayer_lowered  }
0x9c: {  	s22 =	simm.s32 $0x1BFF;
	s21 =	sshll.u32 s7, $0x1;
	s4 =	sadd.s32 s5, s19  }
0x9d: {  	s8 =	simm.s32 $0x0;
	s20 =	sshll.u32 s6, $0x1;
	s6 =	sadd.s32 s21, s4  }
0x9e: {  	[timem:s8], [sflag:s22] =	dma.local [hbm:s6], s20  }
0x9f: {  	_ =	swait.ge [sflag:s22], s20  }
0xa0: {  	s5 =	ssub.s32 $0x0, s20;
	[sflag:s22] =	ssyncset.done $0x0  }
0xa1: {  	[sflag:s22] =	ssyncadd.s32 s5;
	_ =	sdelay $0x1  }
0xa2: {  	s23 =	simm.s32 $0x1B8B  }
0xa3: {  	_ =	swait.ge [sflag:s23], $0x1  }
0xa4: {  	[sflag:s23] =	ssyncset.done $0x0  }
0xa5: {  	s25 =	simm.s32 $0x1B8E;
	s24 =	sld [smem:$0x3FFE];
	[sflag:s23] =	ssyncadd.s32 $0xFFFFFFFF  }
0xa6: {  	s26 =	simm.s32 $execute0_lowered;
	[smem:$0x3FD2] =	sst s25  }
0xa7: {  	s6 =	sshll.u32 s26, $0x1;
	_ =	strace $0x80000046;
	[dreg:$0x1] =	wrdreg $0xFFFFFFFF  }
0xa8: {  	s28 =	simm.s32 $_size_execute0_lowered;
	s4 =	sadd.s32 s4, s6;
	[dreg:$0x0] =	wrdreg $0x0  }
0xa9: {  	s6 =	sshll.u32 s28, $0x1;
	[dreg:$0x2] =	wrdreg s4  }
0xaa: {  	[dreg:$0x3] =	wrdreg s6  }
0xab: {  	[dreg:$0x4] =	wrdreg $0xC0  }
0xac: {  	_ =	task [dreg:s8], $0x5FFFF  }
0xad: {  	[dreg:$0x1] =	wrdreg $0xFFFFFFFF  }
0xae: {  	[dreg:$0x0] =	wrdreg $0x60  }
0xaf: {  	[dreg:$0x2] =	wrdreg s24  }
0xb0: {  	[dreg:$0x3] =	wrdreg s18  }
0xb1: {  	[dreg:$0x4] =	wrdreg s2  }
0xb2: {  	[dreg:$0x5] =	wrdreg $0x9  }
0xb3: {  	_ =	task.clear_ibuf [dreg:s8], $0x6FFFF;
	_ =	strace $0x90000046  }
0xb4: {  	s29 =	simm.s32 $0x9;
	_ =	strace $0x80000048  }
0xb5: {  	_ =	swait.ge [sflag:s29], $0x1  }
0xb6: {  	[sflag:s29] =	ssyncadd.s32 $0xFFFFFFFF  }
0xb7: {  	_ =	strace $0x90000048  }
0xb8: {  	_ =	sfence  }
0xb9: {  	s30 =	sld [smem:$0x0];
	_ =	sdelay $0x2  }
0xba: {  	s31 =	sshll.u32 s1, $0xD;
	s1 =	sshrl.u32 s1, $0x2  }
0xbb: {  	s3 =	sand.u32 $0x4000, s31;
	s1 =	sadd.s32 s1, s30  }
0xbc: {  	s0 =	sor.u32 s3, s0;
	s1 =	sshll.u32 s1, $0x11  }
0xbd: {  	s0 =	sor.u32 s1, s0  }
0xbe: {  	s0 =	sadd.s32 $0x8F2B, s0  }
0xbf: {  	[sflag:s0] =	ssyncadd.remote.s32 $0x1  }
0xc0: {  	_ =	sfence.sel $0xFFFF  }
0xc1: {  	[dreg:$0x0] =	wrdreg $0xFFFFFFFF;
	(pc) =	sbr.abs _section_cstart, $3  }
0xc2: {  	[dreg:$0x1] =	wrdreg $0xFFFFFFFF  }
0xc3: {  	_ =	task.clear_ibuf [dreg:s8], $0x2FFFF;
	_ =	strace $0x9FFFFFFF  }
0xc4: {  	(tm) =	ssettm $0x7FFFFFFF  }
0xc5: {  	_ =	shalt  }
tec
execute0_lowered:
.L_overlay_start_1:
0x0: {  	(tag) =	ssettag $0x1  }
0x1: {  	s0 =	rddreg [dreg:$0x0]  }
0x2: {  	s2 =	rddreg [dreg:$0x1]  }
0x3: {  	s3 =	rddreg [dreg:$0x2];
	s1 =	srdreg.scid  }
0x4: {  	s13 =	stileid.u32;
	s4 =	simm.s32 $0x0;
	s28 =	simm.s32 $0xBD00  }
0x5: {  	s1 =	sand.u32 $0x1, s1;
	s5 =	sshll.u32 s13, $0x1;
	[smem:$0x7FF] =	sst s4  }
0x6: {  	s6 =	sadd.s32 $0x600, s0;
	s8 =	sor.u32 s1, s5;
	s9 =	ssub.s32 $0x2, s1  }
0x7: {  	s7 =	sadd.s32 $0x32600, s0;
	s10 =	smul.u32 $0x6400, s8;
	s11 =	sshrl.u32 s9, $0x1  }
0x8: {  	s16 =	smul.u32 $0xE0000, s13;
	s5 =	sadd.s32 $0x19600, s0;
	s0 =	ssub.s32 s9, s11  }
0x9: {  	s19 =	smul.u32 $0x700000, s13;
	s12 =	sshrl.u32 s10, $0x3;
	s0 =	smax.u32 s0, $0x1  }
0xa: {  	_ =	strace $0x80000047;
	s10 =	sadd.s32 s5, s12;
	[dreg:$0x12] =	wrdreg s0  }
0xb: {  	s8 =	smul.u32 $0x380000, s8;
	s14 =	sadd.s32 s6, s12;
	[dreg:$0x4] =	wrdreg s10  }
0xc: {  	s15 =	sadd.s32 s2, s12;
	s9 =	sor.u32 $0x32, s12;
	[dreg:$0x5] =	wrdreg s14  }
0xd: {  	s13 =	smul.u32 $0xC800, s13;
	[dreg:$0x6] =	wrdreg s15;
	s17 =	sadd.s32 s5, s9  }
0xe: {  	s8 =	sshrl.u32 s8, $0x3;
	s12 =	sadd.s32 s6, s9;
	[dreg:$0x7] =	wrdreg s17  }
0xf: {  	s8 =	sadd.s32 s7, s8;
	s9 =	sadd.s32 s2, s9;
	[dreg:$0x8] =	wrdreg s12  }
0x10: {  	s18 =	smul.u32 $0x70000, s1;
	s20 =	sadd.s32 $0x6E400, s8;
	[dreg:$0x9] =	wrdreg s9  }
0x11: {  	s21 =	smul.u32 $0x380000, s1;
	s14 =	sadd.s32 $0x6E780, s8;
	[dreg:$0xa] =	wrdreg s20  }
0x12: {  	s1 =	smul.u32 $0x6400, s1;
	s22 =	sadd.s32 $0x6EB00, s8;
	[dreg:$0xb] =	wrdreg s14  }
0x13: {  	s31 =	simm.s32 $0x4;
	s23 =	sadd.s32 $0x6EE80, s8;
	[dreg:$0xc] =	wrdreg s22  }
0x14: {  	s1 =	sadd.s32 s1, s13;
	s24 =	sadd.s32 $0x6F200, s8;
	[dreg:$0xd] =	wrdreg s23  }
0x15: {  	s10 =	sadd.s32 s16, s7;
	s25 =	sadd.s32 $0x6F580, s8;
	[dreg:$0xe] =	wrdreg s24  }
0x16: {  	s26 =	sadd.s32 $0x6F900, s8;
	s8 =	sadd.s32 $0x6FC80, s8;
	[dreg:$0xf] =	wrdreg s25  }
0x17: {  	s18 =	sadd.s32 s18, s10;
	s9 =	sadd.s32 s21, s19;
	[dreg:$0x10] =	wrdreg s26  }
0x18: {  	[dreg:$0x11] =	wrdreg s8;
	s21 =	sor.u32 $0x320, s1;
	s23 =	sadd.s32 $0x4B0, s1  }
0x19: {  	s10 =	simm.s32 $0x80;
	s8 =	simm.s32 $0x0;
	s11 =	sor.u32 $0xC400, s9  }
0x1a: {  	s12 =	sor.u32 $0xA800, s9;
	s13 =	sor.u32 $0x8C00, s9;
	s16 =	sor.u32 $0x7000, s9  }
0x1b: {  	s17 =	sadd.s32 $0xFFFFAC00, s9;
	s19 =	sor.u32 $0x5400, s9;
	s22 =	sshrl.u32 s21, $0x3  }
0x1c: {  	s9 =	simm.s32 $0x1;
	s21 =	simm.s32 $0x2;
	s0 =	sshrl.u32 s11, $0x3  }
0x1d: {  	s14 =	sshrl.u32 s12, $0x3;
	s15 =	sshrl.u32 s13, $0x3;
	[dreg:$0x13] =	wrdreg s17  }
0x1e: {  	s20 =	sshrl.u32 s19, $0x3;
	[dreg:$0x14] =	wrdreg s22;
	s12 =	simm.s32 $0xE00  }
.Ltmp0:
0x1f: {  	s17 =	simm.s32 $0x10;
	s13 =	simm.s32 $0x3;
	(pc) =	sbr.rel .LBB2_1-.Ltmp0, $4  }
0x20: {  	s22 =	simm.s32 $0xA400;
	s24 =	sadd.s32 s0, s7;
	s25 =	sadd.s32 s14, s7  }
0x21: {  	s26 =	sadd.s32 s15, s7;
	s0 =	sshrl.u32 s16, $0x3;
	s30 =	sadd.s32 s20, s7  }
0x22: {  	s20 =	simm.s32 $0x8B00;
	s29 =	sadd.s32 s0, s7;
	s0 =	sshrl.u32 s23, $0x3  }
0x23: {  	s23 =	simm.s32 $0xD600;
	[dreg:$0x15] =	wrdreg s0;
	s0 =	simm.s32 $0x5  }
.LBB2_7:
0x24: {  	_ =	swait.ge [sflag:s31], $0x4000  }
0x25: {  	[sflag:s31] =	ssyncset.done $0x0  }
0x26: {  	[sflag:s31] =	ssyncadd.s32 $0xFFFFC000  }
0x27: {  	_ =	swait.ge [sflag:s31], $0x4000  }
0x28: {  	[sflag:s31] =	ssyncset.done $0x0  }
0x29: {  	[sflag:s31] =	ssyncadd.s32 $0xFFFFC000  }
0x2a: {  	_ =	swait.ge [sflag:s31], $0x4000  }
0x2b: {  	[sflag:s31] =	ssyncset.done $0x0  }
0x2c: {  	[sflag:s31] =	ssyncadd.s32 $0xFFFFC000  }
0x2d: {  	_ =	swait.ge [sflag:s31], $0x800  }
0x2e: {  	[sflag:s31] =	ssyncset.done $0x0  }
0x2f: {  	s8 =	simm.s32 $0x7;
	s1 =	rddreg [dreg:$0xa];
	[sflag:s31] =	ssyncadd.s32 $0xFFFFF800  }
0x30: {  	[hbm4b:s1+s4] =	stream.linear.scatter [tilespmem:s23], [sflag:$0x7], $0x1900, $0x38;
	[tilespmem:$0x19E00] =	vst v63  }
0x31: {  	_ =	swait.ge [sflag:s8], $0x1900  }
0x32: {  	[sflag:s8] =	ssyncset.done $0x0  }
0x33: {  	s11 =	simm.s32 $0xEF00;
	s15 =	rddreg [dreg:$0xb];
	[sflag:s8] =	ssyncadd.s32 $0xFFFFE700  }
0x34: {  	[hbm4b:s15+s4] =	stream.linear.scatter [tilespmem:s11], [sflag:$0x7], $0x1900, $0x38;
	[tilespmem:$0x19E00] =	vst v63  }
0x35: {  	_ =	swait.ge [sflag:s8], $0x1900  }
0x36: {  	[sflag:s8] =	ssyncset.done $0x0  }
0x37: {  	s19 =	simm.s32 $0x10800;
	s16 =	rddreg [dreg:$0xc];
	[sflag:s8] =	ssyncadd.s32 $0xFFFFE700  }
0x38: {  	[hbm4b:s16+s4] =	stream.linear.scatter [tilespmem:s19], [sflag:$0x7], $0x1900, $0x38;
	[tilespmem:$0x19E00] =	vst v63  }
0x39: {  	_ =	swait.ge [sflag:s8], $0x1900  }
0x3a: {  	[sflag:s8] =	ssyncset.done $0x0  }
0x3b: {  	s15 =	simm.s32 $0x12100;
	s14 =	rddreg [dreg:$0xd];
	[sflag:s8] =	ssyncadd.s32 $0xFFFFE700  }
0x3c: {  	[hbm4b:s14+s4] =	stream.linear.scatter [tilespmem:s15], [sflag:$0x7], $0x1900, $0x38;
	[tilespmem:$0x19E00] =	vst v63  }
0x3d: {  	_ =	swait.ge [sflag:s8], $0x1900  }
0x3e: {  	[sflag:s8] =	ssyncset.done $0x0  }
0x3f: {  	s19 =	simm.s32 $0x13A00;
	s16 =	rddreg [dreg:$0xe];
	[sflag:s8] =	ssyncadd.s32 $0xFFFFE700  }
0x40: {  	[hbm4b:s16+s4] =	stream.linear.scatter [tilespmem:s19], [sflag:$0x7], $0x1900, $0x38;
	[tilespmem:$0x19E00] =	vst v63  }
0x41: {  	_ =	swait.ge [sflag:s8], $0x1900  }
0x42: {  	[sflag:s8] =	ssyncset.done $0x0  }
0x43: {  	s15 =	simm.s32 $0x15300;
	s14 =	rddreg [dreg:$0xf];
	[sflag:s8] =	ssyncadd.s32 $0xFFFFE700  }
0x44: {  	[hbm4b:s14+s4] =	stream.linear.scatter [tilespmem:s15], [sflag:$0x7], $0x1900, $0x38;
	[tilespmem:$0x19E00] =	vst v63  }
0x45: {  	_ =	swait.ge [sflag:s8], $0x1900  }
0x46: {  	[sflag:s8] =	ssyncset.done $0x0  }
0x47: {  	s19 =	simm.s32 $0x16C00;
	s16 =	rddreg [dreg:$0x10];
	[sflag:s8] =	ssyncadd.s32 $0xFFFFE700  }
0x48: {  	[hbm4b:s16+s4] =	stream.linear.scatter [tilespmem:s19], [sflag:$0x7], $0x1900, $0x38;
	[tilespmem:$0x19E00] =	vst v63  }
0x49: {  	_ =	swait.ge [sflag:s8], $0x1900  }
0x4a: {  	[sflag:s8] =	ssyncset.done $0x0  }
0x4b: {  	s15 =	simm.s32 $0x18500;
	s14 =	rddreg [dreg:$0x11];
	[sflag:s8] =	ssyncadd.s32 $0xFFFFE700  }
0x4c: {  	[hbm4b:s14+s4] =	stream.linear.scatter [tilespmem:s15], [sflag:$0x7], $0x1900, $0x38;
	[tilespmem:$0x19E00] =	vst v63  }
0x4d: {  	_ =	swait.ge [sflag:s8], $0x1900  }
0x4e: {  	[sflag:s8] =	ssyncset.done $0x0  }
0x4f: {  	[sflag:s8] =	ssyncadd.s32 $0xFFFFE700  }
0x50: {  	_ =	swait.ge [sflag:s0], $0x1900  }
0x51: {  	[sflag:s0] =	ssyncset.done $0x0  }
0x52: {  	[sflag:s0] =	ssyncadd.s32 $0xFFFFE700  }
0x53: {  	_ =	swait.ge [sflag:s0], $0x1900  }
0x54: {  	[sflag:s0] =	ssyncset.done $0x0  }
0x55: {  	[sflag:s0] =	ssyncadd.s32 $0xFFFFE700  }
0x56: {  	_ =	swait.ge [sflag:s0], $0x1900  }
0x57: {  	[sflag:s0] =	ssyncset.done $0x0  }
0x58: {  	[sflag:s0] =	ssyncadd.s32 $0xFFFFE700  }
0x59: {  	_ =	swait.ge [sflag:s0], $0x1900  }
0x5a: {  	[sflag:s0] =	ssyncset.done $0x0  }
0x5b: {  	[sflag:s0] =	ssyncadd.s32 $0xFFFFE700  }
0x5c: {  	_ =	swait.ge [sflag:s0], $0x1900  }
0x5d: {  	[sflag:s0] =	ssyncset.done $0x0  }
0x5e: {  	[sflag:s0] =	ssyncadd.s32 $0xFFFFE700  }
0x5f: {  	_ =	swait.ge [sflag:s0], $0x1900  }
0x60: {  	[sflag:s0] =	ssyncset.done $0x0  }
0x61: {  	[sflag:s0] =	ssyncadd.s32 $0xFFFFE700  }
0x62: {  	_ =	swait.ge [sflag:s0], $0x1900  }
0x63: {  	[sflag:s0] =	ssyncset.done $0x0  }
0x64: {  	[sflag:s0] =	ssyncadd.s32 $0xFFFFE700  }
0x65: {  	_ =	swait.ge [sflag:s0], $0x1900  }
0x66: {  	s16 =	rddreg [dreg:$0x16]  }
0x67: {  	s19 =	rddreg [dreg:$0x12];
	s8 =	sadd.s32 $0x1, s16  }
0x68: {  	p0 =	sne.s32 s8, s19  }
.Ltmp1:
0x69: {  	_ = 	snop;
	(pc) =	sbr.rel @!p0 .LBB2_8-.Ltmp1, $3  }
0x6a: {  	_ =	sdelay $0x1  }
0x6b: {  	[sflag:s0] =	ssyncset.done $0x0  }
0x6c: {  	[sflag:s0] =	ssyncadd.s32 $0xFFFFE700  }
.LBB2_1:
0x6d: {  	[dreg:$0x16] =	wrdreg s8  }
0x6e: {  	s1 =	rddreg [dreg:$0x4]  }
0x6f: {  	s14 =	rddreg [dreg:$0x5]  }
0x70: {  	s16 =	rddreg [dreg:$0x6]  }
0x71: {  	[tilespmem:s4], [sflag:$0x1] =	stream.linear.gather [hbm4b:s1+s4], $0x190, $0x38;
	[tilespmem:$0x19E00] =	vst v63  }
0x72: {  	s15 =	simm.s32 $0x380;
	s8 =	rddreg [dreg:$0x7]  }
0x73: {  	[tilespmem:s15], [sflag:$0x1] =	stream.linear.gather [hbm4b:s14+s4], $0x190, $0x38;
	[tilespmem:$0x19E00] =	vst v63  }
0x74: {  	s19 =	simm.s32 $0x700;
	s1 =	rddreg [dreg:$0x15]  }
0x75: {  	[tilespmem:s19], [sflag:$0x1] =	stream.linear.gather [hbm4b:s16+s4], $0x190, $0x38;
	[tilespmem:$0x19E00] =	vst v63  }
0x76: {  	s11 =	simm.s32 $0x190;
	s14 =	rddreg [dreg:$0x8]  }
0x77: {  	[tilespmem:s11], [sflag:$0x2] =	stream.linear.gather [hbm4b:s8+s4], $0x190, $0x38;
	[tilespmem:$0x19E00] =	vst v63  }
.Ltmp2:
0x78: {  	s16 =	rddreg [dreg:$0x9];
	(pc) =	sbr.rel .LBB2_2-.Ltmp2, $4  }
0x79: {  	s15 =	simm.s32 $0x510;
	s8 =	rddreg [dreg:$0x14]  }
0x7a: {  	[tilespmem:s15], [sflag:$0x2] =	stream.linear.gather [hbm4b:s14+s4], $0x190, $0x38;
	[tilespmem:$0x19E00] =	vst v63  }
0x7b: {  	s19 =	simm.s32 $0x890;
	s11 =	rddreg [dreg:$0x13];
	s14 =	simm.s32 $0x0  }
0x7c: {  	[tilespmem:s19], [sflag:$0x2] =	stream.linear.gather [hbm4b:s16+s4], $0x190, $0x38;
	[tilespmem:$0x19E00] =	vst v63  }
.LBB2_3:
0x7d: {  	s15 =	simm.s32 $0xA80  }
0x7e: {  	[tilespmem:s12], [sflag:$0x3] =	stream.indirect.gather [hbm4b:s3+s10], $0x80, s15, s10, $0xb8;
	[tilespmem:$0x19E00] =	vst v63  }
0x7f: {  	s19 =	simm.s32 $0xB00;
	s16 =	simm.s32 $0x4E00  }
0x80: {  	[tilespmem:s16], [sflag:$0x3] =	stream.indirect.gather [hbm4b:s3+s10], $0x80, s19, s10, $0xb8;
	[tilespmem:$0x19E00] =	vst v63  }
0x81: {  	s16 =	simm.s32 $0xB80;
	s19 =	simm.s32 $0x8E00  }
0x82: {  	[tilespmem:s19], [sflag:$0x3] =	stream.indirect.gather [hbm4b:s3+s10], $0x80, s16, s10, $0xb8;
	[tilespmem:$0x19E00] =	vst v63  }
0x83: {  	s16 =	simm.s32 $0xC00;
	s19 =	simm.s32 $0xCE00  }
0x84: {  	[tilespmem:s19], [sflag:$0x3] =	stream.indirect.gather [hbm4b:s3+s17], $0x80, s16, s17, $0xb8;
	[tilespmem:$0x19E00] =	vst v63  }
.LBB2_5:
0x85: {  	s15 =	sadd.s32 s8, s5  }
0x86: {  	[tilespmem:s4], [sflag:$0x1] =	stream.linear.gather [hbm4b:s15+s4], $0x190, $0x38;
	[tilespmem:$0x19E00] =	vst v63  }
0x87: {  	s19 =	sadd.s32 s8, s6;
	s16 =	simm.s32 $0x380  }
0x88: {  	[tilespmem:s16], [sflag:$0x1] =	stream.linear.gather [hbm4b:s19+s4], $0x190, $0x38;
	[tilespmem:$0x19E00] =	vst v63  }
0x89: {  	p0 =	por $0x0, $0x0;
	s16 =	sadd.s32 s8, s2;
	s19 =	simm.s32 $0x700  }
0x8a: {  	[tilespmem:s19], [sflag:$0x1] =	stream.linear.gather [hbm4b:s16+s4], $0x190, $0x38;
	[tilespmem:$0x19E00] =	vst v63  }
.LBB2_6:
0x8b: {  	_ =	swait.ge [sflag:s21], $0x190  }
0x8c: {  	[sflag:s21] =	ssyncset.done $0x0  }
0x8d: {  	[sflag:s21] =	ssyncadd.s32 $0xFFFFFE70  }
0x8e: {  	_ =	swait.ge [sflag:s21], $0x190  }
0x8f: {  	[sflag:s21] =	ssyncset.done $0x0  }
0x90: {  	[sflag:s21] =	ssyncadd.s32 $0xFFFFFE70  }
0x91: {  	_ =	swait.ge [sflag:s21], $0x190  }
0x92: {  	[sflag:s21] =	ssyncset.done $0x0  }
0x93: {  	[sflag:s21] =	ssyncadd.s32 $0xFFFFFE70  }
0x94: {  	v0 =	vld [tilespmem:$0x190]  }
0x95: {  	v1 =	vld [tilespmem:$0x510]  }
0x96: {  	v2 =	vld [tilespmem:$0x890]  }
0x97: {  	v3 =	vld [tilespmem:$0x1A0]  }
0x98: {  	v4 =	vld [tilespmem:$0x520]  }
0x99: {  	v5 =	vld [tilespmem:$0x8A0]  }
0x9a: {  	v6 =	vld [tilespmem:$0x1B0]  }
0x9b: {  	v7 =	vld [tilespmem:$0x530]  }
0x9c: {  	v8 =	vld [tilespmem:$0x8B0]  }
0x9d: {  	v9 =	vld [tilespmem:$0x1C0]  }
0x9e: {  	v10 =	vld [tilespmem:$0x540]  }
0x9f: {  	v11 =	vld [tilespmem:$0x8C0]  }
0xa0: {  	v12 =	vld [tilespmem:$0x1D0]  }
0xa1: {  	v13 =	vld [tilespmem:$0x550]  }
0xa2: {  	v14 =	vld [tilespmem:$0x8D0]  }
0xa3: {  	v15 =	vld [tilespmem:$0x1E0]  }
0xa4: {  	v16 =	vld [tilespmem:$0x560]  }
0xa5: {  	v17 =	vld [tilespmem:$0x8E0]  }
0xa6: {  	v18 =	vld [tilespmem:$0x1F0]  }
0xa7: {  	v19 =	vld [tilespmem:$0x570]  }
0xa8: {  	v20 =	vld [tilespmem:$0x8F0]  }
0xa9: {  	v21 =	vld [tilespmem:$0x200]  }
0xaa: {  	v22 =	vld [tilespmem:$0x580]  }
0xab: {  	v23 =	vld [tilespmem:$0x900]  }
0xac: {  	v24 =	vld [tilespmem:$0x210]  }
0xad: {  	v25 =	vld [tilespmem:$0x590]  }
0xae: {  	v26 =	vld [tilespmem:$0x910]  }
0xaf: {  	v27 =	vld [tilespmem:$0x220]  }
0xb0: {  	v28 =	vld [tilespmem:$0x5A0]  }
0xb1: {  	v29 =	vld [tilespmem:$0x920]  }
0xb2: {  	v30 =	vld [tilespmem:$0x230]  }
0xb3: {  	v31 =	vld [tilespmem:$0x5B0]  }
0xb4: {  	v32 =	vld [tilespmem:$0x930]  }
0xb5: {  	v33 =	vld [tilespmem:$0x240]  }
0xb6: {  	v34 =	vld [tilespmem:$0x5C0]  }
0xb7: {  	v35 =	vld [tilespmem:$0x940]  }
0xb8: {  	v36 =	vld [tilespmem:$0x250]  }
0xb9: {  	v37 =	vld [tilespmem:$0x5D0]  }
0xba: {  	v38 =	vld [tilespmem:$0x950]  }
0xbb: {  	v39 =	vld [tilespmem:$0x260]  }
0xbc: {  	v40 =	vld [tilespmem:$0x5E0]  }
0xbd: {  	v41 =	vld [tilespmem:$0x960]  }
0xbe: {  	v42 =	vld [tilespmem:$0x270]  }
0xbf: {  	v43 =	vld [tilespmem:$0x5F0]  }
0xc0: {  	v44 =	vld [tilespmem:$0x970]  }
0xc1: {  	v45 =	vld [tilespmem:$0x280];
	v0 =	vshll.u32 v0, $0x8  }
0xc2: {  	v1 =	vshll.u32 v1, $0x4;
	v46 =	vshll.u32 v3, $0x8;
	v47 =	vshll.u32 v4, $0x4;
	v4 =	vld [tilespmem:$0x600]  }
0xc3: {  	v48 =	vshll.u32 v6, $0x8;
	v49 =	vshll.u32 v7, $0x4;
	v6 =	vld [tilespmem:$0x290];
	v50 =	vshll.u32 v9, $0x8  }
0xc4: {  	v51 =	vshll.u32 v10, $0x4;
	v9 =	vld [tilespmem:$0x610];
	v52 =	vshll.u32 v12, $0x8;
	v53 =	vshll.u32 v13, $0x4  }
0xc5: {  	v12 =	vld [tilespmem:$0x990];
	v54 =	vshll.u32 v15, $0x8;
	v55 =	vshll.u32 v16, $0x4;
	v56 =	vshll.u32 v18, $0x8  }
0xc6: {  	v13 =	vld [tilespmem:$0x620];
	v57 =	vshll.u32 v19, $0x4;
	v58 =	vshll.u32 v21, $0x8;
	v59 =	vshll.u32 v22, $0x4  }
0xc7: {  	v15 =	vld [tilespmem:$0x9A0];
	v61 =	vshll.u32 v24, $0x8;
	v62 =	vshll.u32 v25, $0x4;
	v24 =	vshll.u32 v27, $0x8  }
0xc8: {  	v18 =	vld [tilespmem:$0x2B0];
	v25 =	vshll.u32 v28, $0x4;
	v28 =	vshll.u32 v30, $0x8;
	v30 =	vshll.u32 v31, $0x4  }
0xc9: {  	v16 =	vld [tilespmem:$0x630];
	v33 =	vshll.u32 v33, $0x8;
	v0 =	vadd.s32 v0, v1;
	v1 =	vadd.s32 v46, v47  }
0xca: {  	v19 =	vld [tilespmem:$0x9B0];
	v3 =	vadd.s32 v48, v49;
	v7 =	vadd.s32 v52, v53;
	v10 =	vadd.s32 v54, v55  }
0xcb: {  	v21 =	vld [tilespmem:$0x640];
	v63 =	vadd.s32 v61, v62;
	v27 =	vadd.s32 v24, v25;
	v0 =	vadd.s32 v2, v0  }
0xcc: {  	v31 =	vadd.s32 v28, v30;
	v46 =	vshll.u32 v34, $0x4;
	v47 =	vld [tilespmem:$0x2D0];
	v1 =	vadd.s32 v5, v1;
	[tilespmem:$0xC10] =	vst v0  }
0xcd: {  	v48 =	vshll.u32 v36, $0x8;
	v49 =	vshll.u32 v37, $0x4;
	v24 =	vld [tilespmem:$0x9D0];
	v3 =	vadd.s32 v8, v3;
	[tilespmem:$0xC20] =	vst v1  }
0xce: {  	v52 =	vshll.u32 v40, $0x4;
	v62 =	vshll.u32 v45, $0x8;
	v28 =	vld [tilespmem:$0x2F0];
	v7 =	vadd.s32 v14, v7;
	[tilespmem:$0xC30] =	vst v3  }
0xcf: {  	v34 =	vld [tilespmem:$0x9F0];
	v5 =	vadd.s32 v50, v51;
	v10 =	vadd.s32 v17, v10;
	v14 =	vadd.s32 v58, v59;
	[tilespmem:$0xC50] =	vst v7  }
0xd0: {  	v2 =	vld [tilespmem:$0x980];
	v51 =	vshll.u32 v39, $0x8;
	v58 =	vshll.u32 v42, $0x8;
	v5 =	vadd.s32 v11, v5;
	[tilespmem:$0xC60] =	vst v10  }
0xd1: {  	v8 =	vld [tilespmem:$0x2A0];
	v59 =	vshll.u32 v43, $0x4;
	v11 =	vadd.s32 v56, v57;
	v60 =	vadd.s32 v23, v14;
	[tilespmem:$0xC40] =	vst v5  }
0xd2: {  	v50 =	vld [tilespmem:$0x650];
	v1 =	vadd.s32 v26, v63;
	v3 =	vadd.s32 v29, v27;
	v7 =	vadd.s32 v33, v46;
	[tilespmem:$0xC80] =	vst v60  }
0xd3: {  	v42 =	vld [tilespmem:$0x680];
	v10 =	vadd.s32 v48, v49;
	v55 =	vadd.s32 v51, v52;
	v61 =	vadd.s32 v58, v59;
	[tilespmem:$0xC90] =	vst v1  }
0xd4: {  	v14 =	vld [tilespmem:$0x9C0];
	v11 =	vadd.s32 v20, v11;
	v5 =	vadd.s32 v32, v31;
	v53 =	vadd.s32 v35, v7;
	[tilespmem:$0xCA0] =	vst v3  }
0xd5: {  	v56 =	vld [tilespmem:$0x2E0];
	v54 =	vadd.s32 v38, v10;
	v57 =	vadd.s32 v41, v55;
	v29 =	vadd.s32 v44, v61;
	[tilespmem:$0xC70] =	vst v11  }
0xd6: {  	v63 =	vld [tilespmem:$0x9E0];
	v4 =	vshll.u32 v4, $0x4;
	[tilespmem:$0xCB0] =	vst v5;
	v26 =	vshll.u32 v6, $0x8;
	v27 =	vshll.u32 v9, $0x4  }
0xd7: {  	v20 =	vld [tilespmem:$0x2C0];
	[tilespmem:$0xCC0] =	vst v53;
	v33 =	vshll.u32 v13, $0x4;
	v36 =	vshll.u32 v18, $0x8;
	v37 =	vshll.u32 v16, $0x4  }
0xd8: {  	v60 =	vld [tilespmem:$0x660];
	[tilespmem:$0xCD0] =	vst v54;
	v41 =	vshll.u32 v21, $0x4;
	v4 =	vadd.s32 v62, v4;
	v30 =	vadd.s32 v26, v27  }
0xd9: {  	v31 =	vld [tilespmem:$0x670];
	[tilespmem:$0xCE0] =	vst v57;
	v39 =	vadd.s32 v36, v37;
	v45 =	vshll.u32 v47, $0x8;
	v53 =	vshll.u32 v28, $0x8  }
0xda: {  	v38 =	vld [tilespmem:$0x300];
	[tilespmem:$0xCF0] =	vst v29;
	v2 =	vadd.s32 v2, v4;
	v3 =	vadd.s32 v12, v30;
	v32 =	vshll.u32 v8, $0x8  }
0xdb: {  	v44 =	vld [tilespmem:$0x310];
	v0 =	vadd.s32 v19, v39;
	v46 =	vshll.u32 v50, $0x4;
	v58 =	vshll.u32 v42, $0x4;
	[tilespmem:$0xD00] =	vst v2  }
0xdc: {  	v47 =	vld [tilespmem:$0x690];
	v35 =	vadd.s32 v32, v33;
	[tilespmem:$0xD10] =	vst v3;
	v48 =	vadd.s32 v45, v46;
	v49 =	vshll.u32 v56, $0x8  }
0xdd: {  	v51 =	vld [tilespmem:$0xA00];
	[tilespmem:$0xD30] =	vst v0;
	v40 =	vshll.u32 v20, $0x8;
	v1 =	vadd.s32 v15, v35;
	v50 =	vshll.u32 v60, $0x4  }
0xde: {  	v54 =	vld [tilespmem:$0xA10];
	v4 =	vshll.u32 v31, $0x4;
	v43 =	vadd.s32 v40, v41;
	[tilespmem:$0xD20] =	vst v1;
	v1 =	vadd.s32 v24, v48  }
0xdf: {  	v57 =	vshll.u32 v38, $0x8;
	v52 =	vadd.s32 v49, v50;
	v2 =	vadd.s32 v14, v43;
	[tilespmem:$0xD50] =	vst v1  }
0xe0: {  	v60 =	vshll.u32 v44, $0x8;
	v55 =	vadd.s32 v53, v4;
	v0 =	vadd.s32 v63, v52;
	[tilespmem:$0xD40] =	vst v2  }
0xe1: {  	v59 =	vadd.s32 v57, v58;
	v56 =	vadd.s32 v34, v55;
	v61 =	vshll.u32 v47, $0x4;
	[tilespmem:$0xD60] =	vst v0  }
0xe2: {  	[tilespmem:$0xD70] =	vst v56;
	v0 =	vadd.s32 v51, v59;
	v62 =	vadd.s32 v60, v61  }
0xe3: {  	p1 =	seq.s32 s14, $0x0;
	[tilespmem:$0xD80] =	vst v0;
	v63 =	vadd.s32 v54, v62  }
0xe4: {  	s15 =	simm.s32 @!p1 $0x6;
	[tilespmem:$0xD90] =	vst v63  }
0xe5: {  	_ =	swait.ge @!p1 [sflag:s15], $0x1900  }
0xe6: {  	[sflag:s15] =	ssyncset.done @!p1 $0x0  }
0xe7: {  	[sflag:s15] =	ssyncadd.s32 @!p1 $0xFFFFE700  }
0xe8: {  	_ =	swait.ge @!p1 [sflag:s15], $0x1900  }
0xe9: {  	[sflag:s15] =	ssyncset.done @!p1 $0x0  }
0xea: {  	[sflag:s15] =	ssyncadd.s32 @!p1 $0xFFFFE700  }
0xeb: {  	_ =	swait.ge @!p1 [sflag:s15], $0x1900  }
0xec: {  	[sflag:s15] =	ssyncset.done @!p1 $0x0  }
0xed: {  	[sflag:s15] =	ssyncadd.s32 @!p1 $0xFFFFE700  }
0xee: {  	_ =	swait.ge @!p1 [sflag:s15], $0x1900  }
0xef: {  	[sflag:s15] =	ssyncset.done @!p1 $0x0  }
0xf0: {  	[sflag:s15] =	ssyncadd.s32 @!p1 $0xFFFFE700  }
0xf1: {  	_ =	swait.ge @!p1 [sflag:s15], $0x1900  }
0xf2: {  	[sflag:s15] =	ssyncset.done @!p1 $0x0  }
0xf3: {  	[sflag:s15] =	ssyncadd.s32 @!p1 $0xFFFFE700  }
0xf4: {  	_ =	swait.ge @!p1 [sflag:s15], $0x1900  }
0xf5: {  	[sflag:s15] =	ssyncset.done @!p1 $0x0  }
0xf6: {  	[sflag:s15] =	ssyncadd.s32 @!p1 $0xFFFFE700  }
0xf7: {  	_ =	swait.ge @!p1 [sflag:s15], $0x1900  }
0xf8: {  	[sflag:s15] =	ssyncset.done @!p1 $0x0  }
0xf9: {  	[sflag:s15] =	ssyncadd.s32 @!p1 $0xFFFFE700  }
0xfa: {  	_ =	swait.ge @!p1 [sflag:s15], $0x1900  }
0xfb: {  	[sflag:s15] =	ssyncset.done @!p1 $0x0  }
0xfc: {  	s16 =	simm.s32 $0xC10;
	[sflag:s15] =	ssyncadd.s32 @!p1 $0xFFFFE700  }
0xfd: {  	[tilespmem:s23], [sflag:$0x4] =	stream.indirect.gather [hbm4b:s3+s10], $0x80, s16, s10, $0xb8;
	[tilespmem:$0x19E00] =	vst v63  }
0xfe: {  	s19 =	simm.s32 $0xC90;
	s16 =	simm.s32 $0x11600  }
0xff: {  	[tilespmem:s16], [sflag:$0x4] =	stream.indirect.gather [hbm4b:s3+s10], $0x80, s19, s10, $0xb8;
	[tilespmem:$0x19E00] =	vst v63  }
0x100: {  	s16 =	simm.s32 $0xD10;
	s19 =	simm.s32 $0x15600  }
0x101: {  	[tilespmem:s19], [sflag:$0x4] =	stream.indirect.gather [hbm4b:s3+s10], $0x80, s16, s10, $0xb8;
	[tilespmem:$0x19E00] =	vst v63  }
0x102: {  	s16 =	simm.s32 $0xD90;
	s19 =	simm.s32 $0x19600  }
0x103: {  	[tilespmem:s19], [sflag:$0x4] =	stream.indirect.gather [hbm4b:s3+s17], $0x80, s16, s17, $0xb8;
	[tilespmem:$0x19E00] =	vst v63  }
0x104: {  	_ =	swait.ge [sflag:s13], $0x4000  }
0x105: {  	[sflag:s13] =	ssyncset.done $0x0  }
0x106: {  	[sflag:s13] =	ssyncadd.s32 $0xFFFFC000  }
0x107: {  	_ =	swait.ge [sflag:s13], $0x4000  }
0x108: {  	[sflag:s13] =	ssyncset.done $0x0  }
0x109: {  	[sflag:s13] =	ssyncadd.s32 $0xFFFFC000  }
0x10a: {  	_ =	swait.ge [sflag:s13], $0x4000  }
0x10b: {  	[sflag:s13] =	ssyncset.done $0x0  }
0x10c: {  	[sflag:s13] =	ssyncadd.s32 $0xFFFFC000  }
0x10d: {  	_ =	swait.ge [sflag:s13], $0x800  }
0x10e: {  	[sflag:s13] =	ssyncset.done $0x0  }
0x10f: {  	s15 =	sadd.s32 s14, s18;
	[sflag:s13] =	ssyncadd.s32 $0xFFFFF800  }
0x110: {  	[hbm4b:s15+s4] =	stream.linear.scatter [tilespmem:s12], [sflag:$0x5], $0x1900, $0x38;
	[tilespmem:$0x19E00] =	vst v63  }
0x111: {  	s16 =	sadd.s32 $0x380, s15;
	s19 =	simm.s32 $0x2700  }
0x112: {  	[hbm4b:s16+s4] =	stream.linear.scatter [tilespmem:s19], [sflag:$0x5], $0x1900, $0x38;
	[tilespmem:$0x19E00] =	vst v63  }
0x113: {  	s15 =	sadd.s32 $0x700, s15;
	s19 =	simm.s32 $0x4000  }
0x114: {  	[hbm4b:s15+s4] =	stream.linear.scatter [tilespmem:s19], [sflag:$0x5], $0x1900, $0x38;
	[tilespmem:$0x19E00] =	vst v63  }
0x115: {  	s16 =	sadd.s32 s14, s30;
	s19 =	simm.s32 $0x5900  }
0x116: {  	[hbm4b:s16+s4] =	stream.linear.scatter [tilespmem:s19], [sflag:$0x5], $0x1900, $0x38;
	[tilespmem:$0x19E00] =	vst v63  }
0x117: {  	s16 =	sadd.s32 s14, s29;
	s19 =	simm.s32 $0x7200  }
0x118: {  	[hbm4b:s16+s4] =	stream.linear.scatter [tilespmem:s19], [sflag:$0x5], $0x1900, $0x38;
	[tilespmem:$0x19E00] =	vst v63  }
0x119: {  	s19 =	sadd.s32 s14, s26  }
0x11a: {  	[hbm4b:s19+s4] =	stream.linear.scatter [tilespmem:s20], [sflag:$0x5], $0x1900, $0x38;
	[tilespmem:$0x19E00] =	vst v63  }
0x11b: {  	s16 =	sadd.s32 s14, s25  }
0x11c: {  	[hbm4b:s16+s4] =	stream.linear.scatter [tilespmem:s22], [sflag:$0x5], $0x1900, $0x38;
	[tilespmem:$0x19E00] =	vst v63  }
0x11d: {  	s19 =	sadd.s32 s14, s24  }
0x11e: {  	[hbm4b:s19+s4] =	stream.linear.scatter [tilespmem:s28], [sflag:$0x5], $0x1900, $0x38;
	[tilespmem:$0x19E00] =	vst v63  }
0x11f: {  	s15 =	sadd.s32 @!p0 s1, s5;
	s16 =	simm.s32 @!p0 $0x0;
	s19 =	simm.s32 @!p0 $0x190  }
0x120: {  	[tilespmem:s19], [sflag:$0x2] =	stream.linear.gather @!p0 [hbm4b:s15+s16], $0x190, $0x38;
	[tilespmem:$0x19E00] =	vst v63  }
0x121: {  	s15 =	sadd.s32 @!p0 s1, s6;
	s19 =	simm.s32 @!p0 $0x510  }
0x122: {  	[tilespmem:s19], [sflag:$0x2] =	stream.linear.gather @!p0 [hbm4b:s15+s16], $0x190, $0x38;
	[tilespmem:$0x19E00] =	vst v63  }
0x123: {  	s14 =	sadd.s32 $0x3800, s14;
	s15 =	sadd.s32 @!p0 s1, s2;
	s19 =	simm.s32 @!p0 $0x890  }
0x124: {  	[tilespmem:s19], [sflag:$0x2] =	stream.linear.gather @!p0 [hbm4b:s15+s16], $0x190, $0x38;
	[tilespmem:$0x19E00] =	vst v63  }
0x125: {  	p0 =	sne.s32 s14, $0x70000  }
.Ltmp3:
0x126: {  	_ = 	snop;
	(pc) =	sbr.rel @!p0 .LBB2_7-.Ltmp3, $2  }
0x127: {  	_ =	sdelay $0x2  }
0x128: {  	s11 =	sadd.s32 $0x1C000, s11;
	s8 =	sadd.s32 $0x64, s8;
	s1 =	sadd.s32 $0x64, s1  }
.LBB2_2:
0x129: {  	_ =	swait.ge [sflag:s9], $0x190  }
0x12a: {  	[sflag:s9] =	ssyncset.done $0x0  }
0x12b: {  	[sflag:s9] =	ssyncadd.s32 $0xFFFFFE70  }
0x12c: {  	_ =	swait.ge [sflag:s9], $0x190  }
0x12d: {  	[sflag:s9] =	ssyncset.done $0x0  }
0x12e: {  	[sflag:s9] =	ssyncadd.s32 $0xFFFFFE70  }
0x12f: {  	_ =	swait.ge [sflag:s9], $0x190  }
0x130: {  	[sflag:s9] =	ssyncset.done $0x0  }
0x131: {  	[sflag:s9] =	ssyncadd.s32 $0xFFFFFE70  }
0x132: {  	v0 =	vld [tilespmem:$0x0]  }
0x133: {  	v1 =	vld [tilespmem:$0x380]  }
0x134: {  	v2 =	vld [tilespmem:$0x700]  }
0x135: {  	v3 =	vld [tilespmem:$0x10]  }
0x136: {  	v4 =	vld [tilespmem:$0x390]  }
0x137: {  	v5 =	vld [tilespmem:$0x710]  }
0x138: {  	v6 =	vld [tilespmem:$0x20]  }
0x139: {  	v7 =	vld [tilespmem:$0x3A0]  }
0x13a: {  	v8 =	vld [tilespmem:$0x720]  }
0x13b: {  	v9 =	vld [tilespmem:$0x30]  }
0x13c: {  	v10 =	vld [tilespmem:$0x3B0]  }
0x13d: {  	v11 =	vld [tilespmem:$0x730]  }
0x13e: {  	v12 =	vld [tilespmem:$0x40]  }
0x13f: {  	v13 =	vld [tilespmem:$0x3C0]  }
0x140: {  	v14 =	vld [tilespmem:$0x740]  }
0x141: {  	v15 =	vld [tilespmem:$0x50]  }
0x142: {  	v16 =	vld [tilespmem:$0x3D0]  }
0x143: {  	v17 =	vld [tilespmem:$0x750]  }
0x144: {  	v18 =	vld [tilespmem:$0x60]  }
0x145: {  	v19 =	vld [tilespmem:$0x3E0]  }
0x146: {  	v20 =	vld [tilespmem:$0x760]  }
0x147: {  	v21 =	vld [tilespmem:$0x70]  }
0x148: {  	v22 =	vld [tilespmem:$0x3F0]  }
0x149: {  	v23 =	vld [tilespmem:$0x770]  }
0x14a: {  	v24 =	vld [tilespmem:$0x80]  }
0x14b: {  	v25 =	vld [tilespmem:$0x400]  }
0x14c: {  	v26 =	vld [tilespmem:$0x780]  }
0x14d: {  	v27 =	vld [tilespmem:$0x90]  }
0x14e: {  	v28 =	vld [tilespmem:$0x410]  }
0x14f: {  	v29 =	vld [tilespmem:$0x790]  }
0x150: {  	v30 =	vld [tilespmem:$0xA0]  }
0x151: {  	v31 =	vld [tilespmem:$0x420]  }
0x152: {  	v32 =	vld [tilespmem:$0x7A0]  }
0x153: {  	v33 =	vld [tilespmem:$0xB0]  }
0x154: {  	v34 =	vld [tilespmem:$0x430]  }
0x155: {  	v35 =	vld [tilespmem:$0x7B0]  }
0x156: {  	v36 =	vld [tilespmem:$0xC0]  }
0x157: {  	v37 =	vld [tilespmem:$0x440]  }
0x158: {  	v38 =	vld [tilespmem:$0x7C0]  }
0x159: {  	v39 =	vld [tilespmem:$0xD0]  }
0x15a: {  	v40 =	vld [tilespmem:$0x450]  }
0x15b: {  	v41 =	vld [tilespmem:$0x7D0]  }
0x15c: {  	v42 =	vld [tilespmem:$0xE0]  }
0x15d: {  	v43 =	vld [tilespmem:$0x460]  }
0x15e: {  	v44 =	vld [tilespmem:$0x7E0]  }
0x15f: {  	v45 =	vld [tilespmem:$0xF0];
	v0 =	vshll.u32 v0, $0x8  }
0x160: {  	v1 =	vshll.u32 v1, $0x4;
	v46 =	vshll.u32 v3, $0x8;
	v47 =	vshll.u32 v4, $0x4;
	v4 =	vld [tilespmem:$0x470]  }
0x161: {  	v48 =	vshll.u32 v6, $0x8;
	v49 =	vshll.u32 v7, $0x4;
	v6 =	vld [tilespmem:$0x100];
	v50 =	vshll.u32 v9, $0x8  }
0x162: {  	v51 =	vshll.u32 v10, $0x4;
	v9 =	vld [tilespmem:$0x480];
	v52 =	vshll.u32 v12, $0x8;
	v53 =	vshll.u32 v13, $0x4  }
0x163: {  	v12 =	vld [tilespmem:$0x800];
	v54 =	vshll.u32 v15, $0x8;
	v55 =	vshll.u32 v16, $0x4;
	v56 =	vshll.u32 v18, $0x8  }
0x164: {  	v13 =	vld [tilespmem:$0x490];
	v57 =	vshll.u32 v19, $0x4;
	v58 =	vshll.u32 v21, $0x8;
	v59 =	vshll.u32 v22, $0x4  }
0x165: {  	v15 =	vld [tilespmem:$0x810];
	v61 =	vshll.u32 v24, $0x8;
	v62 =	vshll.u32 v25, $0x4;
	v24 =	vshll.u32 v27, $0x8  }
0x166: {  	v18 =	vld [tilespmem:$0x120];
	v25 =	vshll.u32 v28, $0x4;
	v28 =	vshll.u32 v30, $0x8;
	v30 =	vshll.u32 v31, $0x4  }
0x167: {  	v16 =	vld [tilespmem:$0x4A0];
	v33 =	vshll.u32 v33, $0x8;
	v0 =	vadd.s32 v0, v1;
	v1 =	vadd.s32 v46, v47  }
0x168: {  	v19 =	vld [tilespmem:$0x820];
	v3 =	vadd.s32 v48, v49;
	v7 =	vadd.s32 v52, v53;
	v10 =	vadd.s32 v54, v55  }
0x169: {  	v21 =	vld [tilespmem:$0x4B0];
	v63 =	vadd.s32 v61, v62;
	v27 =	vadd.s32 v24, v25;
	v0 =	vadd.s32 v2, v0  }
0x16a: {  	v31 =	vadd.s32 v28, v30;
	v46 =	vshll.u32 v34, $0x4;
	v47 =	vld [tilespmem:$0x140];
	v1 =	vadd.s32 v5, v1;
	[tilespmem:$0xA80] =	vst v0  }
0x16b: {  	v48 =	vshll.u32 v36, $0x8;
	v49 =	vshll.u32 v37, $0x4;
	v24 =	vld [tilespmem:$0x840];
	v3 =	vadd.s32 v8, v3;
	[tilespmem:$0xA90] =	vst v1  }
0x16c: {  	v52 =	vshll.u32 v40, $0x4;
	v62 =	vshll.u32 v45, $0x8;
	v28 =	vld [tilespmem:$0x160];
	v7 =	vadd.s32 v14, v7;
	[tilespmem:$0xAA0] =	vst v3  }
0x16d: {  	v34 =	vld [tilespmem:$0x860];
	v5 =	vadd.s32 v50, v51;
	v10 =	vadd.s32 v17, v10;
	v14 =	vadd.s32 v58, v59;
	[tilespmem:$0xAC0] =	vst v7  }
0x16e: {  	v2 =	vld [tilespmem:$0x7F0];
	v51 =	vshll.u32 v39, $0x8;
	v58 =	vshll.u32 v42, $0x8;
	v5 =	vadd.s32 v11, v5;
	[tilespmem:$0xAD0] =	vst v10  }
0x16f: {  	v8 =	vld [tilespmem:$0x110];
	v59 =	vshll.u32 v43, $0x4;
	v11 =	vadd.s32 v56, v57;
	v60 =	vadd.s32 v23, v14;
	[tilespmem:$0xAB0] =	vst v5  }
0x170: {  	v50 =	vld [tilespmem:$0x4C0];
	v1 =	vadd.s32 v26, v63;
	v3 =	vadd.s32 v29, v27;
	v7 =	vadd.s32 v33, v46;
	[tilespmem:$0xAF0] =	vst v60  }
0x171: {  	v42 =	vld [tilespmem:$0x4F0];
	v10 =	vadd.s32 v48, v49;
	v55 =	vadd.s32 v51, v52;
	v61 =	vadd.s32 v58, v59;
	[tilespmem:$0xB00] =	vst v1  }
0x172: {  	v14 =	vld [tilespmem:$0x830];
	v11 =	vadd.s32 v20, v11;
	v5 =	vadd.s32 v32, v31;
	v53 =	vadd.s32 v35, v7;
	[tilespmem:$0xB10] =	vst v3  }
0x173: {  	v56 =	vld [tilespmem:$0x150];
	v54 =	vadd.s32 v38, v10;
	v57 =	vadd.s32 v41, v55;
	v29 =	vadd.s32 v44, v61;
	[tilespmem:$0xAE0] =	vst v11  }
0x174: {  	v63 =	vld [tilespmem:$0x850];
	v4 =	vshll.u32 v4, $0x4;
	[tilespmem:$0xB20] =	vst v5;
	v26 =	vshll.u32 v6, $0x8;
	v27 =	vshll.u32 v9, $0x4  }
0x175: {  	v20 =	vld [tilespmem:$0x130];
	[tilespmem:$0xB30] =	vst v53;
	v33 =	vshll.u32 v13, $0x4;
	v36 =	vshll.u32 v18, $0x8;
	v37 =	vshll.u32 v16, $0x4  }
0x176: {  	v60 =	vld [tilespmem:$0x4D0];
	[tilespmem:$0xB40] =	vst v54;
	v41 =	vshll.u32 v21, $0x4;
	v4 =	vadd.s32 v62, v4;
	v30 =	vadd.s32 v26, v27  }
0x177: {  	v31 =	vld [tilespmem:$0x4E0];
	[tilespmem:$0xB50] =	vst v57;
	v39 =	vadd.s32 v36, v37;
	v45 =	vshll.u32 v47, $0x8;
	v53 =	vshll.u32 v28, $0x8  }
0x178: {  	v38 =	vld [tilespmem:$0x170];
	[tilespmem:$0xB60] =	vst v29;
	v2 =	vadd.s32 v2, v4;
	v3 =	vadd.s32 v12, v30;
	v32 =	vshll.u32 v8, $0x8  }
0x179: {  	v44 =	vld [tilespmem:$0x180];
	v0 =	vadd.s32 v19, v39;
	v46 =	vshll.u32 v50, $0x4;
	v58 =	vshll.u32 v42, $0x4;
	[tilespmem:$0xB70] =	vst v2  }
0x17a: {  	v47 =	vld [tilespmem:$0x500];
	v35 =	vadd.s32 v32, v33;
	[tilespmem:$0xB80] =	vst v3;
	v48 =	vadd.s32 v45, v46;
	v49 =	vshll.u32 v56, $0x8  }
0x17b: {  	v51 =	vld [tilespmem:$0x870];
	[tilespmem:$0xBA0] =	vst v0;
	v40 =	vshll.u32 v20, $0x8;
	v1 =	vadd.s32 v15, v35;
	v50 =	vshll.u32 v60, $0x4  }
0x17c: {  	v54 =	vld [tilespmem:$0x880];
	v4 =	vshll.u32 v31, $0x4;
	v43 =	vadd.s32 v40, v41;
	[tilespmem:$0xB90] =	vst v1;
	v1 =	vadd.s32 v24, v48  }
0x17d: {  	p0 =	sne.s32 s14, $0x0;
	v57 =	vshll.u32 v38, $0x8;
	v52 =	vadd.s32 v49, v50;
	v2 =	vadd.s32 v14, v43;
	[tilespmem:$0xBC0] =	vst v1  }
.Ltmp4:
0x17e: {  	v60 =	vshll.u32 v44, $0x8;
	v55 =	vadd.s32 v53, v4;
	v0 =	vadd.s32 v63, v52;
	[tilespmem:$0xBB0] =	vst v2;
	(pc) =	sbr.rel @!p0 .LBB2_3-.Ltmp4, $4  }
0x17f: {  	v59 =	vadd.s32 v57, v58;
	v56 =	vadd.s32 v34, v55;
	v61 =	vshll.u32 v47, $0x4;
	[tilespmem:$0xBD0] =	vst v0  }
0x180: {  	[tilespmem:$0xBE0] =	vst v56;
	v0 =	vadd.s32 v51, v59;
	v62 =	vadd.s32 v60, v61  }
0x181: {  	[tilespmem:$0xBF0] =	vst v0;
	v63 =	vadd.s32 v54, v62  }
0x182: {  	[tilespmem:$0xC00] =	vst v63  }
0x183: {  	_ =	swait.ge [sflag:s0], $0x1900  }
0x184: {  	[sflag:s0] =	ssyncset.done $0x0  }
0x185: {  	[sflag:s0] =	ssyncadd.s32 $0xFFFFE700  }
0x186: {  	_ =	swait.ge [sflag:s0], $0x1900  }
0x187: {  	[sflag:s0] =	ssyncset.done $0x0  }
0x188: {  	[sflag:s0] =	ssyncadd.s32 $0xFFFFE700  }
0x189: {  	_ =	swait.ge [sflag:s0], $0x1900  }
0x18a: {  	[sflag:s0] =	ssyncset.done $0x0  }
0x18b: {  	[sflag:s0] =	ssyncadd.s32 $0xFFFFE700  }
0x18c: {  	_ =	swait.ge [sflag:s0], $0x1900  }
0x18d: {  	[sflag:s0] =	ssyncset.done $0x0  }
0x18e: {  	[sflag:s0] =	ssyncadd.s32 $0xFFFFE700  }
0x18f: {  	_ =	swait.ge [sflag:s0], $0x1900  }
0x190: {  	[sflag:s0] =	ssyncset.done $0x0  }
0x191: {  	[sflag:s0] =	ssyncadd.s32 $0xFFFFE700  }
0x192: {  	_ =	swait.ge [sflag:s0], $0x1900  }
0x193: {  	[sflag:s0] =	ssyncset.done $0x0  }
0x194: {  	[sflag:s0] =	ssyncadd.s32 $0xFFFFE700  }
0x195: {  	_ =	swait.ge [sflag:s0], $0x1900  }
0x196: {  	[sflag:s0] =	ssyncset.done $0x0  }
0x197: {  	[sflag:s0] =	ssyncadd.s32 $0xFFFFE700  }
0x198: {  	_ =	swait.ge [sflag:s0], $0x1900  }
0x199: {  	[sflag:s0] =	ssyncset.done $0x0  }
0x19a: {  	s15 =	simm.s32 $0xA80;
	[sflag:s0] =	ssyncadd.s32 $0xFFFFE700  }
0x19b: {  	[tilespmem:s12], [sflag:$0x3] =	stream.indirect.gather [hbm4b:s3+s10], $0x80, s15, s10, $0xb8;
	[tilespmem:$0x19E00] =	vst v63  }
0x19c: {  	s19 =	simm.s32 $0xB00;
	s16 =	simm.s32 $0x4E00  }
0x19d: {  	[tilespmem:s16], [sflag:$0x3] =	stream.indirect.gather [hbm4b:s3+s10], $0x80, s19, s10, $0xb8;
	[tilespmem:$0x19E00] =	vst v63  }
0x19e: {  	s16 =	simm.s32 $0xB80;
	s19 =	simm.s32 $0x8E00  }
0x19f: {  	[tilespmem:s19], [sflag:$0x3] =	stream.indirect.gather [hbm4b:s3+s10], $0x80, s16, s10, $0xb8;
	[tilespmem:$0x19E00] =	vst v63  }
0x1a0: {  	s16 =	simm.s32 $0xC00;
	s19 =	simm.s32 $0xCE00  }
0x1a1: {  	[tilespmem:s19], [sflag:$0x3] =	stream.indirect.gather [hbm4b:s3+s17], $0x80, s16, s17, $0xb8;
	[tilespmem:$0x19E00] =	vst v63  }
0x1a2: {  	_ =	swait.ge [sflag:s31], $0x4000  }
0x1a3: {  	[sflag:s31] =	ssyncset.done $0x0  }
0x1a4: {  	[sflag:s31] =	ssyncadd.s32 $0xFFFFC000  }
0x1a5: {  	_ =	swait.ge [sflag:s31], $0x4000  }
0x1a6: {  	[sflag:s31] =	ssyncset.done $0x0  }
0x1a7: {  	[sflag:s31] =	ssyncadd.s32 $0xFFFFC000  }
0x1a8: {  	_ =	swait.ge [sflag:s31], $0x4000  }
0x1a9: {  	[sflag:s31] =	ssyncset.done $0x0  }
0x1aa: {  	[sflag:s31] =	ssyncadd.s32 $0xFFFFC000  }
0x1ab: {  	_ =	swait.ge [sflag:s31], $0x800  }
0x1ac: {  	s15 =	sadd.s32 s14, s18;
	[sflag:s31] =	ssyncset.done $0x0  }
0x1ad: {  	s19 =	sadd.s32 $0xFFFFE400, s15;
	[sflag:s31] =	ssyncadd.s32 $0xFFFFF800  }
0x1ae: {  	[hbm4b:s19+s4] =	stream.linear.scatter [tilespmem:s23], [sflag:$0x6], $0x1900, $0x38;
	[tilespmem:$0x19E00] =	vst v63  }
0x1af: {  	s15 =	sadd.s32 $0xFFFFE780, s15;
	s16 =	sadd.s32 $0xFFFFAC00, s11;
	s19 =	simm.s32 $0xEF00  }
0x1b0: {  	[hbm4b:s15+s4] =	stream.linear.scatter [tilespmem:s19], [sflag:$0x6], $0x1900, $0x38;
	[tilespmem:$0x19E00] =	vst v63  }
0x1b1: {  	s15 =	sshrl.u32 s16, $0x3  }
0x1b2: {  	s19 =	simm.s32 $0x10800;
	s16 =	sadd.s32 $0xFFFFC800, s11;
	s15 =	sadd.s32 s7, s15  }
0x1b3: {  	[hbm4b:s15+s4] =	stream.linear.scatter [tilespmem:s19], [sflag:$0x6], $0x1900, $0x38;
	[tilespmem:$0x19E00] =	vst v63  }
0x1b4: {  	s15 =	sshrl.u32 s16, $0x3  }
0x1b5: {  	s19 =	simm.s32 $0x12100;
	s16 =	sadd.s32 $0xFFFFE400, s11;
	s15 =	sadd.s32 s7, s15  }
0x1b6: {  	[hbm4b:s15+s4] =	stream.linear.scatter [tilespmem:s19], [sflag:$0x6], $0x1900, $0x38;
	[tilespmem:$0x19E00] =	vst v63  }
0x1b7: {  	s15 =	sshrl.u32 s16, $0x3  }
0x1b8: {  	s19 =	simm.s32 $0x13A00;
	s16 =	sshrl.u32 s11, $0x3;
	s15 =	sadd.s32 s7, s15  }
0x1b9: {  	[hbm4b:s15+s4] =	stream.linear.scatter [tilespmem:s19], [sflag:$0x6], $0x1900, $0x38;
	[tilespmem:$0x19E00] =	vst v63  }
0x1ba: {  	s15 =	sadd.s32 s7, s16;
	s19 =	simm.s32 $0x15300;
	s16 =	sadd.s32 $0x1C00, s11  }
0x1bb: {  	[hbm4b:s15+s4] =	stream.linear.scatter [tilespmem:s19], [sflag:$0x6], $0x1900, $0x38;
	[tilespmem:$0x19E00] =	vst v63  }
0x1bc: {  	s15 =	sshrl.u32 s16, $0x3  }
0x1bd: {  	p1 =	seq.s32 s14, $0x6C800;
	s19 =	simm.s32 $0x16C00;
	s15 =	sadd.s32 s7, s15  }
0x1be: {  	[hbm4b:s15+s4] =	stream.linear.scatter [tilespmem:s19], [sflag:$0x6], $0x1900, $0x38;
	[tilespmem:$0x19E00] =	vst v63  }
.Ltmp5:
0x1bf: {  	_ = 	snop;
	(pc) =	sbr.rel @p1 .LBB2_6-.Ltmp5, $4  }
.Ltmp6:
0x1c0: {  	s16 =	sadd.s32 $0x3800, s11;
	(pc) =	sbr.rel @!p1 .LBB2_5-.Ltmp6, $4  }
0x1c1: {  	s15 =	sshrl.u32 s16, $0x3  }
0x1c2: {  	p0 =	por $0x1, $0x1;
	s19 =	simm.s32 $0x18500;
	s15 =	sadd.s32 s7, s15  }
0x1c3: {  	[hbm4b:s15+s4] =	stream.linear.scatter [tilespmem:s19], [sflag:$0x6], $0x1900, $0x38;
	[tilespmem:$0x19E00] =	vst v63  }
0x1c4: {  	_ = 	snop  }
.LBB2_8:
0x1c5: {  	_ =	sfence.sel $0x180000  }
0x1c6: {  	[bflag:$0x0] =	sbarrier.arrive $0xFFFF  }
0x1c7: {  	_ =	strace $0x90000047  }
0x1c8: {  	s0 =	stileid.u32;
	[bflag:$0x2] =	sbarrier.arrive $0xFFFF  }
0x1c9: {  	p0 =	sne.s32 s0, $0x0;
	s0 =	rddreg [dreg:$0x3]  }
0x1ca: {  	s0 =	sadd.s32 @!p0 $0x100000, s0  }
0x1cb: {  	[sflag:s0] =	ssyncadd.tile.s32 @!p0 $0x1;
	_ =	shalt  }
.Lfunc_end2:
_tile_overlayer_lowered:
.L_overlay_start_2:
0x1cc: {  	(tag) =	ssettag $0x2  }
0x1cd: {  	s0 =	rddreg [dreg:$0x0];
	s2 =	stileid.u32  }
0x1ce: {  	s1 =	rddreg [dreg:$0x1];
	p0 =	sne.s32 s2, $0x0  }
0x1cf: {  	s3 =	rddreg [dreg:$0x2];
	[bflag:$0x3] =	sbarrier.arrive $0xFFFF;
	s2 =	simm.s32 @!p0 $0x1C07  }
0x1d0: {  	[timem:s3], [sflag:s2] =	dma.local @!p0 [hbm:s0], s1  }
0x1d1: {  	s0 =	simm.s32 @!p0 $0x7  }
0x1d2: {  	_ =	swait.ge @!p0 [sflag:s0], s1  }
0x1d3: {  	s1 =	ssub.s32 @!p0 $0x0, s1;
	[sflag:s0] =	ssyncset.done @!p0 $0x0  }
0x1d4: {  	[sflag:s0] =	ssyncadd.s32 @!p0 s1  }
0x1d5: {  	[bflag:$0x3] =	sbarrier.arrive $0xFFFF  }
0x1d6: {  	_ =	shalt  }

</sc_bundles>
